<compile_context>
chip_gen: v7x
topology: tpu7x:2x2x1
jax: 0.10.2.dev20260603
libtpu: 0.0.44.dev20260713+nightly
codegen_flags: <defaults>
</compile_context>

<pallas_src>
import functools

import jax
import jax.numpy as jnp
from jax import lax
from jax.experimental import pallas as pl
from jax.experimental.pallas import tpu as pltpu
from jax.experimental.pallas import tpu_sc as plsc

_NC = 2
_NS = 16
_SEG = 2


@functools.lru_cache(maxsize=None)
def _make_gather(n_idx, row_w, n_chunks):
    nw = _NC * _NS
    per_w = n_idx // nw
    ch = per_w // n_chunks
    assert per_w % n_chunks == 0 and ch % 8 == 0

    mesh = plsc.VectorSubcoreMesh(
        core_axis_name="c", subcore_axis_name="s",
        num_cores=_NC, num_subcores=_NS)

    @functools.partial(
        pl.kernel,
        out_type=jax.ShapeDtypeStruct((n_idx, row_w), jnp.float32),
        mesh=mesh,
        scratch_types=[
            pltpu.VMEM((2, ch), jnp.int32),
            pltpu.VMEM((2, ch, row_w), jnp.float32),
            pltpu.SemaphoreType.DMA((2,)),
            pltpu.SemaphoreType.DMA((2,)),
        ],
        compiler_params=pltpu.CompilerParams(use_tc_tiling_on_sc=False),
    )
    def gather_k(tab_hbm, idx_hbm, out_hbm, idx_v, rows_v, gsem, wsem):
        wid = lax.axis_index("s") * _NC + lax.axis_index("c")
        base = wid * per_w

        def start_gather(c, b):
            pltpu.sync_copy(idx_hbm.at[pl.ds(base + c * ch, ch)], idx_v.at[b])
            return pltpu.async_copy(
                tab_hbm.at[idx_v.at[b]], rows_v.at[b], gsem.at[b])

        gathers = {0: start_gather(0, 0)}
        writes = {}
        for c in range(n_chunks):
            b = c % 2
            if c + 1 < n_chunks:
                if c - 1 >= 0:
                    writes[c - 1].wait()
                gathers[c + 1] = start_gather(c + 1, (c + 1) % 2)
            gathers[c].wait()
            writes[c] = pltpu.async_copy(
                rows_v.at[b], out_hbm.at[pl.ds(base + c * ch, ch)],
                wsem.at[b])
        writes[n_chunks - 2].wait()
        writes[n_chunks - 1].wait()

    return gather_k


def _mlp_body(x_ref, wcat_ref, b1_ref, w2_ref, b2_ref, w3_ref, b3_ref, o_ref):
    x = x_ref[...]
    y = jnp.dot(x, wcat_ref[...], preferred_element_type=jnp.float32)
    h1 = jnp.maximum(y[:, :-1] + b1_ref[...], 0.0)
    s = y[:, -1:]
    h2 = jnp.maximum(
        jnp.dot(h1, w2_ref[...], preferred_element_type=jnp.float32)
        + b2_ref[...], 0.0)
    o_ref[...] = (
        jnp.dot(h2, w3_ref[...], preferred_element_type=jnp.float32)
        + b3_ref[...] + s)


def kernel(fids_batch, emb_w, emb_b, W1, b1, W2, b2, W3, b3):
    B, F = fids_batch.shape
    V, D = emb_w.shape
    H1, IN = W1.shape
    H2 = W2.shape[0]
    RW = 8
    N = B * F

    tab = jnp.concatenate(
        [emb_w, emb_b[:, None], jnp.zeros((V, RW - D - 1), jnp.float32)],
        axis=1)

    W1r = W1.T.reshape(F, D, H1)
    W1p = jnp.concatenate(
        [W1r, jnp.zeros((F, RW - D, H1), jnp.float32)],
        axis=1).reshape(F * RW, H1)
    mcol = jnp.tile(
        jnp.array([0.0] * D + [1.0] + [0.0] * (RW - D - 1),
                  jnp.float32), F)[:, None]
    Wcat = jnp.concatenate([W1p, mcol], axis=1)

    BM = 1024
    Bs = B // _SEG
    Ns = N // _SEG
    outs = []
    for s in range(_SEG):
        fids_s = fids_batch[s * Bs:(s + 1) * Bs].reshape(Ns)
        gathered = _make_gather(Ns, RW, 8)(tab, fids_s)
        X = gathered.reshape(Bs, F * RW)
        out2 = pl.pallas_call(
            _mlp_body,
            grid=(Bs // BM,),
            in_specs=[
                pl.BlockSpec((BM, F * RW), lambda i: (i, 0)),
                pl.BlockSpec((F * RW, H1 + 1), lambda i: (0, 0)),
                pl.BlockSpec((1, H1), lambda i: (0, 0)),
                pl.BlockSpec((H1, H2), lambda i: (0, 0)),
                pl.BlockSpec((1, H2), lambda i: (0, 0)),
                pl.BlockSpec((H2, 1), lambda i: (0, 0)),
                pl.BlockSpec((1, 1), lambda i: (0, 0)),
            ],
            out_specs=pl.BlockSpec((BM, 1), lambda i: (i, 0)),
            out_shape=jax.ShapeDtypeStruct((Bs, 1), jnp.float32),
        )(X, Wcat, b1[None, :], W2.T, b2[None, :], W3.T, b3[None, :])
        outs.append(lax.squeeze(out2, (1,)))

    return jnp.concatenate(outs)

# --- scband reference (transcript-rebuilt; emitter-appended) ---
"""Pipeline reference for scband-dnnmodel-9079560863879 (READ-ONLY COPY).

The authoritative reference and input builder live on the scoring server;
editing this copy changes nothing except your own understanding.
"""

import jax, jax.numpy as jnp
import numpy as np

B, F, V, D = 16384, 66, 100000, 4
IN_DIM = F * D  # 264
H1, H2 = 16, 8


def setup_inputs(seed: int = 0) -> dict:
    key = jax.random.key(seed)
    ks = jax.random.split(key, 10)
    fids_batch = jax.random.randint(ks[0], (B, F), 0, V, dtype=jnp.int64 if jax.config.jax_enable_x64 else jnp.int32).astype(jnp.int32)
    emb_w = jax.random.normal(ks[1], (V, D), dtype=jnp.float32) * 0.01
    emb_b = jax.random.normal(ks[2], (V,), dtype=jnp.float32) * 0.01
    def lin_init(k, out_d, in_d):
        k1, k2 = jax.random.split(k)
        bound = 1.0 / np.sqrt(in_d)
        W = jax.random.uniform(k1, (out_d, in_d), jnp.float32, -bound, bound)
        b = jax.random.uniform(k2, (out_d,), jnp.float32, -bound, bound)
        return W, b
    W1, b1 = lin_init(ks[3], H1, IN_DIM)
    W2, b2 = lin_init(ks[4], H2, H1)
    W3, b3 = lin_init(ks[5], 1, H2)
    return {"fids_batch": fids_batch, "emb_w": emb_w, "emb_b": emb_b,
            "W1": W1, "b1": b1, "W2": W2, "b2": b2, "W3": W3, "b3": b3}


def reference(fids_batch, emb_w, emb_b, W1, b1, W2, b2, W3, b3):
    # per-fid embedding gather (w vector + scalar bias), concat per sample
    gathered = jnp.take(emb_w, fids_batch, axis=0)          # [B, F, D]
    embeddings = gathered.reshape(fids_batch.shape[0], -1)  # [B, 264]
    bias_sum = jnp.sum(jnp.take(emb_b, fids_batch, axis=0), axis=1)  # [B]
    h = jax.nn.relu(embeddings @ W1.T + b1)
    h = jax.nn.relu(h @ W2.T + b2)
    nn_out = (h @ W3.T + b3).squeeze(-1)                     # [B]
    prediction = nn_out + bias_sum
    return prediction

if __name__ == "__main__":
    import jax
    _d = setup_inputs()
    print(jax.jit(kernel)(*tuple(_d.values())))

</pallas_src>

<mosaic_0001>
#map = affine_map<(d0, d1) -> (0, 0)>
#map1 = affine_map<(d0, d1) -> (0)>
module attributes {stable_mosaic.version = 14 : i64} {
  func.func @gather_k(%arg0: i32, %arg1: i32, %arg2: memref<100000x8xf32, #tpu.memory_space<hbm>>, %arg3: memref<540672xi32, #tpu.memory_space<hbm>>, %arg4: memref<540672x8xf32, #tpu.memory_space<hbm>>, %arg5: memref<2x2112xi32, #tpu.memory_space<vmem>>, %arg6: memref<2x2112x8xf32, #tpu.memory_space<vmem>>, %arg7: memref<2x!tpu.dma_semaphore, #tpu.memory_space<semaphore_mem>>, %arg8: memref<2x!tpu.dma_semaphore, #tpu.memory_space<semaphore_mem>>) attributes {dimension_semantics = [#tpu.dimension_semantics<core_parallel>, #tpu.dimension_semantics<subcore_parallel>], iteration_bounds = array<i64: 2, 16>, scalar_prefetch = 0 : i64, scratch_operands = 4 : i64, tpu.core_type = #tpu.core_type<sc_vector_subcore>, window_params = [{transform_indices = #map}, {transform_indices = #map1}, {transform_indices = #map}]} {
    %mul3A = arith.constant 2 : i32
    %mul3A_0 = arith.muli %arg1, %mul3A : i32
    %add3A = arith.addi %mul3A_0, %arg0 : i32
    %mul3A_1 = arith.constant 16896 : i32
    %mul3A_2 = arith.muli %add3A, %mul3A_1 : i32
    %add3A_3 = arith.constant 0 : i32
    %add3A_4 = arith.addi %mul3A_2, %add3A_3 : i32
    %run_scoped3A = arith.constant 0 : i32
    "tpu.region"() ({
      %run_scoped3A_536 = tpu.sem_alloc : memref<!tpu.dma_semaphore, #tpu.memory_space<semaphore_mem>>
      %dma_start3A_537 = arith.constant 0 : i32
      %dma_start3A_538 = tpu.memref_slice %arg5[%run_scoped3A, %dma_start3A_537] : memref<2x2112xi32, #tpu.memory_space<vmem>> -> memref<1x2112xi32, #tpu.memory_space<vmem>>
      %dma_start3A_539 = tpu.memref_squeeze %dma_start3A_538 : memref<1x2112xi32, #tpu.memory_space<vmem>> -> memref<2112xi32, #tpu.memory_space<vmem>>
      %dma_start3A_540 = tpu.memref_slice %arg3[%add3A_4] : memref<540672xi32, #tpu.memory_space<hbm>> -> memref<2112xi32, #tpu.memory_space<hbm>>
      %dma_start3A_541 = arith.constant 0 : i32
      %dma_start3A_542 = tpu.memref_slice %arg5[%run_scoped3A, %dma_start3A_541] : memref<2x2112xi32, #tpu.memory_space<vmem>> -> memref<1x2112xi32, #tpu.memory_space<vmem>>
      %dma_start3A_543 = tpu.memref_squeeze %dma_start3A_542 : memref<1x2112xi32, #tpu.memory_space<vmem>> -> memref<2112xi32, #tpu.memory_space<vmem>>
      %dma_start3A_544 = tpu.memref_slice %arg3[%add3A_4] : memref<540672xi32, #tpu.memory_space<hbm>> -> memref<2112xi32, #tpu.memory_space<hbm>>
      tpu.enqueue_dma source(%dma_start3A_544 : memref<2112xi32, #tpu.memory_space<hbm>>) target(%dma_start3A_543 : memref<2112xi32, #tpu.memory_space<vmem>>) target_semaphore(%run_scoped3A_536 : memref<!tpu.dma_semaphore, #tpu.memory_space<semaphore_mem>>)
      %dma_wait3A_545 = arith.constant 0 : i32
      %dma_wait3A_546 = tpu.memref_slice %arg5[%run_scoped3A, %dma_wait3A_545] : memref<2x2112xi32, #tpu.memory_space<vmem>> -> memref<1x2112xi32, #tpu.memory_space<vmem>>
      %dma_wait3A_547 = tpu.memref_squeeze %dma_wait3A_546 : memref<1x2112xi32, #tpu.memory_space<vmem>> -> memref<2112xi32, #tpu.memory_space<vmem>>
      %dma_wait3A_548 = tpu.memref_slice %arg3[%add3A_4] : memref<540672xi32, #tpu.memory_space<hbm>> -> memref<2112xi32, #tpu.memory_space<hbm>>
      %dma_wait3A_549 = arith.constant 0 : i32
      %dma_wait3A_550 = tpu.memref_slice %arg5[%run_scoped3A, %dma_wait3A_549] : memref<2x2112xi32, #tpu.memory_space<vmem>> -> memref<1x2112xi32, #tpu.memory_space<vmem>>
      %dma_wait3A_551 = tpu.memref_squeeze %dma_wait3A_550 : memref<1x2112xi32, #tpu.memory_space<vmem>> -> memref<2112xi32, #tpu.memory_space<vmem>>
      %dma_wait3A_552 = tpu.memref_slice %arg3[%add3A_4] : memref<540672xi32, #tpu.memory_space<hbm>> -> memref<2112xi32, #tpu.memory_space<hbm>>
      tpu.wait_dma2 semaphore(%run_scoped3A_536 : memref<!tpu.dma_semaphore, #tpu.memory_space<semaphore_mem>>) src(%dma_wait3A_552 : memref<2112xi32, #tpu.memory_space<hbm>>) dst(%dma_wait3A_551 : memref<2112xi32, #tpu.memory_space<vmem>>)
      tpu.yield
    }) : () -> ()
    %dma_start3A = arith.constant 0 : i32
    %dma_start3A_5 = arith.constant 0 : i32
    %dma_start3A_6 = arith.constant 0 : i32
    %dma_start3A_7 = arith.constant 0 : i32
    %dma_start3A_8 = arith.constant 0 : i32
    %dma_start3A_9 = tpu.memref_slice %arg6[%dma_start3A_5, %dma_start3A_7, %dma_start3A_8] : memref<2x2112x8xf32, #tpu.memory_space<vmem>> -> memref<1x2112x8xf32, #tpu.memory_space<vmem>>
    %dma_start3A_10 = tpu.memref_squeeze %dma_start3A_9 : memref<1x2112x8xf32, #tpu.memory_space<vmem>> -> memref<2112x8xf32, #tpu.memory_space<vmem>>
    %dma_start3A_11 = arith.constant 0 : i32
    %dma_start3A_12 = tpu.memref_slice %arg5[%dma_start3A, %dma_start3A_11] : memref<2x2112xi32, #tpu.memory_space<vmem>> -> memref<1x2112xi32, #tpu.memory_space<vmem>>
    %dma_start3A_13 = tpu.memref_squeeze %dma_start3A_12 : memref<1x2112xi32, #tpu.memory_space<vmem>> -> memref<2112xi32, #tpu.memory_space<vmem>>
    %dma_start3A_14 = arith.constant 0 : i32
    %dma_start3A_15 = arith.constant 0 : i32
    %dma_start3A_16 = tpu.memref_slice %arg2[%dma_start3A_14, %dma_start3A_15] : memref<100000x8xf32, #tpu.memory_space<hbm>> -> memref<100000x8xf32, #tpu.memory_space<hbm>>
    %dma_start3A_17 = tpu.memref_slice %arg7[%dma_start3A_6] : memref<2x!tpu.dma_semaphore, #tpu.memory_space<semaphore_mem>> -> memref<1x!tpu.dma_semaphore, #tpu.memory_space<semaphore_mem>>
    %dma_start3A_18 = tpu.memref_squeeze %dma_start3A_17 : memref<1x!tpu.dma_semaphore, #tpu.memory_space<semaphore_mem>> -> memref<!tpu.dma_semaphore, #tpu.memory_space<semaphore_mem>>
    tpu.enqueue_indirect_dma source(%dma_start3A_16 : memref<100000x8xf32, #tpu.memory_space<hbm>>) target(%dma_start3A_10 : memref<2112x8xf32, #tpu.memory_space<vmem>>) offsets(%dma_start3A_13 : memref<2112xi32, #tpu.memory_space<vmem>>) semaphore(%dma_start3A_18 : memref<!tpu.dma_semaphore, #tpu.memory_space<semaphore_mem>>)
    %add3A_19 = arith.constant 2112 : i32
    %add3A_20 = arith.addi %mul3A_2, %add3A_19 : i32
    %run_scoped3A_21 = arith.constant 1 : i32
    "tpu.region"() ({
      %run_scoped3A_536 = tpu.sem_alloc : memref<!tpu.dma_semaphore, #tpu.memory_space<semaphore_mem>>
      %dma_start3A_537 = arith.constant 0 : i32
      %dma_start3A_538 = tpu.memref_slice %arg5[%run_scoped3A_21, %dma_start3A_537] : memref<2x2112xi32, #tpu.memory_space<vmem>> -> memref<1x2112xi32, #tpu.memory_space<vmem>>
      %dma_start3A_539 = tpu.memref_squeeze %dma_start3A_538 : memref<1x2112xi32, #tpu.memory_space<vmem>> -> memref<2112xi32, #tpu.memory_space<vmem>>
      %dma_start3A_540 = tpu.memref_slice %arg3[%add3A_20] : memref<540672xi32, #tpu.memory_space<hbm>> -> memref<2112xi32, #tpu.memory_space<hbm>>
      %dma_start3A_541 = arith.constant 0 : i32
      %dma_start3A_542 = tpu.memref_slice %arg5[%run_scoped3A_21, %dma_start3A_541] : memref<2x2112xi32, #tpu.memory_space<vmem>> -> memref<1x2112xi32, #tpu.memory_space<vmem>>
      %dma_start3A_543 = tpu.memref_squeeze %dma_start3A_542 : memref<1x2112xi32, #tpu.memory_space<vmem>> -> memref<2112xi32, #tpu.memory_space<vmem>>
      %dma_start3A_544 = tpu.memref_slice %arg3[%add3A_20] : memref<540672xi32, #tpu.memory_space<hbm>> -> memref<2112xi32, #tpu.memory_space<hbm>>
      tpu.enqueue_dma source(%dma_start3A_544 : memref<2112xi32, #tpu.memory_space<hbm>>) target(%dma_start3A_543 : memref<2112xi32, #tpu.memory_space<vmem>>) target_semaphore(%run_scoped3A_536 : memref<!tpu.dma_semaphore, #tpu.memory_space<semaphore_mem>>)
      %dma_wait3A_545 = arith.constant 0 : i32
      %dma_wait3A_546 = tpu.memref_slice %arg5[%run_scoped3A_21, %dma_wait3A_545] : memref<2x2112xi32, #tpu.memory_space<vmem>> -> memref<1x2112xi32, #tpu.memory_space<vmem>>
      %dma_wait3A_547 = tpu.memref_squeeze %dma_wait3A_546 : memref<1x2112xi32, #tpu.memory_space<vmem>> -> memref<2112xi32, #tpu.memory_space<vmem>>
      %dma_wait3A_548 = tpu.memref_slice %arg3[%add3A_20] : memref<540672xi32, #tpu.memory_space<hbm>> -> memref<2112xi32, #tpu.memory_space<hbm>>
      %dma_wait3A_549 = arith.constant 0 : i32
      %dma_wait3A_550 = tpu.memref_slice %arg5[%run_scoped3A_21, %dma_wait3A_549] : memref<2x2112xi32, #tpu.memory_space<vmem>> -> memref<1x2112xi32, #tpu.memory_space<vmem>>
      %dma_wait3A_551 = tpu.memref_squeeze %dma_wait3A_550 : memref<1x2112xi32, #tpu.memory_space<vmem>> -> memref<2112xi32, #tpu.memory_space<vmem>>
      %dma_wait3A_552 = tpu.memref_slice %arg3[%add3A_20] : memref<540672xi32, #tpu.memory_space<hbm>> -> memref<2112xi32, #tpu.memory_space<hbm>>
      tpu.wait_dma2 semaphore(%run_scoped3A_536 : memref<!tpu.dma_semaphore, #tpu.memory_space<semaphore_mem>>) src(%dma_wait3A_552 : memref<2112xi32, #tpu.memory_space<hbm>>) dst(%dma_wait3A_551 : memref<2112xi32, #tpu.memory_space<vmem>>)
      tpu.yield
    }) : () -> ()
    %dma_start3A_22 = arith.constant 1 : i32
    %dma_start3A_23 = arith.constant 1 : i32
    %dma_start3A_24 = arith.constant 1 : i32
    %dma_start3A_25 = arith.constant 0 : i32
    %dma_start3A_26 = arith.constant 0 : i32
    %dma_start3A_27 = tpu.memref_slice %arg6[%dma_start3A_23, %dma_start3A_25, %dma_start3A_26] : memref<2x2112x8xf32, #tpu.memory_space<vmem>> -> memref<1x2112x8xf32, #tpu.memory_space<vmem>>
    %dma_start3A_28 = tpu.memref_squeeze %dma_start3A_27 : memref<1x2112x8xf32, #tpu.memory_space<vmem>> -> memref<2112x8xf32, #tpu.memory_space<vmem>>
    %dma_start3A_29 = arith.constant 0 : i32
    %dma_start3A_30 = tpu.memref_slice %arg5[%dma_start3A_22, %dma_start3A_29] : memref<2x2112xi32, #tpu.memory_space<vmem>> -> memref<1x2112xi32, #tpu.memory_space<vmem>>
    %dma_start3A_31 = tpu.memref_squeeze %dma_start3A_30 : memref<1x2112xi32, #tpu.memory_space<vmem>> -> memref<2112xi32, #tpu.memory_space<vmem>>
    %dma_start3A_32 = arith.constant 0 : i32
    %dma_start3A_33 = arith.constant 0 : i32
    %dma_start3A_34 = tpu.memref_slice %arg2[%dma_start3A_32, %dma_start3A_33] : memref<100000x8xf32, #tpu.memory_space<hbm>> -> memref<100000x8xf32, #tpu.memory_space<hbm>>
    %dma_start3A_35 = tpu.memref_slice %arg7[%dma_start3A_24] : memref<2x!tpu.dma_semaphore, #tpu.memory_space<semaphore_mem>> -> memref<1x!tpu.dma_semaphore, #tpu.memory_space<semaphore_mem>>
    %dma_start3A_36 = tpu.memref_squeeze %dma_start3A_35 : memref<1x!tpu.dma_semaphore, #tpu.memory_space<semaphore_mem>> -> memref<!tpu.dma_semaphore, #tpu.memory_space<semaphore_mem>>
    tpu.enqueue_indirect_dma source(%dma_start3A_34 : memref<100000x8xf32, #tpu.memory_space<hbm>>) target(%dma_start3A_28 : memref<2112x8xf32, #tpu.memory_space<vmem>>) offsets(%dma_start3A_31 : memref<2112xi32, #tpu.memory_space<vmem>>) semaphore(%dma_start3A_36 : memref<!tpu.dma_semaphore, #tpu.memory_space<semaphore_mem>>)
    %dma_wait3A = arith.constant 0 : i32
    %dma_wait3A_37 = arith.constant 0 : i32
    %dma_wait3A_38 = arith.constant 0 : i32
    %dma_wait3A_39 = arith.constant 0 : i32
    %dma_wait3A_40 = arith.constant 0 : i32
    %dma_wait3A_41 = tpu.memref_slice %arg6[%dma_wait3A_37, %dma_wait3A_39, %dma_wait3A_40] : memref<2x2112x8xf32, #tpu.memory_space<vmem>> -> memref<1x2112x8xf32, #tpu.memory_space<vmem>>
    %dma_wait3A_42 = tpu.memref_squeeze %dma_wait3A_41 : memref<1x2112x8xf32, #tpu.memory_space<vmem>> -> memref<2112x8xf32, #tpu.memory_space<vmem>>
    %dma_wait3A_43 = arith.constant 0 : i32
    %dma_wait3A_44 = tpu.memref_slice %arg5[%dma_wait3A, %dma_wait3A_43] : memref<2x2112xi32, #tpu.memory_space<vmem>> -> memref<1x2112xi32, #tpu.memory_space<vmem>>
    %dma_wait3A_45 = tpu.memref_squeeze %dma_wait3A_44 : memref<1x2112xi32, #tpu.memory_space<vmem>> -> memref<2112xi32, #tpu.memory_space<vmem>>
    %dma_wait3A_46 = arith.constant 0 : i32
    %dma_wait3A_47 = arith.constant 0 : i32
    %dma_wait3A_48 = tpu.memref_slice %arg2[%dma_wait3A_46, %dma_wait3A_47] : memref<100000x8xf32, #tpu.memory_space<hbm>> -> memref<100000x8xf32, #tpu.memory_space<hbm>>
    %dma_wait3A_49 = tpu.memref_slice %arg7[%dma_wait3A_38] : memref<2x!tpu.dma_semaphore, #tpu.memory_space<semaphore_mem>> -> memref<1x!tpu.dma_semaphore, #tpu.memory_space<semaphore_mem>>
    %dma_wait3A_50 = tpu.memref_squeeze %dma_wait3A_49 : memref<1x!tpu.dma_semaphore, #tpu.memory_space<semaphore_mem>> -> memref<!tpu.dma_semaphore, #tpu.memory_space<semaphore_mem>>
    tpu.wait_indirect_dma semaphore(%dma_wait3A_50 : memref<!tpu.dma_semaphore, #tpu.memory_space<semaphore_mem>>) src(%dma_wait3A_48 : memref<100000x8xf32, #tpu.memory_space<hbm>>) dst(%dma_wait3A_42 : memref<2112x8xf32, #tpu.memory_space<vmem>>)
    %add3A_51 = arith.constant 0 : i32
    %add3A_52 = arith.addi %mul3A_2, %add3A_51 : i32
    %dma_start3A_53 = arith.constant 0 : i32
    %dma_start3A_54 = arith.constant 0 : i32
    %dma_start3A_55 = arith.constant 0 : i32
    %dma_start3A_56 = arith.constant 0 : i32
    %dma_start3A_57 = tpu.memref_slice %arg6[%dma_start3A_53, %dma_start3A_55, %dma_start3A_56] : memref<2x2112x8xf32, #tpu.memory_space<vmem>> -> memref<1x2112x8xf32, #tpu.memory_space<vmem>>
    %dma_start3A_58 = tpu.memref_squeeze %dma_start3A_57 : memref<1x2112x8xf32, #tpu.memory_space<vmem>> -> memref<2112x8xf32, #tpu.memory_space<vmem>>
    %dma_start3A_59 = arith.constant 0 : i32
    %dma_start3A_60 = tpu.memref_slice %arg4[%add3A_52, %dma_start3A_59] : memref<540672x8xf32, #tpu.memory_space<hbm>> -> memref<2112x8xf32, #tpu.memory_space<hbm>>
    %dma_start3A_61 = tpu.memref_slice %arg8[%dma_start3A_54] : memref<2x!tpu.dma_semaphore, #tpu.memory_space<semaphore_mem>> -> memref<1x!tpu.dma_semaphore, #tpu.memory_space<semaphore_mem>>
    %dma_start3A_62 = tpu.memref_squeeze %dma_start3A_61 : memref<1x!tpu.dma_semaphore, #tpu.memory_space<semaphore_mem>> -> memref<!tpu.dma_semaphore, #tpu.memory_space<semaphore_mem>>
    %dma_start3A_63 = arith.constant 0 : i32
    %dma_start3A_64 = tpu.memref_slice %arg4[%add3A_52, %dma_start3A_63] : memref<540672x8xf32, #tpu.memory_space<hbm>> -> memref<2112x8xf32, #tpu.memory_space<hbm>>
    %dma_start3A_65 = arith.constant 0 : i32
    %dma_start3A_66 = arith.constant 0 : i32
    %dma_start3A_67 = tpu.memref_slice %arg6[%dma_start3A_53, %dma_start3A_65, %dma_start3A_66] : memref<2x2112x8xf32, #tpu.memory_space<vmem>> -> memref<1x2112x8xf32, #tpu.memory_space<vmem>>
    %dma_start3A_68 = tpu.memref_squeeze %dma_start3A_67 : memref<1x2112x8xf32, #tpu.memory_space<vmem>> -> memref<2112x8xf32, #tpu.memory_space<vmem>>
    tpu.enqueue_dma source(%dma_start3A_68 : memref<2112x8xf32, #tpu.memory_space<vmem>>) target(%dma_start3A_64 : memref<2112x8xf32, #tpu.memory_space<hbm>>) target_semaphore(%dma_start3A_62 : memref<!tpu.dma_semaphore, #tpu.memory_space<semaphore_mem>>)
    %dma_wait3A_69 = arith.constant 0 : i32
    %dma_wait3A_70 = arith.constant 0 : i32
    %dma_wait3A_71 = arith.constant 0 : i32
    %dma_wait3A_72 = arith.constant 0 : i32
    %dma_wait3A_73 = tpu.memref_slice %arg6[%dma_wait3A_69, %dma_wait3A_71, %dma_wait3A_72] : memref<2x2112x8xf32, #tpu.memory_space<vmem>> -> memref<1x2112x8xf32, #tpu.memory_space<vmem>>
    %dma_wait3A_74 = tpu.memref_squeeze %dma_wait3A_73 : memref<1x2112x8xf32, #tpu.memory_space<vmem>> -> memref<2112x8xf32, #tpu.memory_space<vmem>>
    %dma_wait3A_75 = arith.constant 0 : i32
    %dma_wait3A_76 = tpu.memref_slice %arg4[%add3A_52, %dma_wait3A_75] : memref<540672x8xf32, #tpu.memory_space<hbm>> -> memref<2112x8xf32, #tpu.memory_space<hbm>>
    %dma_wait3A_77 = tpu.memref_slice %arg8[%dma_wait3A_70] : memref<2x!tpu.dma_semaphore, #tpu.memory_space<semaphore_mem>> -> memref<1x!tpu.dma_semaphore, #tpu.memory_space<semaphore_mem>>
    %dma_wait3A_78 = tpu.memref_squeeze %dma_wait3A_77 : memref<1x!tpu.dma_semaphore, #tpu.memory_space<semaphore_mem>> -> memref<!tpu.dma_semaphore, #tpu.memory_space<semaphore_mem>>
    %dma_wait3A_79 = arith.constant 0 : i32
    %dma_wait3A_80 = tpu.memref_slice %arg4[%add3A_52, %dma_wait3A_79] : memref<540672x8xf32, #tpu.memory_space<hbm>> -> memref<2112x8xf32, #tpu.memory_space<hbm>>
    %dma_wait3A_81 = arith.constant 0 : i32
    %dma_wait3A_82 = arith.constant 0 : i32
    %dma_wait3A_83 = tpu.memref_slice %arg6[%dma_wait3A_69, %dma_wait3A_81, %dma_wait3A_82] : memref<2x2112x8xf32, #tpu.memory_space<vmem>> -> memref<1x2112x8xf32, #tpu.memory_space<vmem>>
    %dma_wait3A_84 = tpu.memref_squeeze %dma_wait3A_83 : memref<1x2112x8xf32, #tpu.memory_space<vmem>> -> memref<2112x8xf32, #tpu.memory_space<vmem>>
    tpu.wait_dma2 semaphore(%dma_wait3A_78 : memref<!tpu.dma_semaphore, #tpu.memory_space<semaphore_mem>>) src(%dma_wait3A_84 : memref<2112x8xf32, #tpu.memory_space<vmem>>) dst(%dma_wait3A_80 : memref<2112x8xf32, #tpu.memory_space<hbm>>)
    %add3A_85 = arith.constant 4224 : i32
    %add3A_86 = arith.addi %mul3A_2, %add3A_85 : i32
    %run_scoped3A_87 = arith.constant 0 : i32
    "tpu.region"() ({
      %run_scoped3A_536 = tpu.sem_alloc : memref<!tpu.dma_semaphore, #tpu.memory_space<semaphore_mem>>
      %dma_start3A_537 = arith.constant 0 : i32
      %dma_start3A_538 = tpu.memref_slice %arg5[%run_scoped3A_87, %dma_start3A_537] : memref<2x2112xi32, #tpu.memory_space<vmem>> -> memref<1x2112xi32, #tpu.memory_space<vmem>>
      %dma_start3A_539 = tpu.memref_squeeze %dma_start3A_538 : memref<1x2112xi32, #tpu.memory_space<vmem>> -> memref<2112xi32, #tpu.memory_space<vmem>>
      %dma_start3A_540 = tpu.memref_slice %arg3[%add3A_86] : memref<540672xi32, #tpu.memory_space<hbm>> -> memref<2112xi32, #tpu.memory_space<hbm>>
      %dma_start3A_541 = arith.constant 0 : i32
      %dma_start3A_542 = tpu.memref_slice %arg5[%run_scoped3A_87, %dma_start3A_541] : memref<2x2112xi32, #tpu.memory_space<vmem>> -> memref<1x2112xi32, #tpu.memory_space<vmem>>
      %dma_start3A_543 = tpu.memref_squeeze %dma_start3A_542 : memref<1x2112xi32, #tpu.memory_space<vmem>> -> memref<2112xi32, #tpu.memory_space<vmem>>
      %dma_start3A_544 = tpu.memref_slice %arg3[%add3A_86] : memref<540672xi32, #tpu.memory_space<hbm>> -> memref<2112xi32, #tpu.memory_space<hbm>>
      tpu.enqueue_dma source(%dma_start3A_544 : memref<2112xi32, #tpu.memory_space<hbm>>) target(%dma_start3A_543 : memref<2112xi32, #tpu.memory_space<vmem>>) target_semaphore(%run_scoped3A_536 : memref<!tpu.dma_semaphore, #tpu.memory_space<semaphore_mem>>)
      %dma_wait3A_545 = arith.constant 0 : i32
      %dma_wait3A_546 = tpu.memref_slice %arg5[%run_scoped3A_87, %dma_wait3A_545] : memref<2x2112xi32, #tpu.memory_space<vmem>> -> memref<1x2112xi32, #tpu.memory_space<vmem>>
      %dma_wait3A_547 = tpu.memref_squeeze %dma_wait3A_546 : memref<1x2112xi32, #tpu.memory_space<vmem>> -> memref<2112xi32, #tpu.memory_space<vmem>>
      %dma_wait3A_548 = tpu.memref_slice %arg3[%add3A_86] : memref<540672xi32, #tpu.memory_space<hbm>> -> memref<2112xi32, #tpu.memory_space<hbm>>
      %dma_wait3A_549 = arith.constant 0 : i32
      %dma_wait3A_550 = tpu.memref_slice %arg5[%run_scoped3A_87, %dma_wait3A_549] : memref<2x2112xi32, #tpu.memory_space<vmem>> -> memref<1x2112xi32, #tpu.memory_space<vmem>>
      %dma_wait3A_551 = tpu.memref_squeeze %dma_wait3A_550 : memref<1x2112xi32, #tpu.memory_space<vmem>> -> memref<2112xi32, #tpu.memory_space<vmem>>
      %dma_wait3A_552 = tpu.memref_slice %arg3[%add3A_86] : memref<540672xi32, #tpu.memory_space<hbm>> -> memref<2112xi32, #tpu.memory_space<hbm>>
      tpu.wait_dma2 semaphore(%run_scoped3A_536 : memref<!tpu.dma_semaphore, #tpu.memory_space<semaphore_mem>>) src(%dma_wait3A_552 : memref<2112xi32, #tpu.memory_space<hbm>>) dst(%dma_wait3A_551 : memref<2112xi32, #tpu.memory_space<vmem>>)
      tpu.yield
    }) : () -> ()
    %dma_start3A_88 = arith.constant 0 : i32
    %dma_start3A_89 = arith.constant 0 : i32
    %dma_start3A_90 = arith.constant 0 : i32
    %dma_start3A_91 = arith.constant 0 : i32
    %dma_start3A_92 = arith.constant 0 : i32
    %dma_start3A_93 = tpu.memref_slice %arg6[%dma_start3A_89, %dma_start3A_91, %dma_start3A_92] : memref<2x2112x8xf32, #tpu.memory_space<vmem>> -> memref<1x2112x8xf32, #tpu.memory_space<vmem>>
    %dma_start3A_94 = tpu.memref_squeeze %dma_start3A_93 : memref<1x2112x8xf32, #tpu.memory_space<vmem>> -> memref<2112x8xf32, #tpu.memory_space<vmem>>
    %dma_start3A_95 = arith.constant 0 : i32
    %dma_start3A_96 = tpu.memref_slice %arg5[%dma_start3A_88, %dma_start3A_95] : memref<2x2112xi32, #tpu.memory_space<vmem>> -> memref<1x2112xi32, #tpu.memory_space<vmem>>
    %dma_start3A_97 = tpu.memref_squeeze %dma_start3A_96 : memref<1x2112xi32, #tpu.memory_space<vmem>> -> memref<2112xi32, #tpu.memory_space<vmem>>
    %dma_start3A_98 = arith.constant 0 : i32
    %dma_start3A_99 = arith.constant 0 : i32
    %dma_start3A_100 = tpu.memref_slice %arg2[%dma_start3A_98, %dma_start3A_99] : memref<100000x8xf32, #tpu.memory_space<hbm>> -> memref<100000x8xf32, #tpu.memory_space<hbm>>
    %dma_start3A_101 = tpu.memref_slice %arg7[%dma_start3A_90] : memref<2x!tpu.dma_semaphore, #tpu.memory_space<semaphore_mem>> -> memref<1x!tpu.dma_semaphore, #tpu.memory_space<semaphore_mem>>
    %dma_start3A_102 = tpu.memref_squeeze %dma_start3A_101 : memref<1x!tpu.dma_semaphore, #tpu.memory_space<semaphore_mem>> -> memref<!tpu.dma_semaphore, #tpu.memory_space<semaphore_mem>>
    tpu.enqueue_indirect_dma source(%dma_start3A_100 : memref<100000x8xf32, #tpu.memory_space<hbm>>) target(%dma_start3A_94 : memref<2112x8xf32, #tpu.memory_space<vmem>>) offsets(%dma_start3A_97 : memref<2112xi32, #tpu.memory_space<vmem>>) semaphore(%dma_start3A_102 : memref<!tpu.dma_semaphore, #tpu.memory_space<semaphore_mem>>)
    %dma_wait3A_103 = arith.constant 1 : i32
    %dma_wait3A_104 = arith.constant 1 : i32
    %dma_wait3A_105 = arith.constant 1 : i32
    %dma_wait3A_106 = arith.constant 0 : i32
    %dma_wait3A_107 = arith.constant 0 : i32
    %dma_wait3A_108 = tpu.memref_slice %arg6[%dma_wait3A_104, %dma_wait3A_106, %dma_wait3A_107] : memref<2x2112x8xf32, #tpu.memory_space<vmem>> -> memref<1x2112x8xf32, #tpu.memory_space<vmem>>
    %dma_wait3A_109 = tpu.memref_squeeze %dma_wait3A_108 : memref<1x2112x8xf32, #tpu.memory_space<vmem>> -> memref<2112x8xf32, #tpu.memory_space<vmem>>
    %dma_wait3A_110 = arith.constant 0 : i32
    %dma_wait3A_111 = tpu.memref_slice %arg5[%dma_wait3A_103, %dma_wait3A_110] : memref<2x2112xi32, #tpu.memory_space<vmem>> -> memref<1x2112xi32, #tpu.memory_space<vmem>>
    %dma_wait3A_112 = tpu.memref_squeeze %dma_wait3A_111 : memref<1x2112xi32, #tpu.memory_space<vmem>> -> memref<2112xi32, #tpu.memory_space<vmem>>
    %dma_wait3A_113 = arith.constant 0 : i32
    %dma_wait3A_114 = arith.constant 0 : i32
    %dma_wait3A_115 = tpu.memref_slice %arg2[%dma_wait3A_113, %dma_wait3A_114] : memref<100000x8xf32, #tpu.memory_space<hbm>> -> memref<100000x8xf32, #tpu.memory_space<hbm>>
    %dma_wait3A_116 = tpu.memref_slice %arg7[%dma_wait3A_105] : memref<2x!tpu.dma_semaphore, #tpu.memory_space<semaphore_mem>> -> memref<1x!tpu.dma_semaphore, #tpu.memory_space<semaphore_mem>>
    %dma_wait3A_117 = tpu.memref_squeeze %dma_wait3A_116 : memref<1x!tpu.dma_semaphore, #tpu.memory_space<semaphore_mem>> -> memref<!tpu.dma_semaphore, #tpu.memory_space<semaphore_mem>>
    tpu.wait_indirect_dma semaphore(%dma_wait3A_117 : memref<!tpu.dma_semaphore, #tpu.memory_space<semaphore_mem>>) src(%dma_wait3A_115 : memref<100000x8xf32, #tpu.memory_space<hbm>>) dst(%dma_wait3A_109 : memref<2112x8xf32, #tpu.memory_space<vmem>>)
    %add3A_118 = arith.constant 2112 : i32
    %add3A_119 = arith.addi %mul3A_2, %add3A_118 : i32
    %dma_start3A_120 = arith.constant 1 : i32
    %dma_start3A_121 = arith.constant 1 : i32
    %dma_start3A_122 = arith.constant 0 : i32
    %dma_start3A_123 = arith.constant 0 : i32
    %dma_start3A_124 = tpu.memref_slice %arg6[%dma_start3A_120, %dma_start3A_122, %dma_start3A_123] : memref<2x2112x8xf32, #tpu.memory_space<vmem>> -> memref<1x2112x8xf32, #tpu.memory_space<vmem>>
    %dma_start3A_125 = tpu.memref_squeeze %dma_start3A_124 : memref<1x2112x8xf32, #tpu.memory_space<vmem>> -> memref<2112x8xf32, #tpu.memory_space<vmem>>
    %dma_start3A_126 = arith.constant 0 : i32
    %dma_start3A_127 = tpu.memref_slice %arg4[%add3A_119, %dma_start3A_126] : memref<540672x8xf32, #tpu.memory_space<hbm>> -> memref<2112x8xf32, #tpu.memory_space<hbm>>
    %dma_start3A_128 = tpu.memref_slice %arg8[%dma_start3A_121] : memref<2x!tpu.dma_semaphore, #tpu.memory_space<semaphore_mem>> -> memref<1x!tpu.dma_semaphore, #tpu.memory_space<semaphore_mem>>
    %dma_start3A_129 = tpu.memref_squeeze %dma_start3A_128 : memref<1x!tpu.dma_semaphore, #tpu.memory_space<semaphore_mem>> -> memref<!tpu.dma_semaphore, #tpu.memory_space<semaphore_mem>>
    %dma_start3A_130 = arith.constant 0 : i32
    %dma_start3A_131 = tpu.memref_slice %arg4[%add3A_119, %dma_start3A_130] : memref<540672x8xf32, #tpu.memory_space<hbm>> -> memref<2112x8xf32, #tpu.memory_space<hbm>>
    %dma_start3A_132 = arith.constant 0 : i32
    %dma_start3A_133 = arith.constant 0 : i32
    %dma_start3A_134 = tpu.memref_slice %arg6[%dma_start3A_120, %dma_start3A_132, %dma_start3A_133] : memref<2x2112x8xf32, #tpu.memory_space<vmem>> -> memref<1x2112x8xf32, #tpu.memory_space<vmem>>
    %dma_start3A_135 = tpu.memref_squeeze %dma_start3A_134 : memref<1x2112x8xf32, #tpu.memory_space<vmem>> -> memref<2112x8xf32, #tpu.memory_space<vmem>>
    tpu.enqueue_dma source(%dma_start3A_135 : memref<2112x8xf32, #tpu.memory_space<vmem>>) target(%dma_start3A_131 : memref<2112x8xf32, #tpu.memory_space<hbm>>) target_semaphore(%dma_start3A_129 : memref<!tpu.dma_semaphore, #tpu.memory_space<semaphore_mem>>)
    %dma_wait3A_136 = arith.constant 1 : i32
    %dma_wait3A_137 = arith.constant 1 : i32
    %dma_wait3A_138 = arith.constant 0 : i32
    %dma_wait3A_139 = arith.constant 0 : i32
    %dma_wait3A_140 = tpu.memref_slice %arg6[%dma_wait3A_136, %dma_wait3A_138, %dma_wait3A_139] : memref<2x2112x8xf32, #tpu.memory_space<vmem>> -> memref<1x2112x8xf32, #tpu.memory_space<vmem>>
    %dma_wait3A_141 = tpu.memref_squeeze %dma_wait3A_140 : memref<1x2112x8xf32, #tpu.memory_space<vmem>> -> memref<2112x8xf32, #tpu.memory_space<vmem>>
    %dma_wait3A_142 = arith.constant 0 : i32
    %dma_wait3A_143 = tpu.memref_slice %arg4[%add3A_119, %dma_wait3A_142] : memref<540672x8xf32, #tpu.memory_space<hbm>> -> memref<2112x8xf32, #tpu.memory_space<hbm>>
    %dma_wait3A_144 = tpu.memref_slice %arg8[%dma_wait3A_137] : memref<2x!tpu.dma_semaphore, #tpu.memory_space<semaphore_mem>> -> memref<1x!tpu.dma_semaphore, #tpu.memory_space<semaphore_mem>>
    %dma_wait3A_145 = tpu.memref_squeeze %dma_wait3A_144 : memref<1x!tpu.dma_semaphore, #tpu.memory_space<semaphore_mem>> -> memref<!tpu.dma_semaphore, #tpu.memory_space<semaphore_mem>>
    %dma_wait3A_146 = arith.constant 0 : i32
    %dma_wait3A_147 = tpu.memref_slice %arg4[%add3A_119, %dma_wait3A_146] : memref<540672x8xf32, #tpu.memory_space<hbm>> -> memref<2112x8xf32, #tpu.memory_space<hbm>>
    %dma_wait3A_148 = arith.constant 0 : i32
    %dma_wait3A_149 = arith.constant 0 : i32
    %dma_wait3A_150 = tpu.memref_slice %arg6[%dma_wait3A_136, %dma_wait3A_148, %dma_wait3A_149] : memref<2x2112x8xf32, #tpu.memory_space<vmem>> -> memref<1x2112x8xf32, #tpu.memory_space<vmem>>
    %dma_wait3A_151 = tpu.memref_squeeze %dma_wait3A_150 : memref<1x2112x8xf32, #tpu.memory_space<vmem>> -> memref<2112x8xf32, #tpu.memory_space<vmem>>
    tpu.wait_dma2 semaphore(%dma_wait3A_145 : memref<!tpu.dma_semaphore, #tpu.memory_space<semaphore_mem>>) src(%dma_wait3A_151 : memref<2112x8xf32, #tpu.memory_space<vmem>>) dst(%dma_wait3A_147 : memref<2112x8xf32, #tpu.memory_space<hbm>>)
    %add3A_152 = arith.constant 6336 : i32
    %add3A_153 = arith.addi %mul3A_2, %add3A_152 : i32
    %run_scoped3A_154 = arith.constant 1 : i32
    "tpu.region"() ({
      %run_scoped3A_536 = tpu.sem_alloc : memref<!tpu.dma_semaphore, #tpu.memory_space<semaphore_mem>>
      %dma_start3A_537 = arith.constant 0 : i32
      %dma_start3A_538 = tpu.memref_slice %arg5[%run_scoped3A_154, %dma_start3A_537] : memref<2x2112xi32, #tpu.memory_space<vmem>> -> memref<1x2112xi32, #tpu.memory_space<vmem>>
      %dma_start3A_539 = tpu.memref_squeeze %dma_start3A_538 : memref<1x2112xi32, #tpu.memory_space<vmem>> -> memref<2112xi32, #tpu.memory_space<vmem>>
      %dma_start3A_540 = tpu.memref_slice %arg3[%add3A_153] : memref<540672xi32, #tpu.memory_space<hbm>> -> memref<2112xi32, #tpu.memory_space<hbm>>
      %dma_start3A_541 = arith.constant 0 : i32
      %dma_start3A_542 = tpu.memref_slice %arg5[%run_scoped3A_154, %dma_start3A_541] : memref<2x2112xi32, #tpu.memory_space<vmem>> -> memref<1x2112xi32, #tpu.memory_space<vmem>>
      %dma_start3A_543 = tpu.memref_squeeze %dma_start3A_542 : memref<1x2112xi32, #tpu.memory_space<vmem>> -> memref<2112xi32, #tpu.memory_space<vmem>>
      %dma_start3A_544 = tpu.memref_slice %arg3[%add3A_153] : memref<540672xi32, #tpu.memory_space<hbm>> -> memref<2112xi32, #tpu.memory_space<hbm>>
      tpu.enqueue_dma source(%dma_start3A_544 : memref<2112xi32, #tpu.memory_space<hbm>>) target(%dma_start3A_543 : memref<2112xi32, #tpu.memory_space<vmem>>) target_semaphore(%run_scoped3A_536 : memref<!tpu.dma_semaphore, #tpu.memory_space<semaphore_mem>>)
      %dma_wait3A_545 = arith.constant 0 : i32
      %dma_wait3A_546 = tpu.memref_slice %arg5[%run_scoped3A_154, %dma_wait3A_545] : memref<2x2112xi32, #tpu.memory_space<vmem>> -> memref<1x2112xi32, #tpu.memory_space<vmem>>
      %dma_wait3A_547 = tpu.memref_squeeze %dma_wait3A_546 : memref<1x2112xi32, #tpu.memory_space<vmem>> -> memref<2112xi32, #tpu.memory_space<vmem>>
      %dma_wait3A_548 = tpu.memref_slice %arg3[%add3A_153] : memref<540672xi32, #tpu.memory_space<hbm>> -> memref<2112xi32, #tpu.memory_space<hbm>>
      %dma_wait3A_549 = arith.constant 0 : i32
      %dma_wait3A_550 = tpu.memref_slice %arg5[%run_scoped3A_154, %dma_wait3A_549] : memref<2x2112xi32, #tpu.memory_space<vmem>> -> memref<1x2112xi32, #tpu.memory_space<vmem>>
      %dma_wait3A_551 = tpu.memref_squeeze %dma_wait3A_550 : memref<1x2112xi32, #tpu.memory_space<vmem>> -> memref<2112xi32, #tpu.memory_space<vmem>>
      %dma_wait3A_552 = tpu.memref_slice %arg3[%add3A_153] : memref<540672xi32, #tpu.memory_space<hbm>> -> memref<2112xi32, #tpu.memory_space<hbm>>
      tpu.wait_dma2 semaphore(%run_scoped3A_536 : memref<!tpu.dma_semaphore, #tpu.memory_space<semaphore_mem>>) src(%dma_wait3A_552 : memref<2112xi32, #tpu.memory_space<hbm>>) dst(%dma_wait3A_551 : memref<2112xi32, #tpu.memory_space<vmem>>)
      tpu.yield
    }) : () -> ()
    %dma_start3A_155 = arith.constant 1 : i32
    %dma_start3A_156 = arith.constant 1 : i32
    %dma_start3A_157 = arith.constant 1 : i32
    %dma_start3A_158 = arith.constant 0 : i32
    %dma_start3A_159 = arith.constant 0 : i32
    %dma_start3A_160 = tpu.memref_slice %arg6[%dma_start3A_156, %dma_start3A_158, %dma_start3A_159] : memref<2x2112x8xf32, #tpu.memory_space<vmem>> -> memref<1x2112x8xf32, #tpu.memory_space<vmem>>
    %dma_start3A_161 = tpu.memref_squeeze %dma_start3A_160 : memref<1x2112x8xf32, #tpu.memory_space<vmem>> -> memref<2112x8xf32, #tpu.memory_space<vmem>>
    %dma_start3A_162 = arith.constant 0 : i32
    %dma_start3A_163 = tpu.memref_slice %arg5[%dma_start3A_155, %dma_start3A_162] : memref<2x2112xi32, #tpu.memory_space<vmem>> -> memref<1x2112xi32, #tpu.memory_space<vmem>>
    %dma_start3A_164 = tpu.memref_squeeze %dma_start3A_163 : memref<1x2112xi32, #tpu.memory_space<vmem>> -> memref<2112xi32, #tpu.memory_space<vmem>>
    %dma_start3A_165 = arith.constant 0 : i32
    %dma_start3A_166 = arith.constant 0 : i32
    %dma_start3A_167 = tpu.memref_slice %arg2[%dma_start3A_165, %dma_start3A_166] : memref<100000x8xf32, #tpu.memory_space<hbm>> -> memref<100000x8xf32, #tpu.memory_space<hbm>>
    %dma_start3A_168 = tpu.memref_slice %arg7[%dma_start3A_157] : memref<2x!tpu.dma_semaphore, #tpu.memory_space<semaphore_mem>> -> memref<1x!tpu.dma_semaphore, #tpu.memory_space<semaphore_mem>>
    %dma_start3A_169 = tpu.memref_squeeze %dma_start3A_168 : memref<1x!tpu.dma_semaphore, #tpu.memory_space<semaphore_mem>> -> memref<!tpu.dma_semaphore, #tpu.memory_space<semaphore_mem>>
    tpu.enqueue_indirect_dma source(%dma_start3A_167 : memref<100000x8xf32, #tpu.memory_space<hbm>>) target(%dma_start3A_161 : memref<2112x8xf32, #tpu.memory_space<vmem>>) offsets(%dma_start3A_164 : memref<2112xi32, #tpu.memory_space<vmem>>) semaphore(%dma_start3A_169 : memref<!tpu.dma_semaphore, #tpu.memory_space<semaphore_mem>>)
    %dma_wait3A_170 = arith.constant 0 : i32
    %dma_wait3A_171 = arith.constant 0 : i32
    %dma_wait3A_172 = arith.constant 0 : i32
    %dma_wait3A_173 = arith.constant 0 : i32
    %dma_wait3A_174 = arith.constant 0 : i32
    %dma_wait3A_175 = tpu.memref_slice %arg6[%dma_wait3A_171, %dma_wait3A_173, %dma_wait3A_174] : memref<2x2112x8xf32, #tpu.memory_space<vmem>> -> memref<1x2112x8xf32, #tpu.memory_space<vmem>>
    %dma_wait3A_176 = tpu.memref_squeeze %dma_wait3A_175 : memref<1x2112x8xf32, #tpu.memory_space<vmem>> -> memref<2112x8xf32, #tpu.memory_space<vmem>>
    %dma_wait3A_177 = arith.constant 0 : i32
    %dma_wait3A_178 = tpu.memref_slice %arg5[%dma_wait3A_170, %dma_wait3A_177] : memref<2x2112xi32, #tpu.memory_space<vmem>> -> memref<1x2112xi32, #tpu.memory_space<vmem>>
    %dma_wait3A_179 = tpu.memref_squeeze %dma_wait3A_178 : memref<1x2112xi32, #tpu.memory_space<vmem>> -> memref<2112xi32, #tpu.memory_space<vmem>>
    %dma_wait3A_180 = arith.constant 0 : i32
    %dma_wait3A_181 = arith.constant 0 : i32
    %dma_wait3A_182 = tpu.memref_slice %arg2[%dma_wait3A_180, %dma_wait3A_181] : memref<100000x8xf32, #tpu.memory_space<hbm>> -> memref<100000x8xf32, #tpu.memory_space<hbm>>
    %dma_wait3A_183 = tpu.memref_slice %arg7[%dma_wait3A_172] : memref<2x!tpu.dma_semaphore, #tpu.memory_space<semaphore_mem>> -> memref<1x!tpu.dma_semaphore, #tpu.memory_space<semaphore_mem>>
    %dma_wait3A_184 = tpu.memref_squeeze %dma_wait3A_183 : memref<1x!tpu.dma_semaphore, #tpu.memory_space<semaphore_mem>> -> memref<!tpu.dma_semaphore, #tpu.memory_space<semaphore_mem>>
    tpu.wait_indirect_dma semaphore(%dma_wait3A_184 : memref<!tpu.dma_semaphore, #tpu.memory_space<semaphore_mem>>) src(%dma_wait3A_182 : memref<100000x8xf32, #tpu.memory_space<hbm>>) dst(%dma_wait3A_176 : memref<2112x8xf32, #tpu.memory_space<vmem>>)
    %add3A_185 = arith.constant 4224 : i32
    %add3A_186 = arith.addi %mul3A_2, %add3A_185 : i32
    %dma_start3A_187 = arith.constant 0 : i32
    %dma_start3A_188 = arith.constant 0 : i32
    %dma_start3A_189 = arith.constant 0 : i32
    %dma_start3A_190 = arith.constant 0 : i32
    %dma_start3A_191 = tpu.memref_slice %arg6[%dma_start3A_187, %dma_start3A_189, %dma_start3A_190] : memref<2x2112x8xf32, #tpu.memory_space<vmem>> -> memref<1x2112x8xf32, #tpu.memory_space<vmem>>
    %dma_start3A_192 = tpu.memref_squeeze %dma_start3A_191 : memref<1x2112x8xf32, #tpu.memory_space<vmem>> -> memref<2112x8xf32, #tpu.memory_space<vmem>>
    %dma_start3A_193 = arith.constant 0 : i32
    %dma_start3A_194 = tpu.memref_slice %arg4[%add3A_186, %dma_start3A_193] : memref<540672x8xf32, #tpu.memory_space<hbm>> -> memref<2112x8xf32, #tpu.memory_space<hbm>>
    %dma_start3A_195 = tpu.memref_slice %arg8[%dma_start3A_188] : memref<2x!tpu.dma_semaphore, #tpu.memory_space<semaphore_mem>> -> memref<1x!tpu.dma_semaphore, #tpu.memory_space<semaphore_mem>>
    %dma_start3A_196 = tpu.memref_squeeze %dma_start3A_195 : memref<1x!tpu.dma_semaphore, #tpu.memory_space<semaphore_mem>> -> memref<!tpu.dma_semaphore, #tpu.memory_space<semaphore_mem>>
    %dma_start3A_197 = arith.constant 0 : i32
    %dma_start3A_198 = tpu.memref_slice %arg4[%add3A_186, %dma_start3A_197] : memref<540672x8xf32, #tpu.memory_space<hbm>> -> memref<2112x8xf32, #tpu.memory_space<hbm>>
    %dma_start3A_199 = arith.constant 0 : i32
    %dma_start3A_200 = arith.constant 0 : i32
    %dma_start3A_201 = tpu.memref_slice %arg6[%dma_start3A_187, %dma_start3A_199, %dma_start3A_200] : memref<2x2112x8xf32, #tpu.memory_space<vmem>> -> memref<1x2112x8xf32, #tpu.memory_space<vmem>>
    %dma_start3A_202 = tpu.memref_squeeze %dma_start3A_201 : memref<1x2112x8xf32, #tpu.memory_space<vmem>> -> memref<2112x8xf32, #tpu.memory_space<vmem>>
    tpu.enqueue_dma source(%dma_start3A_202 : memref<2112x8xf32, #tpu.memory_space<vmem>>) target(%dma_start3A_198 : memref<2112x8xf32, #tpu.memory_space<hbm>>) target_semaphore(%dma_start3A_196 : memref<!tpu.dma_semaphore, #tpu.memory_space<semaphore_mem>>)
    %dma_wait3A_203 = arith.constant 0 : i32
    %dma_wait3A_204 = arith.constant 0 : i32
    %dma_wait3A_205 = arith.constant 0 : i32
    %dma_wait3A_206 = arith.constant 0 : i32
    %dma_wait3A_207 = tpu.memref_slice %arg6[%dma_wait3A_203, %dma_wait3A_205, %dma_wait3A_206] : memref<2x2112x8xf32, #tpu.memory_space<vmem>> -> memref<1x2112x8xf32, #tpu.memory_space<vmem>>
    %dma_wait3A_208 = tpu.memref_squeeze %dma_wait3A_207 : memref<1x2112x8xf32, #tpu.memory_space<vmem>> -> memref<2112x8xf32, #tpu.memory_space<vmem>>
    %dma_wait3A_209 = arith.constant 0 : i32
    %dma_wait3A_210 = tpu.memref_slice %arg4[%add3A_186, %dma_wait3A_209] : memref<540672x8xf32, #tpu.memory_space<hbm>> -> memref<2112x8xf32, #tpu.memory_space<hbm>>
    %dma_wait3A_211 = tpu.memref_slice %arg8[%dma_wait3A_204] : memref<2x!tpu.dma_semaphore, #tpu.memory_space<semaphore_mem>> -> memref<1x!tpu.dma_semaphore, #tpu.memory_space<semaphore_mem>>
    %dma_wait3A_212 = tpu.memref_squeeze %dma_wait3A_211 : memref<1x!tpu.dma_semaphore, #tpu.memory_space<semaphore_mem>> -> memref<!tpu.dma_semaphore, #tpu.memory_space<semaphore_mem>>
    %dma_wait3A_213 = arith.constant 0 : i32
    %dma_wait3A_214 = tpu.memref_slice %arg4[%add3A_186, %dma_wait3A_213] : memref<540672x8xf32, #tpu.memory_space<hbm>> -> memref<2112x8xf32, #tpu.memory_space<hbm>>
    %dma_wait3A_215 = arith.constant 0 : i32
    %dma_wait3A_216 = arith.constant 0 : i32
    %dma_wait3A_217 = tpu.memref_slice %arg6[%dma_wait3A_203, %dma_wait3A_215, %dma_wait3A_216] : memref<2x2112x8xf32, #tpu.memory_space<vmem>> -> memref<1x2112x8xf32, #tpu.memory_space<vmem>>
    %dma_wait3A_218 = tpu.memref_squeeze %dma_wait3A_217 : memref<1x2112x8xf32, #tpu.memory_space<vmem>> -> memref<2112x8xf32, #tpu.memory_space<vmem>>
    tpu.wait_dma2 semaphore(%dma_wait3A_212 : memref<!tpu.dma_semaphore, #tpu.memory_space<semaphore_mem>>) src(%dma_wait3A_218 : memref<2112x8xf32, #tpu.memory_space<vmem>>) dst(%dma_wait3A_214 : memref<2112x8xf32, #tpu.memory_space<hbm>>)
    %add3A_219 = arith.constant 8448 : i32
    %add3A_220 = arith.addi %mul3A_2, %add3A_219 : i32
    %run_scoped3A_221 = arith.constant 0 : i32
    "tpu.region"() ({
      %run_scoped3A_536 = tpu.sem_alloc : memref<!tpu.dma_semaphore, #tpu.memory_space<semaphore_mem>>
      %dma_start3A_537 = arith.constant 0 : i32
      %dma_start3A_538 = tpu.memref_slice %arg5[%run_scoped3A_221, %dma_start3A_537] : memref<2x2112xi32, #tpu.memory_space<vmem>> -> memref<1x2112xi32, #tpu.memory_space<vmem>>
      %dma_start3A_539 = tpu.memref_squeeze %dma_start3A_538 : memref<1x2112xi32, #tpu.memory_space<vmem>> -> memref<2112xi32, #tpu.memory_space<vmem>>
      %dma_start3A_540 = tpu.memref_slice %arg3[%add3A_220] : memref<540672xi32, #tpu.memory_space<hbm>> -> memref<2112xi32, #tpu.memory_space<hbm>>
      %dma_start3A_541 = arith.constant 0 : i32
      %dma_start3A_542 = tpu.memref_slice %arg5[%run_scoped3A_221, %dma_start3A_541] : memref<2x2112xi32, #tpu.memory_space<vmem>> -> memref<1x2112xi32, #tpu.memory_space<vmem>>
      %dma_start3A_543 = tpu.memref_squeeze %dma_start3A_542 : memref<1x2112xi32, #tpu.memory_space<vmem>> -> memref<2112xi32, #tpu.memory_space<vmem>>
      %dma_start3A_544 = tpu.memref_slice %arg3[%add3A_220] : memref<540672xi32, #tpu.memory_space<hbm>> -> memref<2112xi32, #tpu.memory_space<hbm>>
      tpu.enqueue_dma source(%dma_start3A_544 : memref<2112xi32, #tpu.memory_space<hbm>>) target(%dma_start3A_543 : memref<2112xi32, #tpu.memory_space<vmem>>) target_semaphore(%run_scoped3A_536 : memref<!tpu.dma_semaphore, #tpu.memory_space<semaphore_mem>>)
      %dma_wait3A_545 = arith.constant 0 : i32
      %dma_wait3A_546 = tpu.memref_slice %arg5[%run_scoped3A_221, %dma_wait3A_545] : memref<2x2112xi32, #tpu.memory_space<vmem>> -> memref<1x2112xi32, #tpu.memory_space<vmem>>
      %dma_wait3A_547 = tpu.memref_squeeze %dma_wait3A_546 : memref<1x2112xi32, #tpu.memory_space<vmem>> -> memref<2112xi32, #tpu.memory_space<vmem>>
      %dma_wait3A_548 = tpu.memref_slice %arg3[%add3A_220] : memref<540672xi32, #tpu.memory_space<hbm>> -> memref<2112xi32, #tpu.memory_space<hbm>>
      %dma_wait3A_549 = arith.constant 0 : i32
      %dma_wait3A_550 = tpu.memref_slice %arg5[%run_scoped3A_221, %dma_wait3A_549] : memref<2x2112xi32, #tpu.memory_space<vmem>> -> memref<1x2112xi32, #tpu.memory_space<vmem>>
      %dma_wait3A_551 = tpu.memref_squeeze %dma_wait3A_550 : memref<1x2112xi32, #tpu.memory_space<vmem>> -> memref<2112xi32, #tpu.memory_space<vmem>>
      %dma_wait3A_552 = tpu.memref_slice %arg3[%add3A_220] : memref<540672xi32, #tpu.memory_space<hbm>> -> memref<2112xi32, #tpu.memory_space<hbm>>
      tpu.wait_dma2 semaphore(%run_scoped3A_536 : memref<!tpu.dma_semaphore, #tpu.memory_space<semaphore_mem>>) src(%dma_wait3A_552 : memref<2112xi32, #tpu.memory_space<hbm>>) dst(%dma_wait3A_551 : memref<2112xi32, #tpu.memory_space<vmem>>)
      tpu.yield
    }) : () -> ()
    %dma_start3A_222 = arith.constant 0 : i32
    %dma_start3A_223 = arith.constant 0 : i32
    %dma_start3A_224 = arith.constant 0 : i32
    %dma_start3A_225 = arith.constant 0 : i32
    %dma_start3A_226 = arith.constant 0 : i32
    %dma_start3A_227 = tpu.memref_slice %arg6[%dma_start3A_223, %dma_start3A_225, %dma_start3A_226] : memref<2x2112x8xf32, #tpu.memory_space<vmem>> -> memref<1x2112x8xf32, #tpu.memory_space<vmem>>
    %dma_start3A_228 = tpu.memref_squeeze %dma_start3A_227 : memref<1x2112x8xf32, #tpu.memory_space<vmem>> -> memref<2112x8xf32, #tpu.memory_space<vmem>>
    %dma_start3A_229 = arith.constant 0 : i32
    %dma_start3A_230 = tpu.memref_slice %arg5[%dma_start3A_222, %dma_start3A_229] : memref<2x2112xi32, #tpu.memory_space<vmem>> -> memref<1x2112xi32, #tpu.memory_space<vmem>>
    %dma_start3A_231 = tpu.memref_squeeze %dma_start3A_230 : memref<1x2112xi32, #tpu.memory_space<vmem>> -> memref<2112xi32, #tpu.memory_space<vmem>>
    %dma_start3A_232 = arith.constant 0 : i32
    %dma_start3A_233 = arith.constant 0 : i32
    %dma_start3A_234 = tpu.memref_slice %arg2[%dma_start3A_232, %dma_start3A_233] : memref<100000x8xf32, #tpu.memory_space<hbm>> -> memref<100000x8xf32, #tpu.memory_space<hbm>>
    %dma_start3A_235 = tpu.memref_slice %arg7[%dma_start3A_224] : memref<2x!tpu.dma_semaphore, #tpu.memory_space<semaphore_mem>> -> memref<1x!tpu.dma_semaphore, #tpu.memory_space<semaphore_mem>>
    %dma_start3A_236 = tpu.memref_squeeze %dma_start3A_235 : memref<1x!tpu.dma_semaphore, #tpu.memory_space<semaphore_mem>> -> memref<!tpu.dma_semaphore, #tpu.memory_space<semaphore_mem>>
    tpu.enqueue_indirect_dma source(%dma_start3A_234 : memref<100000x8xf32, #tpu.memory_space<hbm>>) target(%dma_start3A_228 : memref<2112x8xf32, #tpu.memory_space<vmem>>) offsets(%dma_start3A_231 : memref<2112xi32, #tpu.memory_space<vmem>>) semaphore(%dma_start3A_236 : memref<!tpu.dma_semaphore, #tpu.memory_space<semaphore_mem>>)
    %dma_wait3A_237 = arith.constant 1 : i32
    %dma_wait3A_238 = arith.constant 1 : i32
    %dma_wait3A_239 = arith.constant 1 : i32
    %dma_wait3A_240 = arith.constant 0 : i32
    %dma_wait3A_241 = arith.constant 0 : i32
    %dma_wait3A_242 = tpu.memref_slice %arg6[%dma_wait3A_238, %dma_wait3A_240, %dma_wait3A_241] : memref<2x2112x8xf32, #tpu.memory_space<vmem>> -> memref<1x2112x8xf32, #tpu.memory_space<vmem>>
    %dma_wait3A_243 = tpu.memref_squeeze %dma_wait3A_242 : memref<1x2112x8xf32, #tpu.memory_space<vmem>> -> memref<2112x8xf32, #tpu.memory_space<vmem>>
    %dma_wait3A_244 = arith.constant 0 : i32
    %dma_wait3A_245 = tpu.memref_slice %arg5[%dma_wait3A_237, %dma_wait3A_244] : memref<2x2112xi32, #tpu.memory_space<vmem>> -> memref<1x2112xi32, #tpu.memory_space<vmem>>
    %dma_wait3A_246 = tpu.memref_squeeze %dma_wait3A_245 : memref<1x2112xi32, #tpu.memory_space<vmem>> -> memref<2112xi32, #tpu.memory_space<vmem>>
    %dma_wait3A_247 = arith.constant 0 : i32
    %dma_wait3A_248 = arith.constant 0 : i32
    %dma_wait3A_249 = tpu.memref_slice %arg2[%dma_wait3A_247, %dma_wait3A_248] : memref<100000x8xf32, #tpu.memory_space<hbm>> -> memref<100000x8xf32, #tpu.memory_space<hbm>>
    %dma_wait3A_250 = tpu.memref_slice %arg7[%dma_wait3A_239] : memref<2x!tpu.dma_semaphore, #tpu.memory_space<semaphore_mem>> -> memref<1x!tpu.dma_semaphore, #tpu.memory_space<semaphore_mem>>
    %dma_wait3A_251 = tpu.memref_squeeze %dma_wait3A_250 : memref<1x!tpu.dma_semaphore, #tpu.memory_space<semaphore_mem>> -> memref<!tpu.dma_semaphore, #tpu.memory_space<semaphore_mem>>
    tpu.wait_indirect_dma semaphore(%dma_wait3A_251 : memref<!tpu.dma_semaphore, #tpu.memory_space<semaphore_mem>>) src(%dma_wait3A_249 : memref<100000x8xf32, #tpu.memory_space<hbm>>) dst(%dma_wait3A_243 : memref<2112x8xf32, #tpu.memory_space<vmem>>)
    %add3A_252 = arith.constant 6336 : i32
    %add3A_253 = arith.addi %mul3A_2, %add3A_252 : i32
    %dma_start3A_254 = arith.constant 1 : i32
    %dma_start3A_255 = arith.constant 1 : i32
    %dma_start3A_256 = arith.constant 0 : i32
    %dma_start3A_257 = arith.constant 0 : i32
    %dma_start3A_258 = tpu.memref_slice %arg6[%dma_start3A_254, %dma_start3A_256, %dma_start3A_257] : memref<2x2112x8xf32, #tpu.memory_space<vmem>> -> memref<1x2112x8xf32, #tpu.memory_space<vmem>>
    %dma_start3A_259 = tpu.memref_squeeze %dma_start3A_258 : memref<1x2112x8xf32, #tpu.memory_space<vmem>> -> memref<2112x8xf32, #tpu.memory_space<vmem>>
    %dma_start3A_260 = arith.constant 0 : i32
    %dma_start3A_261 = tpu.memref_slice %arg4[%add3A_253, %dma_start3A_260] : memref<540672x8xf32, #tpu.memory_space<hbm>> -> memref<2112x8xf32, #tpu.memory_space<hbm>>
    %dma_start3A_262 = tpu.memref_slice %arg8[%dma_start3A_255] : memref<2x!tpu.dma_semaphore, #tpu.memory_space<semaphore_mem>> -> memref<1x!tpu.dma_semaphore, #tpu.memory_space<semaphore_mem>>
    %dma_start3A_263 = tpu.memref_squeeze %dma_start3A_262 : memref<1x!tpu.dma_semaphore, #tpu.memory_space<semaphore_mem>> -> memref<!tpu.dma_semaphore, #tpu.memory_space<semaphore_mem>>
    %dma_start3A_264 = arith.constant 0 : i32
    %dma_start3A_265 = tpu.memref_slice %arg4[%add3A_253, %dma_start3A_264] : memref<540672x8xf32, #tpu.memory_space<hbm>> -> memref<2112x8xf32, #tpu.memory_space<hbm>>
    %dma_start3A_266 = arith.constant 0 : i32
    %dma_start3A_267 = arith.constant 0 : i32
    %dma_start3A_268 = tpu.memref_slice %arg6[%dma_start3A_254, %dma_start3A_266, %dma_start3A_267] : memref<2x2112x8xf32, #tpu.memory_space<vmem>> -> memref<1x2112x8xf32, #tpu.memory_space<vmem>>
    %dma_start3A_269 = tpu.memref_squeeze %dma_start3A_268 : memref<1x2112x8xf32, #tpu.memory_space<vmem>> -> memref<2112x8xf32, #tpu.memory_space<vmem>>
    tpu.enqueue_dma source(%dma_start3A_269 : memref<2112x8xf32, #tpu.memory_space<vmem>>) target(%dma_start3A_265 : memref<2112x8xf32, #tpu.memory_space<hbm>>) target_semaphore(%dma_start3A_263 : memref<!tpu.dma_semaphore, #tpu.memory_space<semaphore_mem>>)
    %dma_wait3A_270 = arith.constant 1 : i32
    %dma_wait3A_271 = arith.constant 1 : i32
    %dma_wait3A_272 = arith.constant 0 : i32
    %dma_wait3A_273 = arith.constant 0 : i32
    %dma_wait3A_274 = tpu.memref_slice %arg6[%dma_wait3A_270, %dma_wait3A_272, %dma_wait3A_273] : memref<2x2112x8xf32, #tpu.memory_space<vmem>> -> memref<1x2112x8xf32, #tpu.memory_space<vmem>>
    %dma_wait3A_275 = tpu.memref_squeeze %dma_wait3A_274 : memref<1x2112x8xf32, #tpu.memory_space<vmem>> -> memref<2112x8xf32, #tpu.memory_space<vmem>>
    %dma_wait3A_276 = arith.constant 0 : i32
    %dma_wait3A_277 = tpu.memref_slice %arg4[%add3A_253, %dma_wait3A_276] : memref<540672x8xf32, #tpu.memory_space<hbm>> -> memref<2112x8xf32, #tpu.memory_space<hbm>>
    %dma_wait3A_278 = tpu.memref_slice %arg8[%dma_wait3A_271] : memref<2x!tpu.dma_semaphore, #tpu.memory_space<semaphore_mem>> -> memref<1x!tpu.dma_semaphore, #tpu.memory_space<semaphore_mem>>
    %dma_wait3A_279 = tpu.memref_squeeze %dma_wait3A_278 : memref<1x!tpu.dma_semaphore, #tpu.memory_space<semaphore_mem>> -> memref<!tpu.dma_semaphore, #tpu.memory_space<semaphore_mem>>
    %dma_wait3A_280 = arith.constant 0 : i32
    %dma_wait3A_281 = tpu.memref_slice %arg4[%add3A_253, %dma_wait3A_280] : memref<540672x8xf32, #tpu.memory_space<hbm>> -> memref<2112x8xf32, #tpu.memory_space<hbm>>
    %dma_wait3A_282 = arith.constant 0 : i32
    %dma_wait3A_283 = arith.constant 0 : i32
    %dma_wait3A_284 = tpu.memref_slice %arg6[%dma_wait3A_270, %dma_wait3A_282, %dma_wait3A_283] : memref<2x2112x8xf32, #tpu.memory_space<vmem>> -> memref<1x2112x8xf32, #tpu.memory_space<vmem>>
    %dma_wait3A_285 = tpu.memref_squeeze %dma_wait3A_284 : memref<1x2112x8xf32, #tpu.memory_space<vmem>> -> memref<2112x8xf32, #tpu.memory_space<vmem>>
    tpu.wait_dma2 semaphore(%dma_wait3A_279 : memref<!tpu.dma_semaphore, #tpu.memory_space<semaphore_mem>>) src(%dma_wait3A_285 : memref<2112x8xf32, #tpu.memory_space<vmem>>) dst(%dma_wait3A_281 : memref<2112x8xf32, #tpu.memory_space<hbm>>)
    %add3A_286 = arith.constant 10560 : i32
    %add3A_287 = arith.addi %mul3A_2, %add3A_286 : i32
    %run_scoped3A_288 = arith.constant 1 : i32
    "tpu.region"() ({
      %run_scoped3A_536 = tpu.sem_alloc : memref<!tpu.dma_semaphore, #tpu.memory_space<semaphore_mem>>
      %dma_start3A_537 = arith.constant 0 : i32
      %dma_start3A_538 = tpu.memref_slice %arg5[%run_scoped3A_288, %dma_start3A_537] : memref<2x2112xi32, #tpu.memory_space<vmem>> -> memref<1x2112xi32, #tpu.memory_space<vmem>>
      %dma_start3A_539 = tpu.memref_squeeze %dma_start3A_538 : memref<1x2112xi32, #tpu.memory_space<vmem>> -> memref<2112xi32, #tpu.memory_space<vmem>>
      %dma_start3A_540 = tpu.memref_slice %arg3[%add3A_287] : memref<540672xi32, #tpu.memory_space<hbm>> -> memref<2112xi32, #tpu.memory_space<hbm>>
      %dma_start3A_541 = arith.constant 0 : i32
      %dma_start3A_542 = tpu.memref_slice %arg5[%run_scoped3A_288, %dma_start3A_541] : memref<2x2112xi32, #tpu.memory_space<vmem>> -> memref<1x2112xi32, #tpu.memory_space<vmem>>
      %dma_start3A_543 = tpu.memref_squeeze %dma_start3A_542 : memref<1x2112xi32, #tpu.memory_space<vmem>> -> memref<2112xi32, #tpu.memory_space<vmem>>
      %dma_start3A_544 = tpu.memref_slice %arg3[%add3A_287] : memref<540672xi32, #tpu.memory_space<hbm>> -> memref<2112xi32, #tpu.memory_space<hbm>>
      tpu.enqueue_dma source(%dma_start3A_544 : memref<2112xi32, #tpu.memory_space<hbm>>) target(%dma_start3A_543 : memref<2112xi32, #tpu.memory_space<vmem>>) target_semaphore(%run_scoped3A_536 : memref<!tpu.dma_semaphore, #tpu.memory_space<semaphore_mem>>)
      %dma_wait3A_545 = arith.constant 0 : i32
      %dma_wait3A_546 = tpu.memref_slice %arg5[%run_scoped3A_288, %dma_wait3A_545] : memref<2x2112xi32, #tpu.memory_space<vmem>> -> memref<1x2112xi32, #tpu.memory_space<vmem>>
      %dma_wait3A_547 = tpu.memref_squeeze %dma_wait3A_546 : memref<1x2112xi32, #tpu.memory_space<vmem>> -> memref<2112xi32, #tpu.memory_space<vmem>>
      %dma_wait3A_548 = tpu.memref_slice %arg3[%add3A_287] : memref<540672xi32, #tpu.memory_space<hbm>> -> memref<2112xi32, #tpu.memory_space<hbm>>
      %dma_wait3A_549 = arith.constant 0 : i32
      %dma_wait3A_550 = tpu.memref_slice %arg5[%run_scoped3A_288, %dma_wait3A_549] : memref<2x2112xi32, #tpu.memory_space<vmem>> -> memref<1x2112xi32, #tpu.memory_space<vmem>>
      %dma_wait3A_551 = tpu.memref_squeeze %dma_wait3A_550 : memref<1x2112xi32, #tpu.memory_space<vmem>> -> memref<2112xi32, #tpu.memory_space<vmem>>
      %dma_wait3A_552 = tpu.memref_slice %arg3[%add3A_287] : memref<540672xi32, #tpu.memory_space<hbm>> -> memref<2112xi32, #tpu.memory_space<hbm>>
      tpu.wait_dma2 semaphore(%run_scoped3A_536 : memref<!tpu.dma_semaphore, #tpu.memory_space<semaphore_mem>>) src(%dma_wait3A_552 : memref<2112xi32, #tpu.memory_space<hbm>>) dst(%dma_wait3A_551 : memref<2112xi32, #tpu.memory_space<vmem>>)
      tpu.yield
    }) : () -> ()
    %dma_start3A_289 = arith.constant 1 : i32
    %dma_start3A_290 = arith.constant 1 : i32
    %dma_start3A_291 = arith.constant 1 : i32
    %dma_start3A_292 = arith.constant 0 : i32
    %dma_start3A_293 = arith.constant 0 : i32
    %dma_start3A_294 = tpu.memref_slice %arg6[%dma_start3A_290, %dma_start3A_292, %dma_start3A_293] : memref<2x2112x8xf32, #tpu.memory_space<vmem>> -> memref<1x2112x8xf32, #tpu.memory_space<vmem>>
    %dma_start3A_295 = tpu.memref_squeeze %dma_start3A_294 : memref<1x2112x8xf32, #tpu.memory_space<vmem>> -> memref<2112x8xf32, #tpu.memory_space<vmem>>
    %dma_start3A_296 = arith.constant 0 : i32
    %dma_start3A_297 = tpu.memref_slice %arg5[%dma_start3A_289, %dma_start3A_296] : memref<2x2112xi32, #tpu.memory_space<vmem>> -> memref<1x2112xi32, #tpu.memory_space<vmem>>
    %dma_start3A_298 = tpu.memref_squeeze %dma_start3A_297 : memref<1x2112xi32, #tpu.memory_space<vmem>> -> memref<2112xi32, #tpu.memory_space<vmem>>
    %dma_start3A_299 = arith.constant 0 : i32
    %dma_start3A_300 = arith.constant 0 : i32
    %dma_start3A_301 = tpu.memref_slice %arg2[%dma_start3A_299, %dma_start3A_300] : memref<100000x8xf32, #tpu.memory_space<hbm>> -> memref<100000x8xf32, #tpu.memory_space<hbm>>
    %dma_start3A_302 = tpu.memref_slice %arg7[%dma_start3A_291] : memref<2x!tpu.dma_semaphore, #tpu.memory_space<semaphore_mem>> -> memref<1x!tpu.dma_semaphore, #tpu.memory_space<semaphore_mem>>
    %dma_start3A_303 = tpu.memref_squeeze %dma_start3A_302 : memref<1x!tpu.dma_semaphore, #tpu.memory_space<semaphore_mem>> -> memref<!tpu.dma_semaphore, #tpu.memory_space<semaphore_mem>>
    tpu.enqueue_indirect_dma source(%dma_start3A_301 : memref<100000x8xf32, #tpu.memory_space<hbm>>) target(%dma_start3A_295 : memref<2112x8xf32, #tpu.memory_space<vmem>>) offsets(%dma_start3A_298 : memref<2112xi32, #tpu.memory_space<vmem>>) semaphore(%dma_start3A_303 : memref<!tpu.dma_semaphore, #tpu.memory_space<semaphore_mem>>)
    %dma_wait3A_304 = arith.constant 0 : i32
    %dma_wait3A_305 = arith.constant 0 : i32
    %dma_wait3A_306 = arith.constant 0 : i32
    %dma_wait3A_307 = arith.constant 0 : i32
    %dma_wait3A_308 = arith.constant 0 : i32
    %dma_wait3A_309 = tpu.memref_slice %arg6[%dma_wait3A_305, %dma_wait3A_307, %dma_wait3A_308] : memref<2x2112x8xf32, #tpu.memory_space<vmem>> -> memref<1x2112x8xf32, #tpu.memory_space<vmem>>
    %dma_wait3A_310 = tpu.memref_squeeze %dma_wait3A_309 : memref<1x2112x8xf32, #tpu.memory_space<vmem>> -> memref<2112x8xf32, #tpu.memory_space<vmem>>
    %dma_wait3A_311 = arith.constant 0 : i32
    %dma_wait3A_312 = tpu.memref_slice %arg5[%dma_wait3A_304, %dma_wait3A_311] : memref<2x2112xi32, #tpu.memory_space<vmem>> -> memref<1x2112xi32, #tpu.memory_space<vmem>>
    %dma_wait3A_313 = tpu.memref_squeeze %dma_wait3A_312 : memref<1x2112xi32, #tpu.memory_space<vmem>> -> memref<2112xi32, #tpu.memory_space<vmem>>
    %dma_wait3A_314 = arith.constant 0 : i32
    %dma_wait3A_315 = arith.constant 0 : i32
    %dma_wait3A_316 = tpu.memref_slice %arg2[%dma_wait3A_314, %dma_wait3A_315] : memref<100000x8xf32, #tpu.memory_space<hbm>> -> memref<100000x8xf32, #tpu.memory_space<hbm>>
    %dma_wait3A_317 = tpu.memref_slice %arg7[%dma_wait3A_306] : memref<2x!tpu.dma_semaphore, #tpu.memory_space<semaphore_mem>> -> memref<1x!tpu.dma_semaphore, #tpu.memory_space<semaphore_mem>>
    %dma_wait3A_318 = tpu.memref_squeeze %dma_wait3A_317 : memref<1x!tpu.dma_semaphore, #tpu.memory_space<semaphore_mem>> -> memref<!tpu.dma_semaphore, #tpu.memory_space<semaphore_mem>>
    tpu.wait_indirect_dma semaphore(%dma_wait3A_318 : memref<!tpu.dma_semaphore, #tpu.memory_space<semaphore_mem>>) src(%dma_wait3A_316 : memref<100000x8xf32, #tpu.memory_space<hbm>>) dst(%dma_wait3A_310 : memref<2112x8xf32, #tpu.memory_space<vmem>>)
    %add3A_319 = arith.constant 8448 : i32
    %add3A_320 = arith.addi %mul3A_2, %add3A_319 : i32
    %dma_start3A_321 = arith.constant 0 : i32
    %dma_start3A_322 = arith.constant 0 : i32
    %dma_start3A_323 = arith.constant 0 : i32
    %dma_start3A_324 = arith.constant 0 : i32
    %dma_start3A_325 = tpu.memref_slice %arg6[%dma_start3A_321, %dma_start3A_323, %dma_start3A_324] : memref<2x2112x8xf32, #tpu.memory_space<vmem>> -> memref<1x2112x8xf32, #tpu.memory_space<vmem>>
    %dma_start3A_326 = tpu.memref_squeeze %dma_start3A_325 : memref<1x2112x8xf32, #tpu.memory_space<vmem>> -> memref<2112x8xf32, #tpu.memory_space<vmem>>
    %dma_start3A_327 = arith.constant 0 : i32
    %dma_start3A_328 = tpu.memref_slice %arg4[%add3A_320, %dma_start3A_327] : memref<540672x8xf32, #tpu.memory_space<hbm>> -> memref<2112x8xf32, #tpu.memory_space<hbm>>
    %dma_start3A_329 = tpu.memref_slice %arg8[%dma_start3A_322] : memref<2x!tpu.dma_semaphore, #tpu.memory_space<semaphore_mem>> -> memref<1x!tpu.dma_semaphore, #tpu.memory_space<semaphore_mem>>
    %dma_start3A_330 = tpu.memref_squeeze %dma_start3A_329 : memref<1x!tpu.dma_semaphore, #tpu.memory_space<semaphore_mem>> -> memref<!tpu.dma_semaphore, #tpu.memory_space<semaphore_mem>>
    %dma_start3A_331 = arith.constant 0 : i32
    %dma_start3A_332 = tpu.memref_slice %arg4[%add3A_320, %dma_start3A_331] : memref<540672x8xf32, #tpu.memory_space<hbm>> -> memref<2112x8xf32, #tpu.memory_space<hbm>>
    %dma_start3A_333 = arith.constant 0 : i32
    %dma_start3A_334 = arith.constant 0 : i32
    %dma_start3A_335 = tpu.memref_slice %arg6[%dma_start3A_321, %dma_start3A_333, %dma_start3A_334] : memref<2x2112x8xf32, #tpu.memory_space<vmem>> -> memref<1x2112x8xf32, #tpu.memory_space<vmem>>
    %dma_start3A_336 = tpu.memref_squeeze %dma_start3A_335 : memref<1x2112x8xf32, #tpu.memory_space<vmem>> -> memref<2112x8xf32, #tpu.memory_space<vmem>>
    tpu.enqueue_dma source(%dma_start3A_336 : memref<2112x8xf32, #tpu.memory_space<vmem>>) target(%dma_start3A_332 : memref<2112x8xf32, #tpu.memory_space<hbm>>) target_semaphore(%dma_start3A_330 : memref<!tpu.dma_semaphore, #tpu.memory_space<semaphore_mem>>)
    %dma_wait3A_337 = arith.constant 0 : i32
    %dma_wait3A_338 = arith.constant 0 : i32
    %dma_wait3A_339 = arith.constant 0 : i32
    %dma_wait3A_340 = arith.constant 0 : i32
    %dma_wait3A_341 = tpu.memref_slice %arg6[%dma_wait3A_337, %dma_wait3A_339, %dma_wait3A_340] : memref<2x2112x8xf32, #tpu.memory_space<vmem>> -> memref<1x2112x8xf32, #tpu.memory_space<vmem>>
    %dma_wait3A_342 = tpu.memref_squeeze %dma_wait3A_341 : memref<1x2112x8xf32, #tpu.memory_space<vmem>> -> memref<2112x8xf32, #tpu.memory_space<vmem>>
    %dma_wait3A_343 = arith.constant 0 : i32
    %dma_wait3A_344 = tpu.memref_slice %arg4[%add3A_320, %dma_wait3A_343] : memref<540672x8xf32, #tpu.memory_space<hbm>> -> memref<2112x8xf32, #tpu.memory_space<hbm>>
    %dma_wait3A_345 = tpu.memref_slice %arg8[%dma_wait3A_338] : memref<2x!tpu.dma_semaphore, #tpu.memory_space<semaphore_mem>> -> memref<1x!tpu.dma_semaphore, #tpu.memory_space<semaphore_mem>>
    %dma_wait3A_346 = tpu.memref_squeeze %dma_wait3A_345 : memref<1x!tpu.dma_semaphore, #tpu.memory_space<semaphore_mem>> -> memref<!tpu.dma_semaphore, #tpu.memory_space<semaphore_mem>>
    %dma_wait3A_347 = arith.constant 0 : i32
    %dma_wait3A_348 = tpu.memref_slice %arg4[%add3A_320, %dma_wait3A_347] : memref<540672x8xf32, #tpu.memory_space<hbm>> -> memref<2112x8xf32, #tpu.memory_space<hbm>>
    %dma_wait3A_349 = arith.constant 0 : i32
    %dma_wait3A_350 = arith.constant 0 : i32
    %dma_wait3A_351 = tpu.memref_slice %arg6[%dma_wait3A_337, %dma_wait3A_349, %dma_wait3A_350] : memref<2x2112x8xf32, #tpu.memory_space<vmem>> -> memref<1x2112x8xf32, #tpu.memory_space<vmem>>
    %dma_wait3A_352 = tpu.memref_squeeze %dma_wait3A_351 : memref<1x2112x8xf32, #tpu.memory_space<vmem>> -> memref<2112x8xf32, #tpu.memory_space<vmem>>
    tpu.wait_dma2 semaphore(%dma_wait3A_346 : memref<!tpu.dma_semaphore, #tpu.memory_space<semaphore_mem>>) src(%dma_wait3A_352 : memref<2112x8xf32, #tpu.memory_space<vmem>>) dst(%dma_wait3A_348 : memref<2112x8xf32, #tpu.memory_space<hbm>>)
    %add3A_353 = arith.constant 12672 : i32
    %add3A_354 = arith.addi %mul3A_2, %add3A_353 : i32
    %run_scoped3A_355 = arith.constant 0 : i32
    "tpu.region"() ({
      %run_scoped3A_536 = tpu.sem_alloc : memref<!tpu.dma_semaphore, #tpu.memory_space<semaphore_mem>>
      %dma_start3A_537 = arith.constant 0 : i32
      %dma_start3A_538 = tpu.memref_slice %arg5[%run_scoped3A_355, %dma_start3A_537] : memref<2x2112xi32, #tpu.memory_space<vmem>> -> memref<1x2112xi32, #tpu.memory_space<vmem>>
      %dma_start3A_539 = tpu.memref_squeeze %dma_start3A_538 : memref<1x2112xi32, #tpu.memory_space<vmem>> -> memref<2112xi32, #tpu.memory_space<vmem>>
      %dma_start3A_540 = tpu.memref_slice %arg3[%add3A_354] : memref<540672xi32, #tpu.memory_space<hbm>> -> memref<2112xi32, #tpu.memory_space<hbm>>
      %dma_start3A_541 = arith.constant 0 : i32
      %dma_start3A_542 = tpu.memref_slice %arg5[%run_scoped3A_355, %dma_start3A_541] : memref<2x2112xi32, #tpu.memory_space<vmem>> -> memref<1x2112xi32, #tpu.memory_space<vmem>>
      %dma_start3A_543 = tpu.memref_squeeze %dma_start3A_542 : memref<1x2112xi32, #tpu.memory_space<vmem>> -> memref<2112xi32, #tpu.memory_space<vmem>>
      %dma_start3A_544 = tpu.memref_slice %arg3[%add3A_354] : memref<540672xi32, #tpu.memory_space<hbm>> -> memref<2112xi32, #tpu.memory_space<hbm>>
      tpu.enqueue_dma source(%dma_start3A_544 : memref<2112xi32, #tpu.memory_space<hbm>>) target(%dma_start3A_543 : memref<2112xi32, #tpu.memory_space<vmem>>) target_semaphore(%run_scoped3A_536 : memref<!tpu.dma_semaphore, #tpu.memory_space<semaphore_mem>>)
      %dma_wait3A_545 = arith.constant 0 : i32
      %dma_wait3A_546 = tpu.memref_slice %arg5[%run_scoped3A_355, %dma_wait3A_545] : memref<2x2112xi32, #tpu.memory_space<vmem>> -> memref<1x2112xi32, #tpu.memory_space<vmem>>
      %dma_wait3A_547 = tpu.memref_squeeze %dma_wait3A_546 : memref<1x2112xi32, #tpu.memory_space<vmem>> -> memref<2112xi32, #tpu.memory_space<vmem>>
      %dma_wait3A_548 = tpu.memref_slice %arg3[%add3A_354] : memref<540672xi32, #tpu.memory_space<hbm>> -> memref<2112xi32, #tpu.memory_space<hbm>>
      %dma_wait3A_549 = arith.constant 0 : i32
      %dma_wait3A_550 = tpu.memref_slice %arg5[%run_scoped3A_355, %dma_wait3A_549] : memref<2x2112xi32, #tpu.memory_space<vmem>> -> memref<1x2112xi32, #tpu.memory_space<vmem>>
      %dma_wait3A_551 = tpu.memref_squeeze %dma_wait3A_550 : memref<1x2112xi32, #tpu.memory_space<vmem>> -> memref<2112xi32, #tpu.memory_space<vmem>>
      %dma_wait3A_552 = tpu.memref_slice %arg3[%add3A_354] : memref<540672xi32, #tpu.memory_space<hbm>> -> memref<2112xi32, #tpu.memory_space<hbm>>
      tpu.wait_dma2 semaphore(%run_scoped3A_536 : memref<!tpu.dma_semaphore, #tpu.memory_space<semaphore_mem>>) src(%dma_wait3A_552 : memref<2112xi32, #tpu.memory_space<hbm>>) dst(%dma_wait3A_551 : memref<2112xi32, #tpu.memory_space<vmem>>)
      tpu.yield
    }) : () -> ()
    %dma_start3A_356 = arith.constant 0 : i32
    %dma_start3A_357 = arith.constant 0 : i32
    %dma_start3A_358 = arith.constant 0 : i32
    %dma_start3A_359 = arith.constant 0 : i32
    %dma_start3A_360 = arith.constant 0 : i32
    %dma_start3A_361 = tpu.memref_slice %arg6[%dma_start3A_357, %dma_start3A_359, %dma_start3A_360] : memref<2x2112x8xf32, #tpu.memory_space<vmem>> -> memref<1x2112x8xf32, #tpu.memory_space<vmem>>
    %dma_start3A_362 = tpu.memref_squeeze %dma_start3A_361 : memref<1x2112x8xf32, #tpu.memory_space<vmem>> -> memref<2112x8xf32, #tpu.memory_space<vmem>>
    %dma_start3A_363 = arith.constant 0 : i32
    %dma_start3A_364 = tpu.memref_slice %arg5[%dma_start3A_356, %dma_start3A_363] : memref<2x2112xi32, #tpu.memory_space<vmem>> -> memref<1x2112xi32, #tpu.memory_space<vmem>>
    %dma_start3A_365 = tpu.memref_squeeze %dma_start3A_364 : memref<1x2112xi32, #tpu.memory_space<vmem>> -> memref<2112xi32, #tpu.memory_space<vmem>>
    %dma_start3A_366 = arith.constant 0 : i32
    %dma_start3A_367 = arith.constant 0 : i32
    %dma_start3A_368 = tpu.memref_slice %arg2[%dma_start3A_366, %dma_start3A_367] : memref<100000x8xf32, #tpu.memory_space<hbm>> -> memref<100000x8xf32, #tpu.memory_space<hbm>>
    %dma_start3A_369 = tpu.memref_slice %arg7[%dma_start3A_358] : memref<2x!tpu.dma_semaphore, #tpu.memory_space<semaphore_mem>> -> memref<1x!tpu.dma_semaphore, #tpu.memory_space<semaphore_mem>>
    %dma_start3A_370 = tpu.memref_squeeze %dma_start3A_369 : memref<1x!tpu.dma_semaphore, #tpu.memory_space<semaphore_mem>> -> memref<!tpu.dma_semaphore, #tpu.memory_space<semaphore_mem>>
    tpu.enqueue_indirect_dma source(%dma_start3A_368 : memref<100000x8xf32, #tpu.memory_space<hbm>>) target(%dma_start3A_362 : memref<2112x8xf32, #tpu.memory_space<vmem>>) offsets(%dma_start3A_365 : memref<2112xi32, #tpu.memory_space<vmem>>) semaphore(%dma_start3A_370 : memref<!tpu.dma_semaphore, #tpu.memory_space<semaphore_mem>>)
    %dma_wait3A_371 = arith.constant 1 : i32
    %dma_wait3A_372 = arith.constant 1 : i32
    %dma_wait3A_373 = arith.constant 1 : i32
    %dma_wait3A_374 = arith.constant 0 : i32
    %dma_wait3A_375 = arith.constant 0 : i32
    %dma_wait3A_376 = tpu.memref_slice %arg6[%dma_wait3A_372, %dma_wait3A_374, %dma_wait3A_375] : memref<2x2112x8xf32, #tpu.memory_space<vmem>> -> memref<1x2112x8xf32, #tpu.memory_space<vmem>>
    %dma_wait3A_377 = tpu.memref_squeeze %dma_wait3A_376 : memref<1x2112x8xf32, #tpu.memory_space<vmem>> -> memref<2112x8xf32, #tpu.memory_space<vmem>>
    %dma_wait3A_378 = arith.constant 0 : i32
    %dma_wait3A_379 = tpu.memref_slice %arg5[%dma_wait3A_371, %dma_wait3A_378] : memref<2x2112xi32, #tpu.memory_space<vmem>> -> memref<1x2112xi32, #tpu.memory_space<vmem>>
    %dma_wait3A_380 = tpu.memref_squeeze %dma_wait3A_379 : memref<1x2112xi32, #tpu.memory_space<vmem>> -> memref<2112xi32, #tpu.memory_space<vmem>>
    %dma_wait3A_381 = arith.constant 0 : i32
    %dma_wait3A_382 = arith.constant 0 : i32
    %dma_wait3A_383 = tpu.memref_slice %arg2[%dma_wait3A_381, %dma_wait3A_382] : memref<100000x8xf32, #tpu.memory_space<hbm>> -> memref<100000x8xf32, #tpu.memory_space<hbm>>
    %dma_wait3A_384 = tpu.memref_slice %arg7[%dma_wait3A_373] : memref<2x!tpu.dma_semaphore, #tpu.memory_space<semaphore_mem>> -> memref<1x!tpu.dma_semaphore, #tpu.memory_space<semaphore_mem>>
    %dma_wait3A_385 = tpu.memref_squeeze %dma_wait3A_384 : memref<1x!tpu.dma_semaphore, #tpu.memory_space<semaphore_mem>> -> memref<!tpu.dma_semaphore, #tpu.memory_space<semaphore_mem>>
    tpu.wait_indirect_dma semaphore(%dma_wait3A_385 : memref<!tpu.dma_semaphore, #tpu.memory_space<semaphore_mem>>) src(%dma_wait3A_383 : memref<100000x8xf32, #tpu.memory_space<hbm>>) dst(%dma_wait3A_377 : memref<2112x8xf32, #tpu.memory_space<vmem>>)
    %add3A_386 = arith.constant 10560 : i32
    %add3A_387 = arith.addi %mul3A_2, %add3A_386 : i32
    %dma_start3A_388 = arith.constant 1 : i32
    %dma_start3A_389 = arith.constant 1 : i32
    %dma_start3A_390 = arith.constant 0 : i32
    %dma_start3A_391 = arith.constant 0 : i32
    %dma_start3A_392 = tpu.memref_slice %arg6[%dma_start3A_388, %dma_start3A_390, %dma_start3A_391] : memref<2x2112x8xf32, #tpu.memory_space<vmem>> -> memref<1x2112x8xf32, #tpu.memory_space<vmem>>
    %dma_start3A_393 = tpu.memref_squeeze %dma_start3A_392 : memref<1x2112x8xf32, #tpu.memory_space<vmem>> -> memref<2112x8xf32, #tpu.memory_space<vmem>>
    %dma_start3A_394 = arith.constant 0 : i32
    %dma_start3A_395 = tpu.memref_slice %arg4[%add3A_387, %dma_start3A_394] : memref<540672x8xf32, #tpu.memory_space<hbm>> -> memref<2112x8xf32, #tpu.memory_space<hbm>>
    %dma_start3A_396 = tpu.memref_slice %arg8[%dma_start3A_389] : memref<2x!tpu.dma_semaphore, #tpu.memory_space<semaphore_mem>> -> memref<1x!tpu.dma_semaphore, #tpu.memory_space<semaphore_mem>>
    %dma_start3A_397 = tpu.memref_squeeze %dma_start3A_396 : memref<1x!tpu.dma_semaphore, #tpu.memory_space<semaphore_mem>> -> memref<!tpu.dma_semaphore, #tpu.memory_space<semaphore_mem>>
    %dma_start3A_398 = arith.constant 0 : i32
    %dma_start3A_399 = tpu.memref_slice %arg4[%add3A_387, %dma_start3A_398] : memref<540672x8xf32, #tpu.memory_space<hbm>> -> memref<2112x8xf32, #tpu.memory_space<hbm>>
    %dma_start3A_400 = arith.constant 0 : i32
    %dma_start3A_401 = arith.constant 0 : i32
    %dma_start3A_402 = tpu.memref_slice %arg6[%dma_start3A_388, %dma_start3A_400, %dma_start3A_401] : memref<2x2112x8xf32, #tpu.memory_space<vmem>> -> memref<1x2112x8xf32, #tpu.memory_space<vmem>>
    %dma_start3A_403 = tpu.memref_squeeze %dma_start3A_402 : memref<1x2112x8xf32, #tpu.memory_space<vmem>> -> memref<2112x8xf32, #tpu.memory_space<vmem>>
    tpu.enqueue_dma source(%dma_start3A_403 : memref<2112x8xf32, #tpu.memory_space<vmem>>) target(%dma_start3A_399 : memref<2112x8xf32, #tpu.memory_space<hbm>>) target_semaphore(%dma_start3A_397 : memref<!tpu.dma_semaphore, #tpu.memory_space<semaphore_mem>>)
    %dma_wait3A_404 = arith.constant 1 : i32
    %dma_wait3A_405 = arith.constant 1 : i32
    %dma_wait3A_406 = arith.constant 0 : i32
    %dma_wait3A_407 = arith.constant 0 : i32
    %dma_wait3A_408 = tpu.memref_slice %arg6[%dma_wait3A_404, %dma_wait3A_406, %dma_wait3A_407] : memref<2x2112x8xf32, #tpu.memory_space<vmem>> -> memref<1x2112x8xf32, #tpu.memory_space<vmem>>
    %dma_wait3A_409 = tpu.memref_squeeze %dma_wait3A_408 : memref<1x2112x8xf32, #tpu.memory_space<vmem>> -> memref<2112x8xf32, #tpu.memory_space<vmem>>
    %dma_wait3A_410 = arith.constant 0 : i32
    %dma_wait3A_411 = tpu.memref_slice %arg4[%add3A_387, %dma_wait3A_410] : memref<540672x8xf32, #tpu.memory_space<hbm>> -> memref<2112x8xf32, #tpu.memory_space<hbm>>
    %dma_wait3A_412 = tpu.memref_slice %arg8[%dma_wait3A_405] : memref<2x!tpu.dma_semaphore, #tpu.memory_space<semaphore_mem>> -> memref<1x!tpu.dma_semaphore, #tpu.memory_space<semaphore_mem>>
    %dma_wait3A_413 = tpu.memref_squeeze %dma_wait3A_412 : memref<1x!tpu.dma_semaphore, #tpu.memory_space<semaphore_mem>> -> memref<!tpu.dma_semaphore, #tpu.memory_space<semaphore_mem>>
    %dma_wait3A_414 = arith.constant 0 : i32
    %dma_wait3A_415 = tpu.memref_slice %arg4[%add3A_387, %dma_wait3A_414] : memref<540672x8xf32, #tpu.memory_space<hbm>> -> memref<2112x8xf32, #tpu.memory_space<hbm>>
    %dma_wait3A_416 = arith.constant 0 : i32
    %dma_wait3A_417 = arith.constant 0 : i32
    %dma_wait3A_418 = tpu.memref_slice %arg6[%dma_wait3A_404, %dma_wait3A_416, %dma_wait3A_417] : memref<2x2112x8xf32, #tpu.memory_space<vmem>> -> memref<1x2112x8xf32, #tpu.memory_space<vmem>>
    %dma_wait3A_419 = tpu.memref_squeeze %dma_wait3A_418 : memref<1x2112x8xf32, #tpu.memory_space<vmem>> -> memref<2112x8xf32, #tpu.memory_space<vmem>>
    tpu.wait_dma2 semaphore(%dma_wait3A_413 : memref<!tpu.dma_semaphore, #tpu.memory_space<semaphore_mem>>) src(%dma_wait3A_419 : memref<2112x8xf32, #tpu.memory_space<vmem>>) dst(%dma_wait3A_415 : memref<2112x8xf32, #tpu.memory_space<hbm>>)
    %add3A_420 = arith.constant 14784 : i32
    %add3A_421 = arith.addi %mul3A_2, %add3A_420 : i32
    %run_scoped3A_422 = arith.constant 1 : i32
    "tpu.region"() ({
      %run_scoped3A_536 = tpu.sem_alloc : memref<!tpu.dma_semaphore, #tpu.memory_space<semaphore_mem>>
      %dma_start3A_537 = arith.constant 0 : i32
      %dma_start3A_538 = tpu.memref_slice %arg5[%run_scoped3A_422, %dma_start3A_537] : memref<2x2112xi32, #tpu.memory_space<vmem>> -> memref<1x2112xi32, #tpu.memory_space<vmem>>
      %dma_start3A_539 = tpu.memref_squeeze %dma_start3A_538 : memref<1x2112xi32, #tpu.memory_space<vmem>> -> memref<2112xi32, #tpu.memory_space<vmem>>
      %dma_start3A_540 = tpu.memref_slice %arg3[%add3A_421] : memref<540672xi32, #tpu.memory_space<hbm>> -> memref<2112xi32, #tpu.memory_space<hbm>>
      %dma_start3A_541 = arith.constant 0 : i32
      %dma_start3A_542 = tpu.memref_slice %arg5[%run_scoped3A_422, %dma_start3A_541] : memref<2x2112xi32, #tpu.memory_space<vmem>> -> memref<1x2112xi32, #tpu.memory_space<vmem>>
      %dma_start3A_543 = tpu.memref_squeeze %dma_start3A_542 : memref<1x2112xi32, #tpu.memory_space<vmem>> -> memref<2112xi32, #tpu.memory_space<vmem>>
      %dma_start3A_544 = tpu.memref_slice %arg3[%add3A_421] : memref<540672xi32, #tpu.memory_space<hbm>> -> memref<2112xi32, #tpu.memory_space<hbm>>
      tpu.enqueue_dma source(%dma_start3A_544 : memref<2112xi32, #tpu.memory_space<hbm>>) target(%dma_start3A_543 : memref<2112xi32, #tpu.memory_space<vmem>>) target_semaphore(%run_scoped3A_536 : memref<!tpu.dma_semaphore, #tpu.memory_space<semaphore_mem>>)
      %dma_wait3A_545 = arith.constant 0 : i32
      %dma_wait3A_546 = tpu.memref_slice %arg5[%run_scoped3A_422, %dma_wait3A_545] : memref<2x2112xi32, #tpu.memory_space<vmem>> -> memref<1x2112xi32, #tpu.memory_space<vmem>>
      %dma_wait3A_547 = tpu.memref_squeeze %dma_wait3A_546 : memref<1x2112xi32, #tpu.memory_space<vmem>> -> memref<2112xi32, #tpu.memory_space<vmem>>
      %dma_wait3A_548 = tpu.memref_slice %arg3[%add3A_421] : memref<540672xi32, #tpu.memory_space<hbm>> -> memref<2112xi32, #tpu.memory_space<hbm>>
      %dma_wait3A_549 = arith.constant 0 : i32
      %dma_wait3A_550 = tpu.memref_slice %arg5[%run_scoped3A_422, %dma_wait3A_549] : memref<2x2112xi32, #tpu.memory_space<vmem>> -> memref<1x2112xi32, #tpu.memory_space<vmem>>
      %dma_wait3A_551 = tpu.memref_squeeze %dma_wait3A_550 : memref<1x2112xi32, #tpu.memory_space<vmem>> -> memref<2112xi32, #tpu.memory_space<vmem>>
      %dma_wait3A_552 = tpu.memref_slice %arg3[%add3A_421] : memref<540672xi32, #tpu.memory_space<hbm>> -> memref<2112xi32, #tpu.memory_space<hbm>>
      tpu.wait_dma2 semaphore(%run_scoped3A_536 : memref<!tpu.dma_semaphore, #tpu.memory_space<semaphore_mem>>) src(%dma_wait3A_552 : memref<2112xi32, #tpu.memory_space<hbm>>) dst(%dma_wait3A_551 : memref<2112xi32, #tpu.memory_space<vmem>>)
      tpu.yield
    }) : () -> ()
    %dma_start3A_423 = arith.constant 1 : i32
    %dma_start3A_424 = arith.constant 1 : i32
    %dma_start3A_425 = arith.constant 1 : i32
    %dma_start3A_426 = arith.constant 0 : i32
    %dma_start3A_427 = arith.constant 0 : i32
    %dma_start3A_428 = tpu.memref_slice %arg6[%dma_start3A_424, %dma_start3A_426, %dma_start3A_427] : memref<2x2112x8xf32, #tpu.memory_space<vmem>> -> memref<1x2112x8xf32, #tpu.memory_space<vmem>>
    %dma_start3A_429 = tpu.memref_squeeze %dma_start3A_428 : memref<1x2112x8xf32, #tpu.memory_space<vmem>> -> memref<2112x8xf32, #tpu.memory_space<vmem>>
    %dma_start3A_430 = arith.constant 0 : i32
    %dma_start3A_431 = tpu.memref_slice %arg5[%dma_start3A_423, %dma_start3A_430] : memref<2x2112xi32, #tpu.memory_space<vmem>> -> memref<1x2112xi32, #tpu.memory_space<vmem>>
    %dma_start3A_432 = tpu.memref_squeeze %dma_start3A_431 : memref<1x2112xi32, #tpu.memory_space<vmem>> -> memref<2112xi32, #tpu.memory_space<vmem>>
    %dma_start3A_433 = arith.constant 0 : i32
    %dma_start3A_434 = arith.constant 0 : i32
    %dma_start3A_435 = tpu.memref_slice %arg2[%dma_start3A_433, %dma_start3A_434] : memref<100000x8xf32, #tpu.memory_space<hbm>> -> memref<100000x8xf32, #tpu.memory_space<hbm>>
    %dma_start3A_436 = tpu.memref_slice %arg7[%dma_start3A_425] : memref<2x!tpu.dma_semaphore, #tpu.memory_space<semaphore_mem>> -> memref<1x!tpu.dma_semaphore, #tpu.memory_space<semaphore_mem>>
    %dma_start3A_437 = tpu.memref_squeeze %dma_start3A_436 : memref<1x!tpu.dma_semaphore, #tpu.memory_space<semaphore_mem>> -> memref<!tpu.dma_semaphore, #tpu.memory_space<semaphore_mem>>
    tpu.enqueue_indirect_dma source(%dma_start3A_435 : memref<100000x8xf32, #tpu.memory_space<hbm>>) target(%dma_start3A_429 : memref<2112x8xf32, #tpu.memory_space<vmem>>) offsets(%dma_start3A_432 : memref<2112xi32, #tpu.memory_space<vmem>>) semaphore(%dma_start3A_437 : memref<!tpu.dma_semaphore, #tpu.memory_space<semaphore_mem>>)
    %dma_wait3A_438 = arith.constant 0 : i32
    %dma_wait3A_439 = arith.constant 0 : i32
    %dma_wait3A_440 = arith.constant 0 : i32
    %dma_wait3A_441 = arith.constant 0 : i32
    %dma_wait3A_442 = arith.constant 0 : i32
    %dma_wait3A_443 = tpu.memref_slice %arg6[%dma_wait3A_439, %dma_wait3A_441, %dma_wait3A_442] : memref<2x2112x8xf32, #tpu.memory_space<vmem>> -> memref<1x2112x8xf32, #tpu.memory_space<vmem>>
    %dma_wait3A_444 = tpu.memref_squeeze %dma_wait3A_443 : memref<1x2112x8xf32, #tpu.memory_space<vmem>> -> memref<2112x8xf32, #tpu.memory_space<vmem>>
    %dma_wait3A_445 = arith.constant 0 : i32
    %dma_wait3A_446 = tpu.memref_slice %arg5[%dma_wait3A_438, %dma_wait3A_445] : memref<2x2112xi32, #tpu.memory_space<vmem>> -> memref<1x2112xi32, #tpu.memory_space<vmem>>
    %dma_wait3A_447 = tpu.memref_squeeze %dma_wait3A_446 : memref<1x2112xi32, #tpu.memory_space<vmem>> -> memref<2112xi32, #tpu.memory_space<vmem>>
    %dma_wait3A_448 = arith.constant 0 : i32
    %dma_wait3A_449 = arith.constant 0 : i32
    %dma_wait3A_450 = tpu.memref_slice %arg2[%dma_wait3A_448, %dma_wait3A_449] : memref<100000x8xf32, #tpu.memory_space<hbm>> -> memref<100000x8xf32, #tpu.memory_space<hbm>>
    %dma_wait3A_451 = tpu.memref_slice %arg7[%dma_wait3A_440] : memref<2x!tpu.dma_semaphore, #tpu.memory_space<semaphore_mem>> -> memref<1x!tpu.dma_semaphore, #tpu.memory_space<semaphore_mem>>
    %dma_wait3A_452 = tpu.memref_squeeze %dma_wait3A_451 : memref<1x!tpu.dma_semaphore, #tpu.memory_space<semaphore_mem>> -> memref<!tpu.dma_semaphore, #tpu.memory_space<semaphore_mem>>
    tpu.wait_indirect_dma semaphore(%dma_wait3A_452 : memref<!tpu.dma_semaphore, #tpu.memory_space<semaphore_mem>>) src(%dma_wait3A_450 : memref<100000x8xf32, #tpu.memory_space<hbm>>) dst(%dma_wait3A_444 : memref<2112x8xf32, #tpu.memory_space<vmem>>)
    %add3A_453 = arith.constant 12672 : i32
    %add3A_454 = arith.addi %mul3A_2, %add3A_453 : i32
    %dma_start3A_455 = arith.constant 0 : i32
    %dma_start3A_456 = arith.constant 0 : i32
    %dma_start3A_457 = arith.constant 0 : i32
    %dma_start3A_458 = arith.constant 0 : i32
    %dma_start3A_459 = tpu.memref_slice %arg6[%dma_start3A_455, %dma_start3A_457, %dma_start3A_458] : memref<2x2112x8xf32, #tpu.memory_space<vmem>> -> memref<1x2112x8xf32, #tpu.memory_space<vmem>>
    %dma_start3A_460 = tpu.memref_squeeze %dma_start3A_459 : memref<1x2112x8xf32, #tpu.memory_space<vmem>> -> memref<2112x8xf32, #tpu.memory_space<vmem>>
    %dma_start3A_461 = arith.constant 0 : i32
    %dma_start3A_462 = tpu.memref_slice %arg4[%add3A_454, %dma_start3A_461] : memref<540672x8xf32, #tpu.memory_space<hbm>> -> memref<2112x8xf32, #tpu.memory_space<hbm>>
    %dma_start3A_463 = tpu.memref_slice %arg8[%dma_start3A_456] : memref<2x!tpu.dma_semaphore, #tpu.memory_space<semaphore_mem>> -> memref<1x!tpu.dma_semaphore, #tpu.memory_space<semaphore_mem>>
    %dma_start3A_464 = tpu.memref_squeeze %dma_start3A_463 : memref<1x!tpu.dma_semaphore, #tpu.memory_space<semaphore_mem>> -> memref<!tpu.dma_semaphore, #tpu.memory_space<semaphore_mem>>
    %dma_start3A_465 = arith.constant 0 : i32
    %dma_start3A_466 = tpu.memref_slice %arg4[%add3A_454, %dma_start3A_465] : memref<540672x8xf32, #tpu.memory_space<hbm>> -> memref<2112x8xf32, #tpu.memory_space<hbm>>
    %dma_start3A_467 = arith.constant 0 : i32
    %dma_start3A_468 = arith.constant 0 : i32
    %dma_start3A_469 = tpu.memref_slice %arg6[%dma_start3A_455, %dma_start3A_467, %dma_start3A_468] : memref<2x2112x8xf32, #tpu.memory_space<vmem>> -> memref<1x2112x8xf32, #tpu.memory_space<vmem>>
    %dma_start3A_470 = tpu.memref_squeeze %dma_start3A_469 : memref<1x2112x8xf32, #tpu.memory_space<vmem>> -> memref<2112x8xf32, #tpu.memory_space<vmem>>
    tpu.enqueue_dma source(%dma_start3A_470 : memref<2112x8xf32, #tpu.memory_space<vmem>>) target(%dma_start3A_466 : memref<2112x8xf32, #tpu.memory_space<hbm>>) target_semaphore(%dma_start3A_464 : memref<!tpu.dma_semaphore, #tpu.memory_space<semaphore_mem>>)
    %dma_wait3A_471 = arith.constant 1 : i32
    %dma_wait3A_472 = arith.constant 1 : i32
    %dma_wait3A_473 = arith.constant 1 : i32
    %dma_wait3A_474 = arith.constant 0 : i32
    %dma_wait3A_475 = arith.constant 0 : i32
    %dma_wait3A_476 = tpu.memref_slice %arg6[%dma_wait3A_472, %dma_wait3A_474, %dma_wait3A_475] : memref<2x2112x8xf32, #tpu.memory_space<vmem>> -> memref<1x2112x8xf32, #tpu.memory_space<vmem>>
    %dma_wait3A_477 = tpu.memref_squeeze %dma_wait3A_476 : memref<1x2112x8xf32, #tpu.memory_space<vmem>> -> memref<2112x8xf32, #tpu.memory_space<vmem>>
    %dma_wait3A_478 = arith.constant 0 : i32
    %dma_wait3A_479 = tpu.memref_slice %arg5[%dma_wait3A_471, %dma_wait3A_478] : memref<2x2112xi32, #tpu.memory_space<vmem>> -> memref<1x2112xi32, #tpu.memory_space<vmem>>
    %dma_wait3A_480 = tpu.memref_squeeze %dma_wait3A_479 : memref<1x2112xi32, #tpu.memory_space<vmem>> -> memref<2112xi32, #tpu.memory_space<vmem>>
    %dma_wait3A_481 = arith.constant 0 : i32
    %dma_wait3A_482 = arith.constant 0 : i32
    %dma_wait3A_483 = tpu.memref_slice %arg2[%dma_wait3A_481, %dma_wait3A_482] : memref<100000x8xf32, #tpu.memory_space<hbm>> -> memref<100000x8xf32, #tpu.memory_space<hbm>>
    %dma_wait3A_484 = tpu.memref_slice %arg7[%dma_wait3A_473] : memref<2x!tpu.dma_semaphore, #tpu.memory_space<semaphore_mem>> -> memref<1x!tpu.dma_semaphore, #tpu.memory_space<semaphore_mem>>
    %dma_wait3A_485 = tpu.memref_squeeze %dma_wait3A_484 : memref<1x!tpu.dma_semaphore, #tpu.memory_space<semaphore_mem>> -> memref<!tpu.dma_semaphore, #tpu.memory_space<semaphore_mem>>
    tpu.wait_indirect_dma semaphore(%dma_wait3A_485 : memref<!tpu.dma_semaphore, #tpu.memory_space<semaphore_mem>>) src(%dma_wait3A_483 : memref<100000x8xf32, #tpu.memory_space<hbm>>) dst(%dma_wait3A_477 : memref<2112x8xf32, #tpu.memory_space<vmem>>)
    %add3A_486 = arith.constant 14784 : i32
    %add3A_487 = arith.addi %mul3A_2, %add3A_486 : i32
    %dma_start3A_488 = arith.constant 1 : i32
    %dma_start3A_489 = arith.constant 1 : i32
    %dma_start3A_490 = arith.constant 0 : i32
    %dma_start3A_491 = arith.constant 0 : i32
    %dma_start3A_492 = tpu.memref_slice %arg6[%dma_start3A_488, %dma_start3A_490, %dma_start3A_491] : memref<2x2112x8xf32, #tpu.memory_space<vmem>> -> memref<1x2112x8xf32, #tpu.memory_space<vmem>>
    %dma_start3A_493 = tpu.memref_squeeze %dma_start3A_492 : memref<1x2112x8xf32, #tpu.memory_space<vmem>> -> memref<2112x8xf32, #tpu.memory_space<vmem>>
    %dma_start3A_494 = arith.constant 0 : i32
    %dma_start3A_495 = tpu.memref_slice %arg4[%add3A_487, %dma_start3A_494] : memref<540672x8xf32, #tpu.memory_space<hbm>> -> memref<2112x8xf32, #tpu.memory_space<hbm>>
    %dma_start3A_496 = tpu.memref_slice %arg8[%dma_start3A_489] : memref<2x!tpu.dma_semaphore, #tpu.memory_space<semaphore_mem>> -> memref<1x!tpu.dma_semaphore, #tpu.memory_space<semaphore_mem>>
    %dma_start3A_497 = tpu.memref_squeeze %dma_start3A_496 : memref<1x!tpu.dma_semaphore, #tpu.memory_space<semaphore_mem>> -> memref<!tpu.dma_semaphore, #tpu.memory_space<semaphore_mem>>
    %dma_start3A_498 = arith.constant 0 : i32
    %dma_start3A_499 = tpu.memref_slice %arg4[%add3A_487, %dma_start3A_498] : memref<540672x8xf32, #tpu.memory_space<hbm>> -> memref<2112x8xf32, #tpu.memory_space<hbm>>
    %dma_start3A_500 = arith.constant 0 : i32
    %dma_start3A_501 = arith.constant 0 : i32
    %dma_start3A_502 = tpu.memref_slice %arg6[%dma_start3A_488, %dma_start3A_500, %dma_start3A_501] : memref<2x2112x8xf32, #tpu.memory_space<vmem>> -> memref<1x2112x8xf32, #tpu.memory_space<vmem>>
    %dma_start3A_503 = tpu.memref_squeeze %dma_start3A_502 : memref<1x2112x8xf32, #tpu.memory_space<vmem>> -> memref<2112x8xf32, #tpu.memory_space<vmem>>
    tpu.enqueue_dma source(%dma_start3A_503 : memref<2112x8xf32, #tpu.memory_space<vmem>>) target(%dma_start3A_499 : memref<2112x8xf32, #tpu.memory_space<hbm>>) target_semaphore(%dma_start3A_497 : memref<!tpu.dma_semaphore, #tpu.memory_space<semaphore_mem>>)
    %dma_wait3A_504 = arith.constant 0 : i32
    %dma_wait3A_505 = arith.constant 0 : i32
    %dma_wait3A_506 = arith.constant 0 : i32
    %dma_wait3A_507 = arith.constant 0 : i32
    %dma_wait3A_508 = tpu.memref_slice %arg6[%dma_wait3A_504, %dma_wait3A_506, %dma_wait3A_507] : memref<2x2112x8xf32, #tpu.memory_space<vmem>> -> memref<1x2112x8xf32, #tpu.memory_space<vmem>>
    %dma_wait3A_509 = tpu.memref_squeeze %dma_wait3A_508 : memref<1x2112x8xf32, #tpu.memory_space<vmem>> -> memref<2112x8xf32, #tpu.memory_space<vmem>>
    %dma_wait3A_510 = arith.constant 0 : i32
    %dma_wait3A_511 = tpu.memref_slice %arg4[%add3A_454, %dma_wait3A_510] : memref<540672x8xf32, #tpu.memory_space<hbm>> -> memref<2112x8xf32, #tpu.memory_space<hbm>>
    %dma_wait3A_512 = tpu.memref_slice %arg8[%dma_wait3A_505] : memref<2x!tpu.dma_semaphore, #tpu.memory_space<semaphore_mem>> -> memref<1x!tpu.dma_semaphore, #tpu.memory_space<semaphore_mem>>
    %dma_wait3A_513 = tpu.memref_squeeze %dma_wait3A_512 : memref<1x!tpu.dma_semaphore, #tpu.memory_space<semaphore_mem>> -> memref<!tpu.dma_semaphore, #tpu.memory_space<semaphore_mem>>
    %dma_wait3A_514 = arith.constant 0 : i32
    %dma_wait3A_515 = tpu.memref_slice %arg4[%add3A_454, %dma_wait3A_514] : memref<540672x8xf32, #tpu.memory_space<hbm>> -> memref<2112x8xf32, #tpu.memory_space<hbm>>
    %dma_wait3A_516 = arith.constant 0 : i32
    %dma_wait3A_517 = arith.constant 0 : i32
    %dma_wait3A_518 = tpu.memref_slice %arg6[%dma_wait3A_504, %dma_wait3A_516, %dma_wait3A_517] : memref<2x2112x8xf32, #tpu.memory_space<vmem>> -> memref<1x2112x8xf32, #tpu.memory_space<vmem>>
    %dma_wait3A_519 = tpu.memref_squeeze %dma_wait3A_518 : memref<1x2112x8xf32, #tpu.memory_space<vmem>> -> memref<2112x8xf32, #tpu.memory_space<vmem>>
    tpu.wait_dma2 semaphore(%dma_wait3A_513 : memref<!tpu.dma_semaphore, #tpu.memory_space<semaphore_mem>>) src(%dma_wait3A_519 : memref<2112x8xf32, #tpu.memory_space<vmem>>) dst(%dma_wait3A_515 : memref<2112x8xf32, #tpu.memory_space<hbm>>)
    %dma_wait3A_520 = arith.constant 1 : i32
    %dma_wait3A_521 = arith.constant 1 : i32
    %dma_wait3A_522 = arith.constant 0 : i32
    %dma_wait3A_523 = arith.constant 0 : i32
    %dma_wait3A_524 = tpu.memref_slice %arg6[%dma_wait3A_520, %dma_wait3A_522, %dma_wait3A_523] : memref<2x2112x8xf32, #tpu.memory_space<vmem>> -> memref<1x2112x8xf32, #tpu.memory_space<vmem>>
    %dma_wait3A_525 = tpu.memref_squeeze %dma_wait3A_524 : memref<1x2112x8xf32, #tpu.memory_space<vmem>> -> memref<2112x8xf32, #tpu.memory_space<vmem>>
    %dma_wait3A_526 = arith.constant 0 : i32
    %dma_wait3A_527 = tpu.memref_slice %arg4[%add3A_487, %dma_wait3A_526] : memref<540672x8xf32, #tpu.memory_space<hbm>> -> memref<2112x8xf32, #tpu.memory_space<hbm>>
    %dma_wait3A_528 = tpu.memref_slice %arg8[%dma_wait3A_521] : memref<2x!tpu.dma_semaphore, #tpu.memory_space<semaphore_mem>> -> memref<1x!tpu.dma_semaphore, #tpu.memory_space<semaphore_mem>>
    %dma_wait3A_529 = tpu.memref_squeeze %dma_wait3A_528 : memref<1x!tpu.dma_semaphore, #tpu.memory_space<semaphore_mem>> -> memref<!tpu.dma_semaphore, #tpu.memory_space<semaphore_mem>>
    %dma_wait3A_530 = arith.constant 0 : i32
    %dma_wait3A_531 = tpu.memref_slice %arg4[%add3A_487, %dma_wait3A_530] : memref<540672x8xf32, #tpu.memory_space<hbm>> -> memref<2112x8xf32, #tpu.memory_space<hbm>>
    %dma_wait3A_532 = arith.constant 0 : i32
    %dma_wait3A_533 = arith.constant 0 : i32
    %dma_wait3A_534 = tpu.memref_slice %arg6[%dma_wait3A_520, %dma_wait3A_532, %dma_wait3A_533] : memref<2x2112x8xf32, #tpu.memory_space<vmem>> -> memref<1x2112x8xf32, #tpu.memory_space<vmem>>
    %dma_wait3A_535 = tpu.memref_squeeze %dma_wait3A_534 : memref<1x2112x8xf32, #tpu.memory_space<vmem>> -> memref<2112x8xf32, #tpu.memory_space<vmem>>
    tpu.wait_dma2 semaphore(%dma_wait3A_529 : memref<!tpu.dma_semaphore, #tpu.memory_space<semaphore_mem>>) src(%dma_wait3A_535 : memref<2112x8xf32, #tpu.memory_space<vmem>>) dst(%dma_wait3A_531 : memref<2112x8xf32, #tpu.memory_space<hbm>>)
    return
  }
}

#map = affine_map<(d0, d1) -> (0, 0)>
#map1 = affine_map<(d0, d1) -> (0)>
module attributes {stable_mosaic.version = 14 : i64} {
  func.func @gather_k(%arg0: i32, %arg1: i32, %arg2: memref<100000x8xf32, #tpu.memory_space<hbm>>, %arg3: memref<540672xi32, #tpu.memory_space<hbm>>, %arg4: memref<540672x8xf32, #tpu.memory_space<hbm>>, %arg5: memref<2x2112xi32, #tpu.memory_space<vmem>>, %arg6: memref<2x2112x8xf32, #tpu.memory_space<vmem>>, %arg7: memref<2x!tpu.dma_semaphore, #tpu.memory_space<semaphore_mem>>, %arg8: memref<2x!tpu.dma_semaphore, #tpu.memory_space<semaphore_mem>>) attributes {dimension_semantics = [#tpu.dimension_semantics<core_parallel>, #tpu.dimension_semantics<subcore_parallel>], iteration_bounds = array<i64: 2, 16>, scalar_prefetch = 0 : i64, scratch_operands = 4 : i64, tpu.core_type = #tpu.core_type<sc_vector_subcore>, window_params = [{transform_indices = #map}, {transform_indices = #map1}, {transform_indices = #map}]} {
    %mul3A = arith.constant 2 : i32
    %mul3A_0 = arith.muli %arg1, %mul3A : i32
    %add3A = arith.addi %mul3A_0, %arg0 : i32
    %mul3A_1 = arith.constant 16896 : i32
    %mul3A_2 = arith.muli %add3A, %mul3A_1 : i32
    %add3A_3 = arith.constant 0 : i32
    %add3A_4 = arith.addi %mul3A_2, %add3A_3 : i32
    %run_scoped3A = arith.constant 0 : i32
    "tpu.region"() ({
      %run_scoped3A_536 = tpu.sem_alloc : memref<!tpu.dma_semaphore, #tpu.memory_space<semaphore_mem>>
      %dma_start3A_537 = arith.constant 0 : i32
      %dma_start3A_538 = tpu.memref_slice %arg5[%run_scoped3A, %dma_start3A_537] : memref<2x2112xi32, #tpu.memory_space<vmem>> -> memref<1x2112xi32, #tpu.memory_space<vmem>>
      %dma_start3A_539 = tpu.memref_squeeze %dma_start3A_538 : memref<1x2112xi32, #tpu.memory_space<vmem>> -> memref<2112xi32, #tpu.memory_space<vmem>>
      %dma_start3A_540 = tpu.memref_slice %arg3[%add3A_4] : memref<540672xi32, #tpu.memory_space<hbm>> -> memref<2112xi32, #tpu.memory_space<hbm>>
      %dma_start3A_541 = arith.constant 0 : i32
      %dma_start3A_542 = tpu.memref_slice %arg5[%run_scoped3A, %dma_start3A_541] : memref<2x2112xi32, #tpu.memory_space<vmem>> -> memref<1x2112xi32, #tpu.memory_space<vmem>>
      %dma_start3A_543 = tpu.memref_squeeze %dma_start3A_542 : memref<1x2112xi32, #tpu.memory_space<vmem>> -> memref<2112xi32, #tpu.memory_space<vmem>>
      %dma_start3A_544 = tpu.memref_slice %arg3[%add3A_4] : memref<540672xi32, #tpu.memory_space<hbm>> -> memref<2112xi32, #tpu.memory_space<hbm>>
      tpu.enqueue_dma source(%dma_start3A_544 : memref<2112xi32, #tpu.memory_space<hbm>>) target(%dma_start3A_543 : memref<2112xi32, #tpu.memory_space<vmem>>) target_semaphore(%run_scoped3A_536 : memref<!tpu.dma_semaphore, #tpu.memory_space<semaphore_mem>>)
      %dma_wait3A_545 = arith.constant 0 : i32
      %dma_wait3A_546 = tpu.memref_slice %arg5[%run_scoped3A, %dma_wait3A_545] : memref<2x2112xi32, #tpu.memory_space<vmem>> -> memref<1x2112xi32, #tpu.memory_space<vmem>>
      %dma_wait3A_547 = tpu.memref_squeeze %dma_wait3A_546 : memref<1x2112xi32, #tpu.memory_space<vmem>> -> memref<2112xi32, #tpu.memory_space<vmem>>
      %dma_wait3A_548 = tpu.memref_slice %arg3[%add3A_4] : memref<540672xi32, #tpu.memory_space<hbm>> -> memref<2112xi32, #tpu.memory_space<hbm>>
      %dma_wait3A_549 = arith.constant 0 : i32
      %dma_wait3A_550 = tpu.memref_slice %arg5[%run_scoped3A, %dma_wait3A_549] : memref<2x2112xi32, #tpu.memory_space<vmem>> -> memref<1x2112xi32, #tpu.memory_space<vmem>>
      %dma_wait3A_551 = tpu.memref_squeeze %dma_wait3A_550 : memref<1x2112xi32, #tpu.memory_space<vmem>> -> memref<2112xi32, #tpu.memory_space<vmem>>
      %dma_wait3A_552 = tpu.memref_slice %arg3[%add3A_4] : memref<540672xi32, #tpu.memory_space<hbm>> -> memref<2112xi32, #tpu.memory_space<hbm>>
      tpu.wait_dma2 semaphore(%run_scoped3A_536 : memref<!tpu.dma_semaphore, #tpu.memory_space<semaphore_mem>>) src(%dma_wait3A_552 : memref<2112xi32, #tpu.memory_space<hbm>>) dst(%dma_wait3A_551 : memref<2112xi32, #tpu.memory_space<vmem>>)
      tpu.yield
    }) : () -> ()
    %dma_start3A = arith.constant 0 : i32
    %dma_start3A_5 = arith.constant 0 : i32
    %dma_start3A_6 = arith.constant 0 : i32
    %dma_start3A_7 = arith.constant 0 : i32
    %dma_start3A_8 = arith.constant 0 : i32
    %dma_start3A_9 = tpu.memref_slice %arg6[%dma_start3A_5, %dma_start3A_7, %dma_start3A_8] : memref<2x2112x8xf32, #tpu.memory_space<vmem>> -> memref<1x2112x8xf32, #tpu.memory_space<vmem>>
    %dma_start3A_10 = tpu.memref_squeeze %dma_start3A_9 : memref<1x2112x8xf32, #tpu.memory_space<vmem>> -> memref<2112x8xf32, #tpu.memory_space<vmem>>
    %dma_start3A_11 = arith.constant 0 : i32
    %dma_start3A_12 = tpu.memref_slice %arg5[%dma_start3A, %dma_start3A_11] : memref<2x2112xi32, #tpu.memory_space<vmem>> -> memref<1x2112xi32, #tpu.memory_space<vmem>>
    %dma_start3A_13 = tpu.memref_squeeze %dma_start3A_12 : memref<1x2112xi32, #tpu.memory_space<vmem>> -> memref<2112xi32, #tpu.memory_space<vmem>>
    %dma_start3A_14 = arith.constant 0 : i32
    %dma_start3A_15 = arith.constant 0 : i32
    %dma_start3A_16 = tpu.memref_slice %arg2[%dma_start3A_14, %dma_start3A_15] : memref<100000x8xf32, #tpu.memory_space<hbm>> -> memref<100000x8xf32, #tpu.memory_space<hbm>>
    %dma_start3A_17 = tpu.memref_slice %arg7[%dma_start3A_6] : memref<2x!tpu.dma_semaphore, #tpu.memory_space<semaphore_mem>> -> memref<1x!tpu.dma_semaphore, #tpu.memory_space<semaphore_mem>>
    %dma_start3A_18 = tpu.memref_squeeze %dma_start3A_17 : memref<1x!tpu.dma_semaphore, #tpu.memory_space<semaphore_mem>> -> memref<!tpu.dma_semaphore, #tpu.memory_space<semaphore_mem>>
    tpu.enqueue_indirect_dma source(%dma_start3A_16 : memref<100000x8xf32, #tpu.memory_space<hbm>>) target(%dma_start3A_10 : memref<2112x8xf32, #tpu.memory_space<vmem>>) offsets(%dma_start3A_13 : memref<2112xi32, #tpu.memory_space<vmem>>) semaphore(%dma_start3A_18 : memref<!tpu.dma_semaphore, #tpu.memory_space<semaphore_mem>>)
    %add3A_19 = arith.constant 2112 : i32
    %add3A_20 = arith.addi %mul3A_2, %add3A_19 : i32
    %run_scoped3A_21 = arith.constant 1 : i32
    "tpu.region"() ({
      %run_scoped3A_536 = tpu.sem_alloc : memref<!tpu.dma_semaphore, #tpu.memory_space<semaphore_mem>>
      %dma_start3A_537 = arith.constant 0 : i32
      %dma_start3A_538 = tpu.memref_slice %arg5[%run_scoped3A_21, %dma_start3A_537] : memref<2x2112xi32, #tpu.memory_space<vmem>> -> memref<1x2112xi32, #tpu.memory_space<vmem>>
      %dma_start3A_539 = tpu.memref_squeeze %dma_start3A_538 : memref<1x2112xi32, #tpu.memory_space<vmem>> -> memref<2112xi32, #tpu.memory_space<vmem>>
      %dma_start3A_540 = tpu.memref_slice %arg3[%add3A_20] : memref<540672xi32, #tpu.memory_space<hbm>> -> memref<2112xi32, #tpu.memory_space<hbm>>
      %dma_start3A_541 = arith.constant 0 : i32
      %dma_start3A_542 = tpu.memref_slice %arg5[%run_scoped3A_21, %dma_start3A_541] : memref<2x2112xi32, #tpu.memory_space<vmem>> -> memref<1x2112xi32, #tpu.memory_space<vmem>>
      %dma_start3A_543 = tpu.memref_squeeze %dma_start3A_542 : memref<1x2112xi32, #tpu.memory_space<vmem>> -> memref<2112xi32, #tpu.memory_space<vmem>>
      %dma_start3A_544 = tpu.memref_slice %arg3[%add3A_20] : memref<540672xi32, #tpu.memory_space<hbm>> -> memref<2112xi32, #tpu.memory_space<hbm>>
      tpu.enqueue_dma source(%dma_start3A_544 : memref<2112xi32, #tpu.memory_space<hbm>>) target(%dma_start3A_543 : memref<2112xi32, #tpu.memory_space<vmem>>) target_semaphore(%run_scoped3A_536 : memref<!tpu.dma_semaphore, #tpu.memory_space<semaphore_mem>>)
      %dma_wait3A_545 = arith.constant 0 : i32
      %dma_wait3A_546 = tpu.memref_slice %arg5[%run_scoped3A_21, %dma_wait3A_545] : memref<2x2112xi32, #tpu.memory_space<vmem>> -> memref<1x2112xi32, #tpu.memory_space<vmem>>
      %dma_wait3A_547 = tpu.memref_squeeze %dma_wait3A_546 : memref<1x2112xi32, #tpu.memory_space<vmem>> -> memref<2112xi32, #tpu.memory_space<vmem>>
      %dma_wait3A_548 = tpu.memref_slice %arg3[%add3A_20] : memref<540672xi32, #tpu.memory_space<hbm>> -> memref<2112xi32, #tpu.memory_space<hbm>>
      %dma_wait3A_549 = arith.constant 0 : i32
      %dma_wait3A_550 = tpu.memref_slice %arg5[%run_scoped3A_21, %dma_wait3A_549] : memref<2x2112xi32, #tpu.memory_space<vmem>> -> memref<1x2112xi32, #tpu.memory_space<vmem>>
      %dma_wait3A_551 = tpu.memref_squeeze %dma_wait3A_550 : memref<1x2112xi32, #tpu.memory_space<vmem>> -> memref<2112xi32, #tpu.memory_space<vmem>>
      %dma_wait3A_552 = tpu.memref_slice %arg3[%add3A_20] : memref<540672xi32, #tpu.memory_space<hbm>> -> memref<2112xi32, #tpu.memory_space<hbm>>
      tpu.wait_dma2 semaphore(%run_scoped3A_536 : memref<!tpu.dma_semaphore, #tpu.memory_space<semaphore_mem>>) src(%dma_wait3A_552 : memref<2112xi32, #tpu.memory_space<hbm>>) dst(%dma_wait3A_551 : memref<2112xi32, #tpu.memory_space<vmem>>)
      tpu.yield
    }) : () -> ()
    %dma_start3A_22 = arith.constant 1 : i32
    %dma_start3A_23 = arith.constant 1 : i32
    %dma_start3A_24 = arith.constant 1 : i32
    %dma_start3A_25 = arith.constant 0 : i32
    %dma_start3A_26 = arith.constant 0 : i32
    %dma_start3A_27 = tpu.memref_slice %arg6[%dma_start3A_23, %dma_start3A_25, %dma_start3A_26] : memref<2x2112x8xf32, #tpu.memory_space<vmem>> -> memref<1x2112x8xf32, #tpu.memory_space<vmem>>
    %dma_start3A_28 = tpu.memref_squeeze %dma_start3A_27 : memref<1x2112x8xf32, #tpu.memory_space<vmem>> -> memref<2112x8xf32, #tpu.memory_space<vmem>>
    %dma_start3A_29 = arith.constant 0 : i32
    %dma_start3A_30 = tpu.memref_slice %arg5[%dma_start3A_22, %dma_start3A_29] : memref<2x2112xi32, #tpu.memory_space<vmem>> -> memref<1x2112xi32, #tpu.memory_space<vmem>>
    %dma_start3A_31 = tpu.memref_squeeze %dma_start3A_30 : memref<1x2112xi32, #tpu.memory_space<vmem>> -> memref<2112xi32, #tpu.memory_space<vmem>>
    %dma_start3A_32 = arith.constant 0 : i32
    %dma_start3A_33 = arith.constant 0 : i32
    %dma_start3A_34 = tpu.memref_slice %arg2[%dma_start3A_32, %dma_start3A_33] : memref<100000x8xf32, #tpu.memory_space<hbm>> -> memref<100000x8xf32, #tpu.memory_space<hbm>>
    %dma_start3A_35 = tpu.memref_slice %arg7[%dma_start3A_24] : memref<2x!tpu.dma_semaphore, #tpu.memory_space<semaphore_mem>> -> memref<1x!tpu.dma_semaphore, #tpu.memory_space<semaphore_mem>>
    %dma_start3A_36 = tpu.memref_squeeze %dma_start3A_35 : memref<1x!tpu.dma_semaphore, #tpu.memory_space<semaphore_mem>> -> memref<!tpu.dma_semaphore, #tpu.memory_space<semaphore_mem>>
    tpu.enqueue_indirect_dma source(%dma_start3A_34 : memref<100000x8xf32, #tpu.memory_space<hbm>>) target(%dma_start3A_28 : memref<2112x8xf32, #tpu.memory_space<vmem>>) offsets(%dma_start3A_31 : memref<2112xi32, #tpu.memory_space<vmem>>) semaphore(%dma_start3A_36 : memref<!tpu.dma_semaphore, #tpu.memory_space<semaphore_mem>>)
    %dma_wait3A = arith.constant 0 : i32
    %dma_wait3A_37 = arith.constant 0 : i32
    %dma_wait3A_38 = arith.constant 0 : i32
    %dma_wait3A_39 = arith.constant 0 : i32
    %dma_wait3A_40 = arith.constant 0 : i32
    %dma_wait3A_41 = tpu.memref_slice %arg6[%dma_wait3A_37, %dma_wait3A_39, %dma_wait3A_40] : memref<2x2112x8xf32, #tpu.memory_space<vmem>> -> memref<1x2112x8xf32, #tpu.memory_space<vmem>>
    %dma_wait3A_42 = tpu.memref_squeeze %dma_wait3A_41 : memref<1x2112x8xf32, #tpu.memory_space<vmem>> -> memref<2112x8xf32, #tpu.memory_space<vmem>>
    %dma_wait3A_43 = arith.constant 0 : i32
    %dma_wait3A_44 = tpu.memref_slice %arg5[%dma_wait3A, %dma_wait3A_43] : memref<2x2112xi32, #tpu.memory_space<vmem>> -> memref<1x2112xi32, #tpu.memory_space<vmem>>
    %dma_wait3A_45 = tpu.memref_squeeze %dma_wait3A_44 : memref<1x2112xi32, #tpu.memory_space<vmem>> -> memref<2112xi32, #tpu.memory_space<vmem>>
    %dma_wait3A_46 = arith.constant 0 : i32
    %dma_wait3A_47 = arith.constant 0 : i32
    %dma_wait3A_48 = tpu.memref_slice %arg2[%dma_wait3A_46, %dma_wait3A_47] : memref<100000x8xf32, #tpu.memory_space<hbm>> -> memref<100000x8xf32, #tpu.memory_space<hbm>>
    %dma_wait3A_49 = tpu.memref_slice %arg7[%dma_wait3A_38] : memref<2x!tpu.dma_semaphore, #tpu.memory_space<semaphore_mem>> -> memref<1x!tpu.dma_semaphore, #tpu.memory_space<semaphore_mem>>
    %dma_wait3A_50 = tpu.memref_squeeze %dma_wait3A_49 : memref<1x!tpu.dma_semaphore, #tpu.memory_space<semaphore_mem>> -> memref<!tpu.dma_semaphore, #tpu.memory_space<semaphore_mem>>
    tpu.wait_indirect_dma semaphore(%dma_wait3A_50 : memref<!tpu.dma_semaphore, #tpu.memory_space<semaphore_mem>>) src(%dma_wait3A_48 : memref<100000x8xf32, #tpu.memory_space<hbm>>) dst(%dma_wait3A_42 : memref<2112x8xf32, #tpu.memory_space<vmem>>)
    %add3A_51 = arith.constant 0 : i32
    %add3A_52 = arith.addi %mul3A_2, %add3A_51 : i32
    %dma_start3A_53 = arith.constant 0 : i32
    %dma_start3A_54 = arith.constant 0 : i32
    %dma_start3A_55 = arith.constant 0 : i32
    %dma_start3A_56 = arith.constant 0 : i32
    %dma_start3A_57 = tpu.memref_slice %arg6[%dma_start3A_53, %dma_start3A_55, %dma_start3A_56] : memref<2x2112x8xf32, #tpu.memory_space<vmem>> -> memref<1x2112x8xf32, #tpu.memory_space<vmem>>
    %dma_start3A_58 = tpu.memref_squeeze %dma_start3A_57 : memref<1x2112x8xf32, #tpu.memory_space<vmem>> -> memref<2112x8xf32, #tpu.memory_space<vmem>>
    %dma_start3A_59 = arith.constant 0 : i32
    %dma_start3A_60 = tpu.memref_slice %arg4[%add3A_52, %dma_start3A_59] : memref<540672x8xf32, #tpu.memory_space<hbm>> -> memref<2112x8xf32, #tpu.memory_space<hbm>>
    %dma_start3A_61 = tpu.memref_slice %arg8[%dma_start3A_54] : memref<2x!tpu.dma_semaphore, #tpu.memory_space<semaphore_mem>> -> memref<1x!tpu.dma_semaphore, #tpu.memory_space<semaphore_mem>>
    %dma_start3A_62 = tpu.memref_squeeze %dma_start3A_61 : memref<1x!tpu.dma_semaphore, #tpu.memory_space<semaphore_mem>> -> memref<!tpu.dma_semaphore, #tpu.memory_space<semaphore_mem>>
    %dma_start3A_63 = arith.constant 0 : i32
    %dma_start3A_64 = tpu.memref_slice %arg4[%add3A_52, %dma_start3A_63] : memref<540672x8xf32, #tpu.memory_space<hbm>> -> memref<2112x8xf32, #tpu.memory_space<hbm>>
    %dma_start3A_65 = arith.constant 0 : i32
    %dma_start3A_66 = arith.constant 0 : i32
    %dma_start3A_67 = tpu.memref_slice %arg6[%dma_start3A_53, %dma_start3A_65, %dma_start3A_66] : memref<2x2112x8xf32, #tpu.memory_space<vmem>> -> memref<1x2112x8xf32, #tpu.memory_space<vmem>>
    %dma_start3A_68 = tpu.memref_squeeze %dma_start3A_67 : memref<1x2112x8xf32, #tpu.memory_space<vmem>> -> memref<2112x8xf32, #tpu.memory_space<vmem>>
    tpu.enqueue_dma source(%dma_start3A_68 : memref<2112x8xf32, #tpu.memory_space<vmem>>) target(%dma_start3A_64 : memref<2112x8xf32, #tpu.memory_space<hbm>>) target_semaphore(%dma_start3A_62 : memref<!tpu.dma_semaphore, #tpu.memory_space<semaphore_mem>>)
    %dma_wait3A_69 = arith.constant 0 : i32
    %dma_wait3A_70 = arith.constant 0 : i32
    %dma_wait3A_71 = arith.constant 0 : i32
    %dma_wait3A_72 = arith.constant 0 : i32
    %dma_wait3A_73 = tpu.memref_slice %arg6[%dma_wait3A_69, %dma_wait3A_71, %dma_wait3A_72] : memref<2x2112x8xf32, #tpu.memory_space<vmem>> -> memref<1x2112x8xf32, #tpu.memory_space<vmem>>
    %dma_wait3A_74 = tpu.memref_squeeze %dma_wait3A_73 : memref<1x2112x8xf32, #tpu.memory_space<vmem>> -> memref<2112x8xf32, #tpu.memory_space<vmem>>
    %dma_wait3A_75 = arith.constant 0 : i32
    %dma_wait3A_76 = tpu.memref_slice %arg4[%add3A_52, %dma_wait3A_75] : memref<540672x8xf32, #tpu.memory_space<hbm>> -> memref<2112x8xf32, #tpu.memory_space<hbm>>
    %dma_wait3A_77 = tpu.memref_slice %arg8[%dma_wait3A_70] : memref<2x!tpu.dma_semaphore, #tpu.memory_space<semaphore_mem>> -> memref<1x!tpu.dma_semaphore, #tpu.memory_space<semaphore_mem>>
    %dma_wait3A_78 = tpu.memref_squeeze %dma_wait3A_77 : memref<1x!tpu.dma_semaphore, #tpu.memory_space<semaphore_mem>> -> memref<!tpu.dma_semaphore, #tpu.memory_space<semaphore_mem>>
    %dma_wait3A_79 = arith.constant 0 : i32
    %dma_wait3A_80 = tpu.memref_slice %arg4[%add3A_52, %dma_wait3A_79] : memref<540672x8xf32, #tpu.memory_space<hbm>> -> memref<2112x8xf32, #tpu.memory_space<hbm>>
    %dma_wait3A_81 = arith.constant 0 : i32
    %dma_wait3A_82 = arith.constant 0 : i32
    %dma_wait3A_83 = tpu.memref_slice %arg6[%dma_wait3A_69, %dma_wait3A_81, %dma_wait3A_82] : memref<2x2112x8xf32, #tpu.memory_space<vmem>> -> memref<1x2112x8xf32, #tpu.memory_space<vmem>>
    %dma_wait3A_84 = tpu.memref_squeeze %dma_wait3A_83 : memref<1x2112x8xf32, #tpu.memory_space<vmem>> -> memref<2112x8xf32, #tpu.memory_space<vmem>>
    tpu.wait_dma2 semaphore(%dma_wait3A_78 : memref<!tpu.dma_semaphore, #tpu.memory_space<semaphore_mem>>) src(%dma_wait3A_84 : memref<2112x8xf32, #tpu.memory_space<vmem>>) dst(%dma_wait3A_80 : memref<2112x8xf32, #tpu.memory_space<hbm>>)
    %add3A_85 = arith.constant 4224 : i32
    %add3A_86 = arith.addi %mul3A_2, %add3A_85 : i32
    %run_scoped3A_87 = arith.constant 0 : i32
    "tpu.region"() ({
      %run_scoped3A_536 = tpu.sem_alloc : memref<!tpu.dma_semaphore, #tpu.memory_space<semaphore_mem>>
      %dma_start3A_537 = arith.constant 0 : i32
      %dma_start3A_538 = tpu.memref_slice %arg5[%run_scoped3A_87, %dma_start3A_537] : memref<2x2112xi32, #tpu.memory_space<vmem>> -> memref<1x2112xi32, #tpu.memory_space<vmem>>
      %dma_start3A_539 = tpu.memref_squeeze %dma_start3A_538 : memref<1x2112xi32, #tpu.memory_space<vmem>> -> memref<2112xi32, #tpu.memory_space<vmem>>
      %dma_start3A_540 = tpu.memref_slice %arg3[%add3A_86] : memref<540672xi32, #tpu.memory_space<hbm>> -> memref<2112xi32, #tpu.memory_space<hbm>>
      %dma_start3A_541 = arith.constant 0 : i32
      %dma_start3A_542 = tpu.memref_slice %arg5[%run_scoped3A_87, %dma_start3A_541] : memref<2x2112xi32, #tpu.memory_space<vmem>> -> memref<1x2112xi32, #tpu.memory_space<vmem>>
      %dma_start3A_543 = tpu.memref_squeeze %dma_start3A_542 : memref<1x2112xi32, #tpu.memory_space<vmem>> -> memref<2112xi32, #tpu.memory_space<vmem>>
      %dma_start3A_544 = tpu.memref_slice %arg3[%add3A_86] : memref<540672xi32, #tpu.memory_space<hbm>> -> memref<2112xi32, #tpu.memory_space<hbm>>
      tpu.enqueue_dma source(%dma_start3A_544 : memref<2112xi32, #tpu.memory_space<hbm>>) target(%dma_start3A_543 : memref<2112xi32, #tpu.memory_space<vmem>>) target_semaphore(%run_scoped3A_536 : memref<!tpu.dma_semaphore, #tpu.memory_space<semaphore_mem>>)
      %dma_wait3A_545 = arith.constant 0 : i32
      %dma_wait3A_546 = tpu.memref_slice %arg5[%run_scoped3A_87, %dma_wait3A_545] : memref<2x2112xi32, #tpu.memory_space<vmem>> -> memref<1x2112xi32, #tpu.memory_space<vmem>>
      %dma_wait3A_547 = tpu.memref_squeeze %dma_wait3A_546 : memref<1x2112xi32, #tpu.memory_space<vmem>> -> memref<2112xi32, #tpu.memory_space<vmem>>
      %dma_wait3A_548 = tpu.memref_slice %arg3[%add3A_86] : memref<540672xi32, #tpu.memory_space<hbm>> -> memref<2112xi32, #tpu.memory_space<hbm>>
      %dma_wait3A_549 = arith.constant 0 : i32
      %dma_wait3A_550 = tpu.memref_slice %arg5[%run_scoped3A_87, %dma_wait3A_549] : memref<2x2112xi32, #tpu.memory_space<vmem>> -> memref<1x2112xi32, #tpu.memory_space<vmem>>
      %dma_wait3A_551 = tpu.memref_squeeze %dma_wait3A_550 : memref<1x2112xi32, #tpu.memory_space<vmem>> -> memref<2112xi32, #tpu.memory_space<vmem>>
      %dma_wait3A_552 = tpu.memref_slice %arg3[%add3A_86] : memref<540672xi32, #tpu.memory_space<hbm>> -> memref<2112xi32, #tpu.memory_space<hbm>>
      tpu.wait_dma2 semaphore(%run_scoped3A_536 : memref<!tpu.dma_semaphore, #tpu.memory_space<semaphore_mem>>) src(%dma_wait3A_552 : memref<2112xi32, #tpu.memory_space<hbm>>) dst(%dma_wait3A_551 : memref<2112xi32, #tpu.memory_space<vmem>>)
      tpu.yield
    }) : () -> ()
    %dma_start3A_88 = arith.constant 0 : i32
    %dma_start3A_89 = arith.constant 0 : i32
    %dma_start3A_90 = arith.constant 0 : i32
    %dma_start3A_91 = arith.constant 0 : i32
    %dma_start3A_92 = arith.constant 0 : i32
    %dma_start3A_93 = tpu.memref_slice %arg6[%dma_start3A_89, %dma_start3A_91, %dma_start3A_92] : memref<2x2112x8xf32, #tpu.memory_space<vmem>> -> memref<1x2112x8xf32, #tpu.memory_space<vmem>>
    %dma_start3A_94 = tpu.memref_squeeze %dma_start3A_93 : memref<1x2112x8xf32, #tpu.memory_space<vmem>> -> memref<2112x8xf32, #tpu.memory_space<vmem>>
    %dma_start3A_95 = arith.constant 0 : i32
    %dma_start3A_96 = tpu.memref_slice %arg5[%dma_start3A_88, %dma_start3A_95] : memref<2x2112xi32, #tpu.memory_space<vmem>> -> memref<1x2112xi32, #tpu.memory_space<vmem>>
    %dma_start3A_97 = tpu.memref_squeeze %dma_start3A_96 : memref<1x2112xi32, #tpu.memory_space<vmem>> -> memref<2112xi32, #tpu.memory_space<vmem>>
    %dma_start3A_98 = arith.constant 0 : i32
    %dma_start3A_99 = arith.constant 0 : i32
    %dma_start3A_100 = tpu.memref_slice %arg2[%dma_start3A_98, %dma_start3A_99] : memref<100000x8xf32, #tpu.memory_space<hbm>> -> memref<100000x8xf32, #tpu.memory_space<hbm>>
    %dma_start3A_101 = tpu.memref_slice %arg7[%dma_start3A_90] : memref<2x!tpu.dma_semaphore, #tpu.memory_space<semaphore_mem>> -> memref<1x!tpu.dma_semaphore, #tpu.memory_space<semaphore_mem>>
    %dma_start3A_102 = tpu.memref_squeeze %dma_start3A_101 : memref<1x!tpu.dma_semaphore, #tpu.memory_space<semaphore_mem>> -> memref<!tpu.dma_semaphore, #tpu.memory_space<semaphore_mem>>
    tpu.enqueue_indirect_dma source(%dma_start3A_100 : memref<100000x8xf32, #tpu.memory_space<hbm>>) target(%dma_start3A_94 : memref<2112x8xf32, #tpu.memory_space<vmem>>) offsets(%dma_start3A_97 : memref<2112xi32, #tpu.memory_space<vmem>>) semaphore(%dma_start3A_102 : memref<!tpu.dma_semaphore, #tpu.memory_space<semaphore_mem>>)
    %dma_wait3A_103 = arith.constant 1 : i32
    %dma_wait3A_104 = arith.constant 1 : i32
    %dma_wait3A_105 = arith.constant 1 : i32
    %dma_wait3A_106 = arith.constant 0 : i32
    %dma_wait3A_107 = arith.constant 0 : i32
    %dma_wait3A_108 = tpu.memref_slice %arg6[%dma_wait3A_104, %dma_wait3A_106, %dma_wait3A_107] : memref<2x2112x8xf32, #tpu.memory_space<vmem>> -> memref<1x2112x8xf32, #tpu.memory_space<vmem>>
    %dma_wait3A_109 = tpu.memref_squeeze %dma_wait3A_108 : memref<1x2112x8xf32, #tpu.memory_space<vmem>> -> memref<2112x8xf32, #tpu.memory_space<vmem>>
    %dma_wait3A_110 = arith.constant 0 : i32
    %dma_wait3A_111 = tpu.memref_slice %arg5[%dma_wait3A_103, %dma_wait3A_110] : memref<2x2112xi32, #tpu.memory_space<vmem>> -> memref<1x2112xi32, #tpu.memory_space<vmem>>
    %dma_wait3A_112 = tpu.memref_squeeze %dma_wait3A_111 : memref<1x2112xi32, #tpu.memory_space<vmem>> -> memref<2112xi32, #tpu.memory_space<vmem>>
    %dma_wait3A_113 = arith.constant 0 : i32
    %dma_wait3A_114 = arith.constant 0 : i32
    %dma_wait3A_115 = tpu.memref_slice %arg2[%dma_wait3A_113, %dma_wait3A_114] : memref<100000x8xf32, #tpu.memory_space<hbm>> -> memref<100000x8xf32, #tpu.memory_space<hbm>>
    %dma_wait3A_116 = tpu.memref_slice %arg7[%dma_wait3A_105] : memref<2x!tpu.dma_semaphore, #tpu.memory_space<semaphore_mem>> -> memref<1x!tpu.dma_semaphore, #tpu.memory_space<semaphore_mem>>
    %dma_wait3A_117 = tpu.memref_squeeze %dma_wait3A_116 : memref<1x!tpu.dma_semaphore, #tpu.memory_space<semaphore_mem>> -> memref<!tpu.dma_semaphore, #tpu.memory_space<semaphore_mem>>
    tpu.wait_indirect_dma semaphore(%dma_wait3A_117 : memref<!tpu.dma_semaphore, #tpu.memory_space<semaphore_mem>>) src(%dma_wait3A_115 : memref<100000x8xf32, #tpu.memory_space<hbm>>) dst(%dma_wait3A_109 : memref<2112x8xf32, #tpu.memory_space<vmem>>)
    %add3A_118 = arith.constant 2112 : i32
    %add3A_119 = arith.addi %mul3A_2, %add3A_118 : i32
    %dma_start3A_120 = arith.constant 1 : i32
    %dma_start3A_121 = arith.constant 1 : i32
    %dma_start3A_122 = arith.constant 0 : i32
    %dma_start3A_123 = arith.constant 0 : i32
    %dma_start3A_124 = tpu.memref_slice %arg6[%dma_start3A_120, %dma_start3A_122, %dma_start3A_123] : memref<2x2112x8xf32, #tpu.memory_space<vmem>> -> memref<1x2112x8xf32, #tpu.memory_space<vmem>>
    %dma_start3A_125 = tpu.memref_squeeze %dma_start3A_124 : memref<1x2112x8xf32, #tpu.memory_space<vmem>> -> memref<2112x8xf32, #tpu.memory_space<vmem>>
    %dma_start3A_126 = arith.constant 0 : i32
    %dma_start3A_127 = tpu.memref_slice %arg4[%add3A_119, %dma_start3A_126] : memref<540672x8xf32, #tpu.memory_space<hbm>> -> memref<2112x8xf32, #tpu.memory_space<hbm>>
    %dma_start3A_128 = tpu.memref_slice %arg8[%dma_start3A_121] : memref<2x!tpu.dma_semaphore, #tpu.memory_space<semaphore_mem>> -> memref<1x!tpu.dma_semaphore, #tpu.memory_space<semaphore_mem>>
    %dma_start3A_129 = tpu.memref_squeeze %dma_start3A_128 : memref<1x!tpu.dma_semaphore, #tpu.memory_space<semaphore_mem>> -> memref<!tpu.dma_semaphore, #tpu.memory_space<semaphore_mem>>
    %dma_start3A_130 = arith.constant 0 : i32
    %dma_start3A_131 = tpu.memref_slice %arg4[%add3A_119, %dma_start3A_130] : memref<540672x8xf32, #tpu.memory_space<hbm>> -> memref<2112x8xf32, #tpu.memory_space<hbm>>
    %dma_start3A_132 = arith.constant 0 : i32
    %dma_start3A_133 = arith.constant 0 : i32
    %dma_start3A_134 = tpu.memref_slice %arg6[%dma_start3A_120, %dma_start3A_132, %dma_start3A_133] : memref<2x2112x8xf32, #tpu.memory_space<vmem>> -> memref<1x2112x8xf32, #tpu.memory_space<vmem>>
    %dma_start3A_135 = tpu.memref_squeeze %dma_start3A_134 : memref<1x2112x8xf32, #tpu.memory_space<vmem>> -> memref<2112x8xf32, #tpu.memory_space<vmem>>
    tpu.enqueue_dma source(%dma_start3A_135 : memref<2112x8xf32, #tpu.memory_space<vmem>>) target(%dma_start3A_131 : memref<2112x8xf32, #tpu.memory_space<hbm>>) target_semaphore(%dma_start3A_129 : memref<!tpu.dma_semaphore, #tpu.memory_space<semaphore_mem>>)
    %dma_wait3A_136 = arith.constant 1 : i32
    %dma_wait3A_137 = arith.constant 1 : i32
    %dma_wait3A_138 = arith.constant 0 : i32
    %dma_wait3A_139 = arith.constant 0 : i32
    %dma_wait3A_140 = tpu.memref_slice %arg6[%dma_wait3A_136, %dma_wait3A_138, %dma_wait3A_139] : memref<2x2112x8xf32, #tpu.memory_space<vmem>> -> memref<1x2112x8xf32, #tpu.memory_space<vmem>>
    %dma_wait3A_141 = tpu.memref_squeeze %dma_wait3A_140 : memref<1x2112x8xf32, #tpu.memory_space<vmem>> -> memref<2112x8xf32, #tpu.memory_space<vmem>>
    %dma_wait3A_142 = arith.constant 0 : i32
    %dma_wait3A_143 = tpu.memref_slice %arg4[%add3A_119, %dma_wait3A_142] : memref<540672x8xf32, #tpu.memory_space<hbm>> -> memref<2112x8xf32, #tpu.memory_space<hbm>>
    %dma_wait3A_144 = tpu.memref_slice %arg8[%dma_wait3A_137] : memref<2x!tpu.dma_semaphore, #tpu.memory_space<semaphore_mem>> -> memref<1x!tpu.dma_semaphore, #tpu.memory_space<semaphore_mem>>
    %dma_wait3A_145 = tpu.memref_squeeze %dma_wait3A_144 : memref<1x!tpu.dma_semaphore, #tpu.memory_space<semaphore_mem>> -> memref<!tpu.dma_semaphore, #tpu.memory_space<semaphore_mem>>
    %dma_wait3A_146 = arith.constant 0 : i32
    %dma_wait3A_147 = tpu.memref_slice %arg4[%add3A_119, %dma_wait3A_146] : memref<540672x8xf32, #tpu.memory_space<hbm>> -> memref<2112x8xf32, #tpu.memory_space<hbm>>
    %dma_wait3A_148 = arith.constant 0 : i32
    %dma_wait3A_149 = arith.constant 0 : i32
    %dma_wait3A_150 = tpu.memref_slice %arg6[%dma_wait3A_136, %dma_wait3A_148, %dma_wait3A_149] : memref<2x2112x8xf32, #tpu.memory_space<vmem>> -> memref<1x2112x8xf32, #tpu.memory_space<vmem>>
    %dma_wait3A_151 = tpu.memref_squeeze %dma_wait3A_150 : memref<1x2112x8xf32, #tpu.memory_space<vmem>> -> memref<2112x8xf32, #tpu.memory_space<vmem>>
    tpu.wait_dma2 semaphore(%dma_wait3A_145 : memref<!tpu.dma_semaphore, #tpu.memory_space<semaphore_mem>>) src(%dma_wait3A_151 : memref<2112x8xf32, #tpu.memory_space<vmem>>) dst(%dma_wait3A_147 : memref<2112x8xf32, #tpu.memory_space<hbm>>)
    %add3A_152 = arith.constant 6336 : i32
    %add3A_153 = arith.addi %mul3A_2, %add3A_152 : i32
    %run_scoped3A_154 = arith.constant 1 : i32
    "tpu.region"() ({
      %run_scoped3A_536 = tpu.sem_alloc : memref<!tpu.dma_semaphore, #tpu.memory_space<semaphore_mem>>
      %dma_start3A_537 = arith.constant 0 : i32
      %dma_start3A_538 = tpu.memref_slice %arg5[%run_scoped3A_154, %dma_start3A_537] : memref<2x2112xi32, #tpu.memory_space<vmem>> -> memref<1x2112xi32, #tpu.memory_space<vmem>>
      %dma_start3A_539 = tpu.memref_squeeze %dma_start3A_538 : memref<1x2112xi32, #tpu.memory_space<vmem>> -> memref<2112xi32, #tpu.memory_space<vmem>>
      %dma_start3A_540 = tpu.memref_slice %arg3[%add3A_153] : memref<540672xi32, #tpu.memory_space<hbm>> -> memref<2112xi32, #tpu.memory_space<hbm>>
      %dma_start3A_541 = arith.constant 0 : i32
      %dma_start3A_542 = tpu.memref_slice %arg5[%run_scoped3A_154, %dma_start3A_541] : memref<2x2112xi32, #tpu.memory_space<vmem>> -> memref<1x2112xi32, #tpu.memory_space<vmem>>
      %dma_start3A_543 = tpu.memref_squeeze %dma_start3A_542 : memref<1x2112xi32, #tpu.memory_space<vmem>> -> memref<2112xi32, #tpu.memory_space<vmem>>
      %dma_start3A_544 = tpu.memref_slice %arg3[%add3A_153] : memref<540672xi32, #tpu.memory_space<hbm>> -> memref<2112xi32, #tpu.memory_space<hbm>>
      tpu.enqueue_dma source(%dma_start3A_544 : memref<2112xi32, #tpu.memory_space<hbm>>) target(%dma_start3A_543 : memref<2112xi32, #tpu.memory_space<vmem>>) target_semaphore(%run_scoped3A_536 : memref<!tpu.dma_semaphore, #tpu.memory_space<semaphore_mem>>)
      %dma_wait3A_545 = arith.constant 0 : i32
      %dma_wait3A_546 = tpu.memref_slice %arg5[%run_scoped3A_154, %dma_wait3A_545] : memref<2x2112xi32, #tpu.memory_space<vmem>> -> memref<1x2112xi32, #tpu.memory_space<vmem>>
      %dma_wait3A_547 = tpu.memref_squeeze %dma_wait3A_546 : memref<1x2112xi32, #tpu.memory_space<vmem>> -> memref<2112xi32, #tpu.memory_space<vmem>>
      %dma_wait3A_548 = tpu.memref_slice %arg3[%add3A_153] : memref<540672xi32, #tpu.memory_space<hbm>> -> memref<2112xi32, #tpu.memory_space<hbm>>
      %dma_wait3A_549 = arith.constant 0 : i32
      %dma_wait3A_550 = tpu.memref_slice %arg5[%run_scoped3A_154, %dma_wait3A_549] : memref<2x2112xi32, #tpu.memory_space<vmem>> -> memref<1x2112xi32, #tpu.memory_space<vmem>>
      %dma_wait3A_551 = tpu.memref_squeeze %dma_wait3A_550 : memref<1x2112xi32, #tpu.memory_space<vmem>> -> memref<2112xi32, #tpu.memory_space<vmem>>
      %dma_wait3A_552 = tpu.memref_slice %arg3[%add3A_153] : memref<540672xi32, #tpu.memory_space<hbm>> -> memref<2112xi32, #tpu.memory_space<hbm>>
      tpu.wait_dma2 semaphore(%run_scoped3A_536 : memref<!tpu.dma_semaphore, #tpu.memory_space<semaphore_mem>>) src(%dma_wait3A_552 : memref<2112xi32, #tpu.memory_space<hbm>>) dst(%dma_wait3A_551 : memref<2112xi32, #tpu.memory_space<vmem>>)
      tpu.yield
    }) : () -> ()
    %dma_start3A_155 = arith.constant 1 : i32
    %dma_start3A_156 = arith.constant 1 : i32
    %dma_start3A_157 = arith.constant 1 : i32
    %dma_start3A_158 = arith.constant 0 : i32
    %dma_start3A_159 = arith.constant 0 : i32
    %dma_start3A_160 = tpu.memref_slice %arg6[%dma_start3A_156, %dma_start3A_158, %dma_start3A_159] : memref<2x2112x8xf32, #tpu.memory_space<vmem>> -> memref<1x2112x8xf32, #tpu.memory_space<vmem>>
    %dma_start3A_161 = tpu.memref_squeeze %dma_start3A_160 : memref<1x2112x8xf32, #tpu.memory_space<vmem>> -> memref<2112x8xf32, #tpu.memory_space<vmem>>
    %dma_start3A_162 = arith.constant 0 : i32
    %dma_start3A_163 = tpu.memref_slice %arg5[%dma_start3A_155, %dma_start3A_162] : memref<2x2112xi32, #tpu.memory_space<vmem>> -> memref<1x2112xi32, #tpu.memory_space<vmem>>
    %dma_start3A_164 = tpu.memref_squeeze %dma_start3A_163 : memref<1x2112xi32, #tpu.memory_space<vmem>> -> memref<2112xi32, #tpu.memory_space<vmem>>
    %dma_start3A_165 = arith.constant 0 : i32
    %dma_start3A_166 = arith.constant 0 : i32
    %dma_start3A_167 = tpu.memref_slice %arg2[%dma_start3A_165, %dma_start3A_166] : memref<100000x8xf32, #tpu.memory_space<hbm>> -> memref<100000x8xf32, #tpu.memory_space<hbm>>
    %dma_start3A_168 = tpu.memref_slice %arg7[%dma_start3A_157] : memref<2x!tpu.dma_semaphore, #tpu.memory_space<semaphore_mem>> -> memref<1x!tpu.dma_semaphore, #tpu.memory_space<semaphore_mem>>
    %dma_start3A_169 = tpu.memref_squeeze %dma_start3A_168 : memref<1x!tpu.dma_semaphore, #tpu.memory_space<semaphore_mem>> -> memref<!tpu.dma_semaphore, #tpu.memory_space<semaphore_mem>>
    tpu.enqueue_indirect_dma source(%dma_start3A_167 : memref<100000x8xf32, #tpu.memory_space<hbm>>) target(%dma_start3A_161 : memref<2112x8xf32, #tpu.memory_space<vmem>>) offsets(%dma_start3A_164 : memref<2112xi32, #tpu.memory_space<vmem>>) semaphore(%dma_start3A_169 : memref<!tpu.dma_semaphore, #tpu.memory_space<semaphore_mem>>)
    %dma_wait3A_170 = arith.constant 0 : i32
    %dma_wait3A_171 = arith.constant 0 : i32
    %dma_wait3A_172 = arith.constant 0 : i32
    %dma_wait3A_173 = arith.constant 0 : i32
    %dma_wait3A_174 = arith.constant 0 : i32
    %dma_wait3A_175 = tpu.memref_slice %arg6[%dma_wait3A_171, %dma_wait3A_173, %dma_wait3A_174] : memref<2x2112x8xf32, #tpu.memory_space<vmem>> -> memref<1x2112x8xf32, #tpu.memory_space<vmem>>
    %dma_wait3A_176 = tpu.memref_squeeze %dma_wait3A_175 : memref<1x2112x8xf32, #tpu.memory_space<vmem>> -> memref<2112x8xf32, #tpu.memory_space<vmem>>
    %dma_wait3A_177 = arith.constant 0 : i32
    %dma_wait3A_178 = tpu.memref_slice %arg5[%dma_wait3A_170, %dma_wait3A_177] : memref<2x2112xi32, #tpu.memory_space<vmem>> -> memref<1x2112xi32, #tpu.memory_space<vmem>>
    %dma_wait3A_179 = tpu.memref_squeeze %dma_wait3A_178 : memref<1x2112xi32, #tpu.memory_space<vmem>> -> memref<2112xi32, #tpu.memory_space<vmem>>
    %dma_wait3A_180 = arith.constant 0 : i32
    %dma_wait3A_181 = arith.constant 0 : i32
    %dma_wait3A_182 = tpu.memref_slice %arg2[%dma_wait3A_180, %dma_wait3A_181] : memref<100000x8xf32, #tpu.memory_space<hbm>> -> memref<100000x8xf32, #tpu.memory_space<hbm>>
    %dma_wait3A_183 = tpu.memref_slice %arg7[%dma_wait3A_172] : memref<2x!tpu.dma_semaphore, #tpu.memory_space<semaphore_mem>> -> memref<1x!tpu.dma_semaphore, #tpu.memory_space<semaphore_mem>>
    %dma_wait3A_184 = tpu.memref_squeeze %dma_wait3A_183 : memref<1x!tpu.dma_semaphore, #tpu.memory_space<semaphore_mem>> -> memref<!tpu.dma_semaphore, #tpu.memory_space<semaphore_mem>>
    tpu.wait_indirect_dma semaphore(%dma_wait3A_184 : memref<!tpu.dma_semaphore, #tpu.memory_space<semaphore_mem>>) src(%dma_wait3A_182 : memref<100000x8xf32, #tpu.memory_space<hbm>>) dst(%dma_wait3A_176 : memref<2112x8xf32, #tpu.memory_space<vmem>>)
    %add3A_185 = arith.constant 4224 : i32
    %add3A_186 = arith.addi %mul3A_2, %add3A_185 : i32
    %dma_start3A_187 = arith.constant 0 : i32
    %dma_start3A_188 = arith.constant 0 : i32
    %dma_start3A_189 = arith.constant 0 : i32
    %dma_start3A_190 = arith.constant 0 : i32
    %dma_start3A_191 = tpu.memref_slice %arg6[%dma_start3A_187, %dma_start3A_189, %dma_start3A_190] : memref<2x2112x8xf32, #tpu.memory_space<vmem>> -> memref<1x2112x8xf32, #tpu.memory_space<vmem>>
    %dma_start3A_192 = tpu.memref_squeeze %dma_start3A_191 : memref<1x2112x8xf32, #tpu.memory_space<vmem>> -> memref<2112x8xf32, #tpu.memory_space<vmem>>
    %dma_start3A_193 = arith.constant 0 : i32
    %dma_start3A_194 = tpu.memref_slice %arg4[%add3A_186, %dma_start3A_193] : memref<540672x8xf32, #tpu.memory_space<hbm>> -> memref<2112x8xf32, #tpu.memory_space<hbm>>
    %dma_start3A_195 = tpu.memref_slice %arg8[%dma_start3A_188] : memref<2x!tpu.dma_semaphore, #tpu.memory_space<semaphore_mem>> -> memref<1x!tpu.dma_semaphore, #tpu.memory_space<semaphore_mem>>
    %dma_start3A_196 = tpu.memref_squeeze %dma_start3A_195 : memref<1x!tpu.dma_semaphore, #tpu.memory_space<semaphore_mem>> -> memref<!tpu.dma_semaphore, #tpu.memory_space<semaphore_mem>>
    %dma_start3A_197 = arith.constant 0 : i32
    %dma_start3A_198 = tpu.memref_slice %arg4[%add3A_186, %dma_start3A_197] : memref<540672x8xf32, #tpu.memory_space<hbm>> -> memref<2112x8xf32, #tpu.memory_space<hbm>>
    %dma_start3A_199 = arith.constant 0 : i32
    %dma_start3A_200 = arith.constant 0 : i32
    %dma_start3A_201 = tpu.memref_slice %arg6[%dma_start3A_187, %dma_start3A_199, %dma_start3A_200] : memref<2x2112x8xf32, #tpu.memory_space<vmem>> -> memref<1x2112x8xf32, #tpu.memory_space<vmem>>
    %dma_start3A_202 = tpu.memref_squeeze %dma_start3A_201 : memref<1x2112x8xf32, #tpu.memory_space<vmem>> -> memref<2112x8xf32, #tpu.memory_space<vmem>>
    tpu.enqueue_dma source(%dma_start3A_202 : memref<2112x8xf32, #tpu.memory_space<vmem>>) target(%dma_start3A_198 : memref<2112x8xf32, #tpu.memory_space<hbm>>) target_semaphore(%dma_start3A_196 : memref<!tpu.dma_semaphore, #tpu.memory_space<semaphore_mem>>)
    %dma_wait3A_203 = arith.constant 0 : i32
    %dma_wait3A_204 = arith.constant 0 : i32
    %dma_wait3A_205 = arith.constant 0 : i32
    %dma_wait3A_206 = arith.constant 0 : i32
    %dma_wait3A_207 = tpu.memref_slice %arg6[%dma_wait3A_203, %dma_wait3A_205, %dma_wait3A_206] : memref<2x2112x8xf32, #tpu.memory_space<vmem>> -> memref<1x2112x8xf32, #tpu.memory_space<vmem>>
    %dma_wait3A_208 = tpu.memref_squeeze %dma_wait3A_207 : memref<1x2112x8xf32, #tpu.memory_space<vmem>> -> memref<2112x8xf32, #tpu.memory_space<vmem>>
    %dma_wait3A_209 = arith.constant 0 : i32
    %dma_wait3A_210 = tpu.memref_slice %arg4[%add3A_186, %dma_wait3A_209] : memref<540672x8xf32, #tpu.memory_space<hbm>> -> memref<2112x8xf32, #tpu.memory_space<hbm>>
    %dma_wait3A_211 = tpu.memref_slice %arg8[%dma_wait3A_204] : memref<2x!tpu.dma_semaphore, #tpu.memory_space<semaphore_mem>> -> memref<1x!tpu.dma_semaphore, #tpu.memory_space<semaphore_mem>>
    %dma_wait3A_212 = tpu.memref_squeeze %dma_wait3A_211 : memref<1x!tpu.dma_semaphore, #tpu.memory_space<semaphore_mem>> -> memref<!tpu.dma_semaphore, #tpu.memory_space<semaphore_mem>>
    %dma_wait3A_213 = arith.constant 0 : i32
    %dma_wait3A_214 = tpu.memref_slice %arg4[%add3A_186, %dma_wait3A_213] : memref<540672x8xf32, #tpu.memory_space<hbm>> -> memref<2112x8xf32, #tpu.memory_space<hbm>>
    %dma_wait3A_215 = arith.constant 0 : i32
    %dma_wait3A_216 = arith.constant 0 : i32
    %dma_wait3A_217 = tpu.memref_slice %arg6[%dma_wait3A_203, %dma_wait3A_215, %dma_wait3A_216] : memref<2x2112x8xf32, #tpu.memory_space<vmem>> -> memref<1x2112x8xf32, #tpu.memory_space<vmem>>
    %dma_wait3A_218 = tpu.memref_squeeze %dma_wait3A_217 : memref<1x2112x8xf32, #tpu.memory_space<vmem>> -> memref<2112x8xf32, #tpu.memory_space<vmem>>
    tpu.wait_dma2 semaphore(%dma_wait3A_212 : memref<!tpu.dma_semaphore, #tpu.memory_space<semaphore_mem>>) src(%dma_wait3A_218 : memref<2112x8xf32, #tpu.memory_space<vmem>>) dst(%dma_wait3A_214 : memref<2112x8xf32, #tpu.memory_space<hbm>>)
    %add3A_219 = arith.constant 8448 : i32
    %add3A_220 = arith.addi %mul3A_2, %add3A_219 : i32
    %run_scoped3A_221 = arith.constant 0 : i32
    "tpu.region"() ({
      %run_scoped3A_536 = tpu.sem_alloc : memref<!tpu.dma_semaphore, #tpu.memory_space<semaphore_mem>>
      %dma_start3A_537 = arith.constant 0 : i32
      %dma_start3A_538 = tpu.memref_slice %arg5[%run_scoped3A_221, %dma_start3A_537] : memref<2x2112xi32, #tpu.memory_space<vmem>> -> memref<1x2112xi32, #tpu.memory_space<vmem>>
      %dma_start3A_539 = tpu.memref_squeeze %dma_start3A_538 : memref<1x2112xi32, #tpu.memory_space<vmem>> -> memref<2112xi32, #tpu.memory_space<vmem>>
      %dma_start3A_540 = tpu.memref_slice %arg3[%add3A_220] : memref<540672xi32, #tpu.memory_space<hbm>> -> memref<2112xi32, #tpu.memory_space<hbm>>
      %dma_start3A_541 = arith.constant 0 : i32
      %dma_start3A_542 = tpu.memref_slice %arg5[%run_scoped3A_221, %dma_start3A_541] : memref<2x2112xi32, #tpu.memory_space<vmem>> -> memref<1x2112xi32, #tpu.memory_space<vmem>>
      %dma_start3A_543 = tpu.memref_squeeze %dma_start3A_542 : memref<1x2112xi32, #tpu.memory_space<vmem>> -> memref<2112xi32, #tpu.memory_space<vmem>>
      %dma_start3A_544 = tpu.memref_slice %arg3[%add3A_220] : memref<540672xi32, #tpu.memory_space<hbm>> -> memref<2112xi32, #tpu.memory_space<hbm>>
      tpu.enqueue_dma source(%dma_start3A_544 : memref<2112xi32, #tpu.memory_space<hbm>>) target(%dma_start3A_543 : memref<2112xi32, #tpu.memory_space<vmem>>) target_semaphore(%run_scoped3A_536 : memref<!tpu.dma_semaphore, #tpu.memory_space<semaphore_mem>>)
      %dma_wait3A_545 = arith.constant 0 : i32
      %dma_wait3A_546 = tpu.memref_slice %arg5[%run_scoped3A_221, %dma_wait3A_545] : memref<2x2112xi32, #tpu.memory_space<vmem>> -> memref<1x2112xi32, #tpu.memory_space<vmem>>
      %dma_wait3A_547 = tpu.memref_squeeze %dma_wait3A_546 : memref<1x2112xi32, #tpu.memory_space<vmem>> -> memref<2112xi32, #tpu.memory_space<vmem>>
      %dma_wait3A_548 = tpu.memref_slice %arg3[%add3A_220] : memref<540672xi32, #tpu.memory_space<hbm>> -> memref<2112xi32, #tpu.memory_space<hbm>>
      %dma_wait3A_549 = arith.constant 0 : i32
      %dma_wait3A_550 = tpu.memref_slice %arg5[%run_scoped3A_221, %dma_wait3A_549] : memref<2x2112xi32, #tpu.memory_space<vmem>> -> memref<1x2112xi32, #tpu.memory_space<vmem>>
      %dma_wait3A_551 = tpu.memref_squeeze %dma_wait3A_550 : memref<1x2112xi32, #tpu.memory_space<vmem>> -> memref<2112xi32, #tpu.memory_space<vmem>>
      %dma_wait3A_552 = tpu.memref_slice %arg3[%add3A_220] : memref<540672xi32, #tpu.memory_space<hbm>> -> memref<2112xi32, #tpu.memory_space<hbm>>
      tpu.wait_dma2 semaphore(%run_scoped3A_536 : memref<!tpu.dma_semaphore, #tpu.memory_space<semaphore_mem>>) src(%dma_wait3A_552 : memref<2112xi32, #tpu.memory_space<hbm>>) dst(%dma_wait3A_551 : memref<2112xi32, #tpu.memory_space<vmem>>)
      tpu.yield
    }) : () -> ()
    %dma_start3A_222 = arith.constant 0 : i32
    %dma_start3A_223 = arith.constant 0 : i32
    %dma_start3A_224 = arith.constant 0 : i32
    %dma_start3A_225 = arith.constant 0 : i32
    %dma_start3A_226 = arith.constant 0 : i32
    %dma_start3A_227 = tpu.memref_slice %arg6[%dma_start3A_223, %dma_start3A_225, %dma_start3A_226] : memref<2x2112x8xf32, #tpu.memory_space<vmem>> -> memref<1x2112x8xf32, #tpu.memory_space<vmem>>
    %dma_start3A_228 = tpu.memref_squeeze %dma_start3A_227 : memref<1x2112x8xf32, #tpu.memory_space<vmem>> -> memref<2112x8xf32, #tpu.memory_space<vmem>>
    %dma_start3A_229 = arith.constant 0 : i32
    %dma_start3A_230 = tpu.memref_slice %arg5[%dma_start3A_222, %dma_start3A_229] : memref<2x2112xi32, #tpu.memory_space<vmem>> -> memref<1x2112xi32, #tpu.memory_space<vmem>>
    %dma_start3A_231 = tpu.memref_squeeze %dma_start3A_230 : memref<1x2112xi32, #tpu.memory_space<vmem>> -> memref<2112xi32, #tpu.memory_space<vmem>>
    %dma_start3A_232 = arith.constant 0 : i32
    %dma_start3A_233 = arith.constant 0 : i32
    %dma_start3A_234 = tpu.memref_slice %arg2[%dma_start3A_232, %dma_start3A_233] : memref<100000x8xf32, #tpu.memory_space<hbm>> -> memref<100000x8xf32, #tpu.memory_space<hbm>>
    %dma_start3A_235 = tpu.memref_slice %arg7[%dma_start3A_224] : memref<2x!tpu.dma_semaphore, #tpu.memory_space<semaphore_mem>> -> memref<1x!tpu.dma_semaphore, #tpu.memory_space<semaphore_mem>>
    %dma_start3A_236 = tpu.memref_squeeze %dma_start3A_235 : memref<1x!tpu.dma_semaphore, #tpu.memory_space<semaphore_mem>> -> memref<!tpu.dma_semaphore, #tpu.memory_space<semaphore_mem>>
    tpu.enqueue_indirect_dma source(%dma_start3A_234 : memref<100000x8xf32, #tpu.memory_space<hbm>>) target(%dma_start3A_228 : memref<2112x8xf32, #tpu.memory_space<vmem>>) offsets(%dma_start3A_231 : memref<2112xi32, #tpu.memory_space<vmem>>) semaphore(%dma_start3A_236 : memref<!tpu.dma_semaphore, #tpu.memory_space<semaphore_mem>>)
    %dma_wait3A_237 = arith.constant 1 : i32
    %dma_wait3A_238 = arith.constant 1 : i32
    %dma_wait3A_239 = arith.constant 1 : i32
    %dma_wait3A_240 = arith.constant 0 : i32
    %dma_wait3A_241 = arith.constant 0 : i32
    %dma_wait3A_242 = tpu.memref_slice %arg6[%dma_wait3A_238, %dma_wait3A_240, %dma_wait3A_241] : memref<2x2112x8xf32, #tpu.memory_space<vmem>> -> memref<1x2112x8xf32, #tpu.memory_space<vmem>>
    %dma_wait3A_243 = tpu.memref_squeeze %dma_wait3A_242 : memref<1x2112x8xf32, #tpu.memory_space<vmem>> -> memref<2112x8xf32, #tpu.memory_space<vmem>>
    %dma_wait3A_244 = arith.constant 0 : i32
    %dma_wait3A_245 = tpu.memref_slice %arg5[%dma_wait3A_237, %dma_wait3A_244] : memref<2x2112xi32, #tpu.memory_space<vmem>> -> memref<1x2112xi32, #tpu.memory_space<vmem>>
    %dma_wait3A_246 = tpu.memref_squeeze %dma_wait3A_245 : memref<1x2112xi32, #tpu.memory_space<vmem>> -> memref<2112xi32, #tpu.memory_space<vmem>>
    %dma_wait3A_247 = arith.constant 0 : i32
    %dma_wait3A_248 = arith.constant 0 : i32
    %dma_wait3A_249 = tpu.memref_slice %arg2[%dma_wait3A_247, %dma_wait3A_248] : memref<100000x8xf32, #tpu.memory_space<hbm>> -> memref<100000x8xf32, #tpu.memory_space<hbm>>
    %dma_wait3A_250 = tpu.memref_slice %arg7[%dma_wait3A_239] : memref<2x!tpu.dma_semaphore, #tpu.memory_space<semaphore_mem>> -> memref<1x!tpu.dma_semaphore, #tpu.memory_space<semaphore_mem>>
    %dma_wait3A_251 = tpu.memref_squeeze %dma_wait3A_250 : memref<1x!tpu.dma_semaphore, #tpu.memory_space<semaphore_mem>> -> memref<!tpu.dma_semaphore, #tpu.memory_space<semaphore_mem>>
    tpu.wait_indirect_dma semaphore(%dma_wait3A_251 : memref<!tpu.dma_semaphore, #tpu.memory_space<semaphore_mem>>) src(%dma_wait3A_249 : memref<100000x8xf32, #tpu.memory_space<hbm>>) dst(%dma_wait3A_243 : memref<2112x8xf32, #tpu.memory_space<vmem>>)
    %add3A_252 = arith.constant 6336 : i32
    %add3A_253 = arith.addi %mul3A_2, %add3A_252 : i32
    %dma_start3A_254 = arith.constant 1 : i32
    %dma_start3A_255 = arith.constant 1 : i32
    %dma_start3A_256 = arith.constant 0 : i32
    %dma_start3A_257 = arith.constant 0 : i32
    %dma_start3A_258 = tpu.memref_slice %arg6[%dma_start3A_254, %dma_start3A_256, %dma_start3A_257] : memref<2x2112x8xf32, #tpu.memory_space<vmem>> -> memref<1x2112x8xf32, #tpu.memory_space<vmem>>
    %dma_start3A_259 = tpu.memref_squeeze %dma_start3A_258 : memref<1x2112x8xf32, #tpu.memory_space<vmem>> -> memref<2112x8xf32, #tpu.memory_space<vmem>>
    %dma_start3A_260 = arith.constant 0 : i32
    %dma_start3A_261 = tpu.memref_slice %arg4[%add3A_253, %dma_start3A_260] : memref<540672x8xf32, #tpu.memory_space<hbm>> -> memref<2112x8xf32, #tpu.memory_space<hbm>>
    %dma_start3A_262 = tpu.memref_slice %arg8[%dma_start3A_255] : memref<2x!tpu.dma_semaphore, #tpu.memory_space<semaphore_mem>> -> memref<1x!tpu.dma_semaphore, #tpu.memory_space<semaphore_mem>>
    %dma_start3A_263 = tpu.memref_squeeze %dma_start3A_262 : memref<1x!tpu.dma_semaphore, #tpu.memory_space<semaphore_mem>> -> memref<!tpu.dma_semaphore, #tpu.memory_space<semaphore_mem>>
    %dma_start3A_264 = arith.constant 0 : i32
    %dma_start3A_265 = tpu.memref_slice %arg4[%add3A_253, %dma_start3A_264] : memref<540672x8xf32, #tpu.memory_space<hbm>> -> memref<2112x8xf32, #tpu.memory_space<hbm>>
    %dma_start3A_266 = arith.constant 0 : i32
    %dma_start3A_267 = arith.constant 0 : i32
    %dma_start3A_268 = tpu.memref_slice %arg6[%dma_start3A_254, %dma_start3A_266, %dma_start3A_267] : memref<2x2112x8xf32, #tpu.memory_space<vmem>> -> memref<1x2112x8xf32, #tpu.memory_space<vmem>>
    %dma_start3A_269 = tpu.memref_squeeze %dma_start3A_268 : memref<1x2112x8xf32, #tpu.memory_space<vmem>> -> memref<2112x8xf32, #tpu.memory_space<vmem>>
    tpu.enqueue_dma source(%dma_start3A_269 : memref<2112x8xf32, #tpu.memory_space<vmem>>) target(%dma_start3A_265 : memref<2112x8xf32, #tpu.memory_space<hbm>>) target_semaphore(%dma_start3A_263 : memref<!tpu.dma_semaphore, #tpu.memory_space<semaphore_mem>>)
    %dma_wait3A_270 = arith.constant 1 : i32
    %dma_wait3A_271 = arith.constant 1 : i32
    %dma_wait3A_272 = arith.constant 0 : i32
    %dma_wait3A_273 = arith.constant 0 : i32
    %dma_wait3A_274 = tpu.memref_slice %arg6[%dma_wait3A_270, %dma_wait3A_272, %dma_wait3A_273] : memref<2x2112x8xf32, #tpu.memory_space<vmem>> -> memref<1x2112x8xf32, #tpu.memory_space<vmem>>
    %dma_wait3A_275 = tpu.memref_squeeze %dma_wait3A_274 : memref<1x2112x8xf32, #tpu.memory_space<vmem>> -> memref<2112x8xf32, #tpu.memory_space<vmem>>
    %dma_wait3A_276 = arith.constant 0 : i32
    %dma_wait3A_277 = tpu.memref_slice %arg4[%add3A_253, %dma_wait3A_276] : memref<540672x8xf32, #tpu.memory_space<hbm>> -> memref<2112x8xf32, #tpu.memory_space<hbm>>
    %dma_wait3A_278 = tpu.memref_slice %arg8[%dma_wait3A_271] : memref<2x!tpu.dma_semaphore, #tpu.memory_space<semaphore_mem>> -> memref<1x!tpu.dma_semaphore, #tpu.memory_space<semaphore_mem>>
    %dma_wait3A_279 = tpu.memref_squeeze %dma_wait3A_278 : memref<1x!tpu.dma_semaphore, #tpu.memory_space<semaphore_mem>> -> memref<!tpu.dma_semaphore, #tpu.memory_space<semaphore_mem>>
    %dma_wait3A_280 = arith.constant 0 : i32
    %dma_wait3A_281 = tpu.memref_slice %arg4[%add3A_253, %dma_wait3A_280] : memref<540672x8xf32, #tpu.memory_space<hbm>> -> memref<2112x8xf32, #tpu.memory_space<hbm>>
    %dma_wait3A_282 = arith.constant 0 : i32
    %dma_wait3A_283 = arith.constant 0 : i32
    %dma_wait3A_284 = tpu.memref_slice %arg6[%dma_wait3A_270, %dma_wait3A_282, %dma_wait3A_283] : memref<2x2112x8xf32, #tpu.memory_space<vmem>> -> memref<1x2112x8xf32, #tpu.memory_space<vmem>>
    %dma_wait3A_285 = tpu.memref_squeeze %dma_wait3A_284 : memref<1x2112x8xf32, #tpu.memory_space<vmem>> -> memref<2112x8xf32, #tpu.memory_space<vmem>>
    tpu.wait_dma2 semaphore(%dma_wait3A_279 : memref<!tpu.dma_semaphore, #tpu.memory_space<semaphore_mem>>) src(%dma_wait3A_285 : memref<2112x8xf32, #tpu.memory_space<vmem>>) dst(%dma_wait3A_281 : memref<2112x8xf32, #tpu.memory_space<hbm>>)
    %add3A_286 = arith.constant 10560 : i32
    %add3A_287 = arith.addi %mul3A_2, %add3A_286 : i32
    %run_scoped3A_288 = arith.constant 1 : i32
    "tpu.region"() ({
      %run_scoped3A_536 = tpu.sem_alloc : memref<!tpu.dma_semaphore, #tpu.memory_space<semaphore_mem>>
      %dma_start3A_537 = arith.constant 0 : i32
      %dma_start3A_538 = tpu.memref_slice %arg5[%run_scoped3A_288, %dma_start3A_537] : memref<2x2112xi32, #tpu.memory_space<vmem>> -> memref<1x2112xi32, #tpu.memory_space<vmem>>
      %dma_start3A_539 = tpu.memref_squeeze %dma_start3A_538 : memref<1x2112xi32, #tpu.memory_space<vmem>> -> memref<2112xi32, #tpu.memory_space<vmem>>
      %dma_start3A_540 = tpu.memref_slice %arg3[%add3A_287] : memref<540672xi32, #tpu.memory_space<hbm>> -> memref<2112xi32, #tpu.memory_space<hbm>>
      %dma_start3A_541 = arith.constant 0 : i32
      %dma_start3A_542 = tpu.memref_slice %arg5[%run_scoped3A_288, %dma_start3A_541] : memref<2x2112xi32, #tpu.memory_space<vmem>> -> memref<1x2112xi32, #tpu.memory_space<vmem>>
      %dma_start3A_543 = tpu.memref_squeeze %dma_start3A_542 : memref<1x2112xi32, #tpu.memory_space<vmem>> -> memref<2112xi32, #tpu.memory_space<vmem>>
      %dma_start3A_544 = tpu.memref_slice %arg3[%add3A_287] : memref<540672xi32, #tpu.memory_space<hbm>> -> memref<2112xi32, #tpu.memory_space<hbm>>
      tpu.enqueue_dma source(%dma_start3A_544 : memref<2112xi32, #tpu.memory_space<hbm>>) target(%dma_start3A_543 : memref<2112xi32, #tpu.memory_space<vmem>>) target_semaphore(%run_scoped3A_536 : memref<!tpu.dma_semaphore, #tpu.memory_space<semaphore_mem>>)
      %dma_wait3A_545 = arith.constant 0 : i32
      %dma_wait3A_546 = tpu.memref_slice %arg5[%run_scoped3A_288, %dma_wait3A_545] : memref<2x2112xi32, #tpu.memory_space<vmem>> -> memref<1x2112xi32, #tpu.memory_space<vmem>>
      %dma_wait3A_547 = tpu.memref_squeeze %dma_wait3A_546 : memref<1x2112xi32, #tpu.memory_space<vmem>> -> memref<2112xi32, #tpu.memory_space<vmem>>
      %dma_wait3A_548 = tpu.memref_slice %arg3[%add3A_287] : memref<540672xi32, #tpu.memory_space<hbm>> -> memref<2112xi32, #tpu.memory_space<hbm>>
      %dma_wait3A_549 = arith.constant 0 : i32
      %dma_wait3A_550 = tpu.memref_slice %arg5[%run_scoped3A_288, %dma_wait3A_549] : memref<2x2112xi32, #tpu.memory_space<vmem>> -> memref<1x2112xi32, #tpu.memory_space<vmem>>
      %dma_wait3A_551 = tpu.memref_squeeze %dma_wait3A_550 : memref<1x2112xi32, #tpu.memory_space<vmem>> -> memref<2112xi32, #tpu.memory_space<vmem>>
      %dma_wait3A_552 = tpu.memref_slice %arg3[%add3A_287] : memref<540672xi32, #tpu.memory_space<hbm>> -> memref<2112xi32, #tpu.memory_space<hbm>>
      tpu.wait_dma2 semaphore(%run_scoped3A_536 : memref<!tpu.dma_semaphore, #tpu.memory_space<semaphore_mem>>) src(%dma_wait3A_552 : memref<2112xi32, #tpu.memory_space<hbm>>) dst(%dma_wait3A_551 : memref<2112xi32, #tpu.memory_space<vmem>>)
      tpu.yield
    }) : () -> ()
    %dma_start3A_289 = arith.constant 1 : i32
    %dma_start3A_290 = arith.constant 1 : i32
    %dma_start3A_291 = arith.constant 1 : i32
    %dma_start3A_292 = arith.constant 0 : i32
    %dma_start3A_293 = arith.constant 0 : i32
    %dma_start3A_294 = tpu.memref_slice %arg6[%dma_start3A_290, %dma_start3A_292, %dma_start3A_293] : memref<2x2112x8xf32, #tpu.memory_space<vmem>> -> memref<1x2112x8xf32, #tpu.memory_space<vmem>>
    %dma_start3A_295 = tpu.memref_squeeze %dma_start3A_294 : memref<1x2112x8xf32, #tpu.memory_space<vmem>> -> memref<2112x8xf32, #tpu.memory_space<vmem>>
    %dma_start3A_296 = arith.constant 0 : i32
    %dma_start3A_297 = tpu.memref_slice %arg5[%dma_start3A_289, %dma_start3A_296] : memref<2x2112xi32, #tpu.memory_space<vmem>> -> memref<1x2112xi32, #tpu.memory_space<vmem>>
    %dma_start3A_298 = tpu.memref_squeeze %dma_start3A_297 : memref<1x2112xi32, #tpu.memory_space<vmem>> -> memref<2112xi32, #tpu.memory_space<vmem>>
    %dma_start3A_299 = arith.constant 0 : i32
    %dma_start3A_300 = arith.constant 0 : i32
    %dma_start3A_301 = tpu.memref_slice %arg2[%dma_start3A_299, %dma_start3A_300] : memref<100000x8xf32, #tpu.memory_space<hbm>> -> memref<100000x8xf32, #tpu.memory_space<hbm>>
    %dma_start3A_302 = tpu.memref_slice %arg7[%dma_start3A_291] : memref<2x!tpu.dma_semaphore, #tpu.memory_space<semaphore_mem>> -> memref<1x!tpu.dma_semaphore, #tpu.memory_space<semaphore_mem>>
    %dma_start3A_303 = tpu.memref_squeeze %dma_start3A_302 : memref<1x!tpu.dma_semaphore, #tpu.memory_space<semaphore_mem>> -> memref<!tpu.dma_semaphore, #tpu.memory_space<semaphore_mem>>
    tpu.enqueue_indirect_dma source(%dma_start3A_301 : memref<100000x8xf32, #tpu.memory_space<hbm>>) target(%dma_start3A_295 : memref<2112x8xf32, #tpu.memory_space<vmem>>) offsets(%dma_start3A_298 : memref<2112xi32, #tpu.memory_space<vmem>>) semaphore(%dma_start3A_303 : memref<!tpu.dma_semaphore, #tpu.memory_space<semaphore_mem>>)
    %dma_wait3A_304 = arith.constant 0 : i32
    %dma_wait3A_305 = arith.constant 0 : i32
    %dma_wait3A_306 = arith.constant 0 : i32
    %dma_wait3A_307 = arith.constant 0 : i32
    %dma_wait3A_308 = arith.constant 0 : i32
    %dma_wait3A_309 = tpu.memref_slice %arg6[%dma_wait3A_305, %dma_wait3A_307, %dma_wait3A_308] : memref<2x2112x8xf32, #tpu.memory_space<vmem>> -> memref<1x2112x8xf32, #tpu.memory_space<vmem>>
    %dma_wait3A_310 = tpu.memref_squeeze %dma_wait3A_309 : memref<1x2112x8xf32, #tpu.memory_space<vmem>> -> memref<2112x8xf32, #tpu.memory_space<vmem>>
    %dma_wait3A_311 = arith.constant 0 : i32
    %dma_wait3A_312 = tpu.memref_slice %arg5[%dma_wait3A_304, %dma_wait3A_311] : memref<2x2112xi32, #tpu.memory_space<vmem>> -> memref<1x2112xi32, #tpu.memory_space<vmem>>
    %dma_wait3A_313 = tpu.memref_squeeze %dma_wait3A_312 : memref<1x2112xi32, #tpu.memory_space<vmem>> -> memref<2112xi32, #tpu.memory_space<vmem>>
    %dma_wait3A_314 = arith.constant 0 : i32
    %dma_wait3A_315 = arith.constant 0 : i32
    %dma_wait3A_316 = tpu.memref_slice %arg2[%dma_wait3A_314, %dma_wait3A_315] : memref<100000x8xf32, #tpu.memory_space<hbm>> -> memref<100000x8xf32, #tpu.memory_space<hbm>>
    %dma_wait3A_317 = tpu.memref_slice %arg7[%dma_wait3A_306] : memref<2x!tpu.dma_semaphore, #tpu.memory_space<semaphore_mem>> -> memref<1x!tpu.dma_semaphore, #tpu.memory_space<semaphore_mem>>
    %dma_wait3A_318 = tpu.memref_squeeze %dma_wait3A_317 : memref<1x!tpu.dma_semaphore, #tpu.memory_space<semaphore_mem>> -> memref<!tpu.dma_semaphore, #tpu.memory_space<semaphore_mem>>
    tpu.wait_indirect_dma semaphore(%dma_wait3A_318 : memref<!tpu.dma_semaphore, #tpu.memory_space<semaphore_mem>>) src(%dma_wait3A_316 : memref<100000x8xf32, #tpu.memory_space<hbm>>) dst(%dma_wait3A_310 : memref<2112x8xf32, #tpu.memory_space<vmem>>)
    %add3A_319 = arith.constant 8448 : i32
    %add3A_320 = arith.addi %mul3A_2, %add3A_319 : i32
    %dma_start3A_321 = arith.constant 0 : i32
    %dma_start3A_322 = arith.constant 0 : i32
    %dma_start3A_323 = arith.constant 0 : i32
    %dma_start3A_324 = arith.constant 0 : i32
    %dma_start3A_325 = tpu.memref_slice %arg6[%dma_start3A_321, %dma_start3A_323, %dma_start3A_324] : memref<2x2112x8xf32, #tpu.memory_space<vmem>> -> memref<1x2112x8xf32, #tpu.memory_space<vmem>>
    %dma_start3A_326 = tpu.memref_squeeze %dma_start3A_325 : memref<1x2112x8xf32, #tpu.memory_space<vmem>> -> memref<2112x8xf32, #tpu.memory_space<vmem>>
    %dma_start3A_327 = arith.constant 0 : i32
    %dma_start3A_328 = tpu.memref_slice %arg4[%add3A_320, %dma_start3A_327] : memref<540672x8xf32, #tpu.memory_space<hbm>> -> memref<2112x8xf32, #tpu.memory_space<hbm>>
    %dma_start3A_329 = tpu.memref_slice %arg8[%dma_start3A_322] : memref<2x!tpu.dma_semaphore, #tpu.memory_space<semaphore_mem>> -> memref<1x!tpu.dma_semaphore, #tpu.memory_space<semaphore_mem>>
    %dma_start3A_330 = tpu.memref_squeeze %dma_start3A_329 : memref<1x!tpu.dma_semaphore, #tpu.memory_space<semaphore_mem>> -> memref<!tpu.dma_semaphore, #tpu.memory_space<semaphore_mem>>
    %dma_start3A_331 = arith.constant 0 : i32
    %dma_start3A_332 = tpu.memref_slice %arg4[%add3A_320, %dma_start3A_331] : memref<540672x8xf32, #tpu.memory_space<hbm>> -> memref<2112x8xf32, #tpu.memory_space<hbm>>
    %dma_start3A_333 = arith.constant 0 : i32
    %dma_start3A_334 = arith.constant 0 : i32
    %dma_start3A_335 = tpu.memref_slice %arg6[%dma_start3A_321, %dma_start3A_333, %dma_start3A_334] : memref<2x2112x8xf32, #tpu.memory_space<vmem>> -> memref<1x2112x8xf32, #tpu.memory_space<vmem>>
    %dma_start3A_336 = tpu.memref_squeeze %dma_start3A_335 : memref<1x2112x8xf32, #tpu.memory_space<vmem>> -> memref<2112x8xf32, #tpu.memory_space<vmem>>
    tpu.enqueue_dma source(%dma_start3A_336 : memref<2112x8xf32, #tpu.memory_space<vmem>>) target(%dma_start3A_332 : memref<2112x8xf32, #tpu.memory_space<hbm>>) target_semaphore(%dma_start3A_330 : memref<!tpu.dma_semaphore, #tpu.memory_space<semaphore_mem>>)
    %dma_wait3A_337 = arith.constant 0 : i32
    %dma_wait3A_338 = arith.constant 0 : i32
    %dma_wait3A_339 = arith.constant 0 : i32
    %dma_wait3A_340 = arith.constant 0 : i32
    %dma_wait3A_341 = tpu.memref_slice %arg6[%dma_wait3A_337, %dma_wait3A_339, %dma_wait3A_340] : memref<2x2112x8xf32, #tpu.memory_space<vmem>> -> memref<1x2112x8xf32, #tpu.memory_space<vmem>>
    %dma_wait3A_342 = tpu.memref_squeeze %dma_wait3A_341 : memref<1x2112x8xf32, #tpu.memory_space<vmem>> -> memref<2112x8xf32, #tpu.memory_space<vmem>>
    %dma_wait3A_343 = arith.constant 0 : i32
    %dma_wait3A_344 = tpu.memref_slice %arg4[%add3A_320, %dma_wait3A_343] : memref<540672x8xf32, #tpu.memory_space<hbm>> -> memref<2112x8xf32, #tpu.memory_space<hbm>>
    %dma_wait3A_345 = tpu.memref_slice %arg8[%dma_wait3A_338] : memref<2x!tpu.dma_semaphore, #tpu.memory_space<semaphore_mem>> -> memref<1x!tpu.dma_semaphore, #tpu.memory_space<semaphore_mem>>
    %dma_wait3A_346 = tpu.memref_squeeze %dma_wait3A_345 : memref<1x!tpu.dma_semaphore, #tpu.memory_space<semaphore_mem>> -> memref<!tpu.dma_semaphore, #tpu.memory_space<semaphore_mem>>
    %dma_wait3A_347 = arith.constant 0 : i32
    %dma_wait3A_348 = tpu.memref_slice %arg4[%add3A_320, %dma_wait3A_347] : memref<540672x8xf32, #tpu.memory_space<hbm>> -> memref<2112x8xf32, #tpu.memory_space<hbm>>
    %dma_wait3A_349 = arith.constant 0 : i32
    %dma_wait3A_350 = arith.constant 0 : i32
    %dma_wait3A_351 = tpu.memref_slice %arg6[%dma_wait3A_337, %dma_wait3A_349, %dma_wait3A_350] : memref<2x2112x8xf32, #tpu.memory_space<vmem>> -> memref<1x2112x8xf32, #tpu.memory_space<vmem>>
    %dma_wait3A_352 = tpu.memref_squeeze %dma_wait3A_351 : memref<1x2112x8xf32, #tpu.memory_space<vmem>> -> memref<2112x8xf32, #tpu.memory_space<vmem>>
    tpu.wait_dma2 semaphore(%dma_wait3A_346 : memref<!tpu.dma_semaphore, #tpu.memory_space<semaphore_mem>>) src(%dma_wait3A_352 : memref<2112x8xf32, #tpu.memory_space<vmem>>) dst(%dma_wait3A_348 : memref<2112x8xf32, #tpu.memory_space<hbm>>)
    %add3A_353 = arith.constant 12672 : i32
    %add3A_354 = arith.addi %mul3A_2, %add3A_353 : i32
    %run_scoped3A_355 = arith.constant 0 : i32
    "tpu.region"() ({
      %run_scoped3A_536 = tpu.sem_alloc : memref<!tpu.dma_semaphore, #tpu.memory_space<semaphore_mem>>
      %dma_start3A_537 = arith.constant 0 : i32
      %dma_start3A_538 = tpu.memref_slice %arg5[%run_scoped3A_355, %dma_start3A_537] : memref<2x2112xi32, #tpu.memory_space<vmem>> -> memref<1x2112xi32, #tpu.memory_space<vmem>>
      %dma_start3A_539 = tpu.memref_squeeze %dma_start3A_538 : memref<1x2112xi32, #tpu.memory_space<vmem>> -> memref<2112xi32, #tpu.memory_space<vmem>>
      %dma_start3A_540 = tpu.memref_slice %arg3[%add3A_354] : memref<540672xi32, #tpu.memory_space<hbm>> -> memref<2112xi32, #tpu.memory_space<hbm>>
      %dma_start3A_541 = arith.constant 0 : i32
      %dma_start3A_542 = tpu.memref_slice %arg5[%run_scoped3A_355, %dma_start3A_541] : memref<2x2112xi32, #tpu.memory_space<vmem>> -> memref<1x2112xi32, #tpu.memory_space<vmem>>
      %dma_start3A_543 = tpu.memref_squeeze %dma_start3A_542 : memref<1x2112xi32, #tpu.memory_space<vmem>> -> memref<2112xi32, #tpu.memory_space<vmem>>
      %dma_start3A_544 = tpu.memref_slice %arg3[%add3A_354] : memref<540672xi32, #tpu.memory_space<hbm>> -> memref<2112xi32, #tpu.memory_space<hbm>>
      tpu.enqueue_dma source(%dma_start3A_544 : memref<2112xi32, #tpu.memory_space<hbm>>) target(%dma_start3A_543 : memref<2112xi32, #tpu.memory_space<vmem>>) target_semaphore(%run_scoped3A_536 : memref<!tpu.dma_semaphore, #tpu.memory_space<semaphore_mem>>)
      %dma_wait3A_545 = arith.constant 0 : i32
      %dma_wait3A_546 = tpu.memref_slice %arg5[%run_scoped3A_355, %dma_wait3A_545] : memref<2x2112xi32, #tpu.memory_space<vmem>> -> memref<1x2112xi32, #tpu.memory_space<vmem>>
      %dma_wait3A_547 = tpu.memref_squeeze %dma_wait3A_546 : memref<1x2112xi32, #tpu.memory_space<vmem>> -> memref<2112xi32, #tpu.memory_space<vmem>>
      %dma_wait3A_548 = tpu.memref_slice %arg3[%add3A_354] : memref<540672xi32, #tpu.memory_space<hbm>> -> memref<2112xi32, #tpu.memory_space<hbm>>
      %dma_wait3A_549 = arith.constant 0 : i32
      %dma_wait3A_550 = tpu.memref_slice %arg5[%run_scoped3A_355, %dma_wait3A_549] : memref<2x2112xi32, #tpu.memory_space<vmem>> -> memref<1x2112xi32, #tpu.memory_space<vmem>>
      %dma_wait3A_551 = tpu.memref_squeeze %dma_wait3A_550 : memref<1x2112xi32, #tpu.memory_space<vmem>> -> memref<2112xi32, #tpu.memory_space<vmem>>
      %dma_wait3A_552 = tpu.memref_slice %arg3[%add3A_354] : memref<540672xi32, #tpu.memory_space<hbm>> -> memref<2112xi32, #tpu.memory_space<hbm>>
      tpu.wait_dma2 semaphore(%run_scoped3A_536 : memref<!tpu.dma_semaphore, #tpu.memory_space<semaphore_mem>>) src(%dma_wait3A_552 : memref<2112xi32, #tpu.memory_space<hbm>>) dst(%dma_wait3A_551 : memref<2112xi32, #tpu.memory_space<vmem>>)
      tpu.yield
    }) : () -> ()
    %dma_start3A_356 = arith.constant 0 : i32
    %dma_start3A_357 = arith.constant 0 : i32
    %dma_start3A_358 = arith.constant 0 : i32
    %dma_start3A_359 = arith.constant 0 : i32
    %dma_start3A_360 = arith.constant 0 : i32
    %dma_start3A_361 = tpu.memref_slice %arg6[%dma_start3A_357, %dma_start3A_359, %dma_start3A_360] : memref<2x2112x8xf32, #tpu.memory_space<vmem>> -> memref<1x2112x8xf32, #tpu.memory_space<vmem>>
    %dma_start3A_362 = tpu.memref_squeeze %dma_start3A_361 : memref<1x2112x8xf32, #tpu.memory_space<vmem>> -> memref<2112x8xf32, #tpu.memory_space<vmem>>
    %dma_start3A_363 = arith.constant 0 : i32
    %dma_start3A_364 = tpu.memref_slice %arg5[%dma_start3A_356, %dma_start3A_363] : memref<2x2112xi32, #tpu.memory_space<vmem>> -> memref<1x2112xi32, #tpu.memory_space<vmem>>
    %dma_start3A_365 = tpu.memref_squeeze %dma_start3A_364 : memref<1x2112xi32, #tpu.memory_space<vmem>> -> memref<2112xi32, #tpu.memory_space<vmem>>
    %dma_start3A_366 = arith.constant 0 : i32
    %dma_start3A_367 = arith.constant 0 : i32
    %dma_start3A_368 = tpu.memref_slice %arg2[%dma_start3A_366, %dma_start3A_367] : memref<100000x8xf32, #tpu.memory_space<hbm>> -> memref<100000x8xf32, #tpu.memory_space<hbm>>
    %dma_start3A_369 = tpu.memref_slice %arg7[%dma_start3A_358] : memref<2x!tpu.dma_semaphore, #tpu.memory_space<semaphore_mem>> -> memref<1x!tpu.dma_semaphore, #tpu.memory_space<semaphore_mem>>
    %dma_start3A_370 = tpu.memref_squeeze %dma_start3A_369 : memref<1x!tpu.dma_semaphore, #tpu.memory_space<semaphore_mem>> -> memref<!tpu.dma_semaphore, #tpu.memory_space<semaphore_mem>>
    tpu.enqueue_indirect_dma source(%dma_start3A_368 : memref<100000x8xf32, #tpu.memory_space<hbm>>) target(%dma_start3A_362 : memref<2112x8xf32, #tpu.memory_space<vmem>>) offsets(%dma_start3A_365 : memref<2112xi32, #tpu.memory_space<vmem>>) semaphore(%dma_start3A_370 : memref<!tpu.dma_semaphore, #tpu.memory_space<semaphore_mem>>)
    %dma_wait3A_371 = arith.constant 1 : i32
    %dma_wait3A_372 = arith.constant 1 : i32
    %dma_wait3A_373 = arith.constant 1 : i32
    %dma_wait3A_374 = arith.constant 0 : i32
    %dma_wait3A_375 = arith.constant 0 : i32
    %dma_wait3A_376 = tpu.memref_slice %arg6[%dma_wait3A_372, %dma_wait3A_374, %dma_wait3A_375] : memref<2x2112x8xf32, #tpu.memory_space<vmem>> -> memref<1x2112x8xf32, #tpu.memory_space<vmem>>
    %dma_wait3A_377 = tpu.memref_squeeze %dma_wait3A_376 : memref<1x2112x8xf32, #tpu.memory_space<vmem>> -> memref<2112x8xf32, #tpu.memory_space<vmem>>
    %dma_wait3A_378 = arith.constant 0 : i32
    %dma_wait3A_379 = tpu.memref_slice %arg5[%dma_wait3A_371, %dma_wait3A_378] : memref<2x2112xi32, #tpu.memory_space<vmem>> -> memref<1x2112xi32, #tpu.memory_space<vmem>>
    %dma_wait3A_380 = tpu.memref_squeeze %dma_wait3A_379 : memref<1x2112xi32, #tpu.memory_space<vmem>> -> memref<2112xi32, #tpu.memory_space<vmem>>
    %dma_wait3A_381 = arith.constant 0 : i32
    %dma_wait3A_382 = arith.constant 0 : i32
    %dma_wait3A_383 = tpu.memref_slice %arg2[%dma_wait3A_381, %dma_wait3A_382] : memref<100000x8xf32, #tpu.memory_space<hbm>> -> memref<100000x8xf32, #tpu.memory_space<hbm>>
    %dma_wait3A_384 = tpu.memref_slice %arg7[%dma_wait3A_373] : memref<2x!tpu.dma_semaphore, #tpu.memory_space<semaphore_mem>> -> memref<1x!tpu.dma_semaphore, #tpu.memory_space<semaphore_mem>>
    %dma_wait3A_385 = tpu.memref_squeeze %dma_wait3A_384 : memref<1x!tpu.dma_semaphore, #tpu.memory_space<semaphore_mem>> -> memref<!tpu.dma_semaphore, #tpu.memory_space<semaphore_mem>>
    tpu.wait_indirect_dma semaphore(%dma_wait3A_385 : memref<!tpu.dma_semaphore, #tpu.memory_space<semaphore_mem>>) src(%dma_wait3A_383 : memref<100000x8xf32, #tpu.memory_space<hbm>>) dst(%dma_wait3A_377 : memref<2112x8xf32, #tpu.memory_space<vmem>>)
    %add3A_386 = arith.constant 10560 : i32
    %add3A_387 = arith.addi %mul3A_2, %add3A_386 : i32
    %dma_start3A_388 = arith.constant 1 : i32
    %dma_start3A_389 = arith.constant 1 : i32
    %dma_start3A_390 = arith.constant 0 : i32
    %dma_start3A_391 = arith.constant 0 : i32
    %dma_start3A_392 = tpu.memref_slice %arg6[%dma_start3A_388, %dma_start3A_390, %dma_start3A_391] : memref<2x2112x8xf32, #tpu.memory_space<vmem>> -> memref<1x2112x8xf32, #tpu.memory_space<vmem>>
    %dma_start3A_393 = tpu.memref_squeeze %dma_start3A_392 : memref<1x2112x8xf32, #tpu.memory_space<vmem>> -> memref<2112x8xf32, #tpu.memory_space<vmem>>
    %dma_start3A_394 = arith.constant 0 : i32
    %dma_start3A_395 = tpu.memref_slice %arg4[%add3A_387, %dma_start3A_394] : memref<540672x8xf32, #tpu.memory_space<hbm>> -> memref<2112x8xf32, #tpu.memory_space<hbm>>
    %dma_start3A_396 = tpu.memref_slice %arg8[%dma_start3A_389] : memref<2x!tpu.dma_semaphore, #tpu.memory_space<semaphore_mem>> -> memref<1x!tpu.dma_semaphore, #tpu.memory_space<semaphore_mem>>
    %dma_start3A_397 = tpu.memref_squeeze %dma_start3A_396 : memref<1x!tpu.dma_semaphore, #tpu.memory_space<semaphore_mem>> -> memref<!tpu.dma_semaphore, #tpu.memory_space<semaphore_mem>>
    %dma_start3A_398 = arith.constant 0 : i32
    %dma_start3A_399 = tpu.memref_slice %arg4[%add3A_387, %dma_start3A_398] : memref<540672x8xf32, #tpu.memory_space<hbm>> -> memref<2112x8xf32, #tpu.memory_space<hbm>>
    %dma_start3A_400 = arith.constant 0 : i32
    %dma_start3A_401 = arith.constant 0 : i32
    %dma_start3A_402 = tpu.memref_slice %arg6[%dma_start3A_388, %dma_start3A_400, %dma_start3A_401] : memref<2x2112x8xf32, #tpu.memory_space<vmem>> -> memref<1x2112x8xf32, #tpu.memory_space<vmem>>
    %dma_start3A_403 = tpu.memref_squeeze %dma_start3A_402 : memref<1x2112x8xf32, #tpu.memory_space<vmem>> -> memref<2112x8xf32, #tpu.memory_space<vmem>>
    tpu.enqueue_dma source(%dma_start3A_403 : memref<2112x8xf32, #tpu.memory_space<vmem>>) target(%dma_start3A_399 : memref<2112x8xf32, #tpu.memory_space<hbm>>) target_semaphore(%dma_start3A_397 : memref<!tpu.dma_semaphore, #tpu.memory_space<semaphore_mem>>)
    %dma_wait3A_404 = arith.constant 1 : i32
    %dma_wait3A_405 = arith.constant 1 : i32
    %dma_wait3A_406 = arith.constant 0 : i32
    %dma_wait3A_407 = arith.constant 0 : i32
    %dma_wait3A_408 = tpu.memref_slice %arg6[%dma_wait3A_404, %dma_wait3A_406, %dma_wait3A_407] : memref<2x2112x8xf32, #tpu.memory_space<vmem>> -> memref<1x2112x8xf32, #tpu.memory_space<vmem>>
    %dma_wait3A_409 = tpu.memref_squeeze %dma_wait3A_408 : memref<1x2112x8xf32, #tpu.memory_space<vmem>> -> memref<2112x8xf32, #tpu.memory_space<vmem>>
    %dma_wait3A_410 = arith.constant 0 : i32
    %dma_wait3A_411 = tpu.memref_slice %arg4[%add3A_387, %dma_wait3A_410] : memref<540672x8xf32, #tpu.memory_space<hbm>> -> memref<2112x8xf32, #tpu.memory_space<hbm>>
    %dma_wait3A_412 = tpu.memref_slice %arg8[%dma_wait3A_405] : memref<2x!tpu.dma_semaphore, #tpu.memory_space<semaphore_mem>> -> memref<1x!tpu.dma_semaphore, #tpu.memory_space<semaphore_mem>>
    %dma_wait3A_413 = tpu.memref_squeeze %dma_wait3A_412 : memref<1x!tpu.dma_semaphore, #tpu.memory_space<semaphore_mem>> -> memref<!tpu.dma_semaphore, #tpu.memory_space<semaphore_mem>>
    %dma_wait3A_414 = arith.constant 0 : i32
    %dma_wait3A_415 = tpu.memref_slice %arg4[%add3A_387, %dma_wait3A_414] : memref<540672x8xf32, #tpu.memory_space<hbm>> -> memref<2112x8xf32, #tpu.memory_space<hbm>>
    %dma_wait3A_416 = arith.constant 0 : i32
    %dma_wait3A_417 = arith.constant 0 : i32
    %dma_wait3A_418 = tpu.memref_slice %arg6[%dma_wait3A_404, %dma_wait3A_416, %dma_wait3A_417] : memref<2x2112x8xf32, #tpu.memory_space<vmem>> -> memref<1x2112x8xf32, #tpu.memory_space<vmem>>
    %dma_wait3A_419 = tpu.memref_squeeze %dma_wait3A_418 : memref<1x2112x8xf32, #tpu.memory_space<vmem>> -> memref<2112x8xf32, #tpu.memory_space<vmem>>
    tpu.wait_dma2 semaphore(%dma_wait3A_413 : memref<!tpu.dma_semaphore, #tpu.memory_space<semaphore_mem>>) src(%dma_wait3A_419 : memref<2112x8xf32, #tpu.memory_space<vmem>>) dst(%dma_wait3A_415 : memref<2112x8xf32, #tpu.memory_space<hbm>>)
    %add3A_420 = arith.constant 14784 : i32
    %add3A_421 = arith.addi %mul3A_2, %add3A_420 : i32
    %run_scoped3A_422 = arith.constant 1 : i32
    "tpu.region"() ({
      %run_scoped3A_536 = tpu.sem_alloc : memref<!tpu.dma_semaphore, #tpu.memory_space<semaphore_mem>>
      %dma_start3A_537 = arith.constant 0 : i32
      %dma_start3A_538 = tpu.memref_slice %arg5[%run_scoped3A_422, %dma_start3A_537] : memref<2x2112xi32, #tpu.memory_space<vmem>> -> memref<1x2112xi32, #tpu.memory_space<vmem>>
      %dma_start3A_539 = tpu.memref_squeeze %dma_start3A_538 : memref<1x2112xi32, #tpu.memory_space<vmem>> -> memref<2112xi32, #tpu.memory_space<vmem>>
      %dma_start3A_540 = tpu.memref_slice %arg3[%add3A_421] : memref<540672xi32, #tpu.memory_space<hbm>> -> memref<2112xi32, #tpu.memory_space<hbm>>
      %dma_start3A_541 = arith.constant 0 : i32
      %dma_start3A_542 = tpu.memref_slice %arg5[%run_scoped3A_422, %dma_start3A_541] : memref<2x2112xi32, #tpu.memory_space<vmem>> -> memref<1x2112xi32, #tpu.memory_space<vmem>>
      %dma_start3A_543 = tpu.memref_squeeze %dma_start3A_542 : memref<1x2112xi32, #tpu.memory_space<vmem>> -> memref<2112xi32, #tpu.memory_space<vmem>>
      %dma_start3A_544 = tpu.memref_slice %arg3[%add3A_421] : memref<540672xi32, #tpu.memory_space<hbm>> -> memref<2112xi32, #tpu.memory_space<hbm>>
      tpu.enqueue_dma source(%dma_start3A_544 : memref<2112xi32, #tpu.memory_space<hbm>>) target(%dma_start3A_543 : memref<2112xi32, #tpu.memory_space<vmem>>) target_semaphore(%run_scoped3A_536 : memref<!tpu.dma_semaphore, #tpu.memory_space<semaphore_mem>>)
      %dma_wait3A_545 = arith.constant 0 : i32
      %dma_wait3A_546 = tpu.memref_slice %arg5[%run_scoped3A_422, %dma_wait3A_545] : memref<2x2112xi32, #tpu.memory_space<vmem>> -> memref<1x2112xi32, #tpu.memory_space<vmem>>
      %dma_wait3A_547 = tpu.memref_squeeze %dma_wait3A_546 : memref<1x2112xi32, #tpu.memory_space<vmem>> -> memref<2112xi32, #tpu.memory_space<vmem>>
      %dma_wait3A_548 = tpu.memref_slice %arg3[%add3A_421] : memref<540672xi32, #tpu.memory_space<hbm>> -> memref<2112xi32, #tpu.memory_space<hbm>>
      %dma_wait3A_549 = arith.constant 0 : i32
      %dma_wait3A_550 = tpu.memref_slice %arg5[%run_scoped3A_422, %dma_wait3A_549] : memref<2x2112xi32, #tpu.memory_space<vmem>> -> memref<1x2112xi32, #tpu.memory_space<vmem>>
      %dma_wait3A_551 = tpu.memref_squeeze %dma_wait3A_550 : memref<1x2112xi32, #tpu.memory_space<vmem>> -> memref<2112xi32, #tpu.memory_space<vmem>>
      %dma_wait3A_552 = tpu.memref_slice %arg3[%add3A_421] : memref<540672xi32, #tpu.memory_space<hbm>> -> memref<2112xi32, #tpu.memory_space<hbm>>
      tpu.wait_dma2 semaphore(%run_scoped3A_536 : memref<!tpu.dma_semaphore, #tpu.memory_space<semaphore_mem>>) src(%dma_wait3A_552 : memref<2112xi32, #tpu.memory_space<hbm>>) dst(%dma_wait3A_551 : memref<2112xi32, #tpu.memory_space<vmem>>)
      tpu.yield
    }) : () -> ()
    %dma_start3A_423 = arith.constant 1 : i32
    %dma_start3A_424 = arith.constant 1 : i32
    %dma_start3A_425 = arith.constant 1 : i32
    %dma_start3A_426 = arith.constant 0 : i32
    %dma_start3A_427 = arith.constant 0 : i32
    %dma_start3A_428 = tpu.memref_slice %arg6[%dma_start3A_424, %dma_start3A_426, %dma_start3A_427] : memref<2x2112x8xf32, #tpu.memory_space<vmem>> -> memref<1x2112x8xf32, #tpu.memory_space<vmem>>
    %dma_start3A_429 = tpu.memref_squeeze %dma_start3A_428 : memref<1x2112x8xf32, #tpu.memory_space<vmem>> -> memref<2112x8xf32, #tpu.memory_space<vmem>>
    %dma_start3A_430 = arith.constant 0 : i32
    %dma_start3A_431 = tpu.memref_slice %arg5[%dma_start3A_423, %dma_start3A_430] : memref<2x2112xi32, #tpu.memory_space<vmem>> -> memref<1x2112xi32, #tpu.memory_space<vmem>>
    %dma_start3A_432 = tpu.memref_squeeze %dma_start3A_431 : memref<1x2112xi32, #tpu.memory_space<vmem>> -> memref<2112xi32, #tpu.memory_space<vmem>>
    %dma_start3A_433 = arith.constant 0 : i32
    %dma_start3A_434 = arith.constant 0 : i32
    %dma_start3A_435 = tpu.memref_slice %arg2[%dma_start3A_433, %dma_start3A_434] : memref<100000x8xf32, #tpu.memory_space<hbm>> -> memref<100000x8xf32, #tpu.memory_space<hbm>>
    %dma_start3A_436 = tpu.memref_slice %arg7[%dma_start3A_425] : memref<2x!tpu.dma_semaphore, #tpu.memory_space<semaphore_mem>> -> memref<1x!tpu.dma_semaphore, #tpu.memory_space<semaphore_mem>>
    %dma_start3A_437 = tpu.memref_squeeze %dma_start3A_436 : memref<1x!tpu.dma_semaphore, #tpu.memory_space<semaphore_mem>> -> memref<!tpu.dma_semaphore, #tpu.memory_space<semaphore_mem>>
    tpu.enqueue_indirect_dma source(%dma_start3A_435 : memref<100000x8xf32, #tpu.memory_space<hbm>>) target(%dma_start3A_429 : memref<2112x8xf32, #tpu.memory_space<vmem>>) offsets(%dma_start3A_432 : memref<2112xi32, #tpu.memory_space<vmem>>) semaphore(%dma_start3A_437 : memref<!tpu.dma_semaphore, #tpu.memory_space<semaphore_mem>>)
    %dma_wait3A_438 = arith.constant 0 : i32
    %dma_wait3A_439 = arith.constant 0 : i32
    %dma_wait3A_440 = arith.constant 0 : i32
    %dma_wait3A_441 = arith.constant 0 : i32
    %dma_wait3A_442 = arith.constant 0 : i32
    %dma_wait3A_443 = tpu.memref_slice %arg6[%dma_wait3A_439, %dma_wait3A_441, %dma_wait3A_442] : memref<2x2112x8xf32, #tpu.memory_space<vmem>> -> memref<1x2112x8xf32, #tpu.memory_space<vmem>>
    %dma_wait3A_444 = tpu.memref_squeeze %dma_wait3A_443 : memref<1x2112x8xf32, #tpu.memory_space<vmem>> -> memref<2112x8xf32, #tpu.memory_space<vmem>>
    %dma_wait3A_445 = arith.constant 0 : i32
    %dma_wait3A_446 = tpu.memref_slice %arg5[%dma_wait3A_438, %dma_wait3A_445] : memref<2x2112xi32, #tpu.memory_space<vmem>> -> memref<1x2112xi32, #tpu.memory_space<vmem>>
    %dma_wait3A_447 = tpu.memref_squeeze %dma_wait3A_446 : memref<1x2112xi32, #tpu.memory_space<vmem>> -> memref<2112xi32, #tpu.memory_space<vmem>>
    %dma_wait3A_448 = arith.constant 0 : i32
    %dma_wait3A_449 = arith.constant 0 : i32
    %dma_wait3A_450 = tpu.memref_slice %arg2[%dma_wait3A_448, %dma_wait3A_449] : memref<100000x8xf32, #tpu.memory_space<hbm>> -> memref<100000x8xf32, #tpu.memory_space<hbm>>
    %dma_wait3A_451 = tpu.memref_slice %arg7[%dma_wait3A_440] : memref<2x!tpu.dma_semaphore, #tpu.memory_space<semaphore_mem>> -> memref<1x!tpu.dma_semaphore, #tpu.memory_space<semaphore_mem>>
    %dma_wait3A_452 = tpu.memref_squeeze %dma_wait3A_451 : memref<1x!tpu.dma_semaphore, #tpu.memory_space<semaphore_mem>> -> memref<!tpu.dma_semaphore, #tpu.memory_space<semaphore_mem>>
    tpu.wait_indirect_dma semaphore(%dma_wait3A_452 : memref<!tpu.dma_semaphore, #tpu.memory_space<semaphore_mem>>) src(%dma_wait3A_450 : memref<100000x8xf32, #tpu.memory_space<hbm>>) dst(%dma_wait3A_444 : memref<2112x8xf32, #tpu.memory_space<vmem>>)
    %add3A_453 = arith.constant 12672 : i32
    %add3A_454 = arith.addi %mul3A_2, %add3A_453 : i32
    %dma_start3A_455 = arith.constant 0 : i32
    %dma_start3A_456 = arith.constant 0 : i32
    %dma_start3A_457 = arith.constant 0 : i32
    %dma_start3A_458 = arith.constant 0 : i32
    %dma_start3A_459 = tpu.memref_slice %arg6[%dma_start3A_455, %dma_start3A_457, %dma_start3A_458] : memref<2x2112x8xf32, #tpu.memory_space<vmem>> -> memref<1x2112x8xf32, #tpu.memory_space<vmem>>
    %dma_start3A_460 = tpu.memref_squeeze %dma_start3A_459 : memref<1x2112x8xf32, #tpu.memory_space<vmem>> -> memref<2112x8xf32, #tpu.memory_space<vmem>>
    %dma_start3A_461 = arith.constant 0 : i32
    %dma_start3A_462 = tpu.memref_slice %arg4[%add3A_454, %dma_start3A_461] : memref<540672x8xf32, #tpu.memory_space<hbm>> -> memref<2112x8xf32, #tpu.memory_space<hbm>>
    %dma_start3A_463 = tpu.memref_slice %arg8[%dma_start3A_456] : memref<2x!tpu.dma_semaphore, #tpu.memory_space<semaphore_mem>> -> memref<1x!tpu.dma_semaphore, #tpu.memory_space<semaphore_mem>>
    %dma_start3A_464 = tpu.memref_squeeze %dma_start3A_463 : memref<1x!tpu.dma_semaphore, #tpu.memory_space<semaphore_mem>> -> memref<!tpu.dma_semaphore, #tpu.memory_space<semaphore_mem>>
    %dma_start3A_465 = arith.constant 0 : i32
    %dma_start3A_466 = tpu.memref_slice %arg4[%add3A_454, %dma_start3A_465] : memref<540672x8xf32, #tpu.memory_space<hbm>> -> memref<2112x8xf32, #tpu.memory_space<hbm>>
    %dma_start3A_467 = arith.constant 0 : i32
    %dma_start3A_468 = arith.constant 0 : i32
    %dma_start3A_469 = tpu.memref_slice %arg6[%dma_start3A_455, %dma_start3A_467, %dma_start3A_468] : memref<2x2112x8xf32, #tpu.memory_space<vmem>> -> memref<1x2112x8xf32, #tpu.memory_space<vmem>>
    %dma_start3A_470 = tpu.memref_squeeze %dma_start3A_469 : memref<1x2112x8xf32, #tpu.memory_space<vmem>> -> memref<2112x8xf32, #tpu.memory_space<vmem>>
    tpu.enqueue_dma source(%dma_start3A_470 : memref<2112x8xf32, #tpu.memory_space<vmem>>) target(%dma_start3A_466 : memref<2112x8xf32, #tpu.memory_space<hbm>>) target_semaphore(%dma_start3A_464 : memref<!tpu.dma_semaphore, #tpu.memory_space<semaphore_mem>>)
    %dma_wait3A_471 = arith.constant 1 : i32
    %dma_wait3A_472 = arith.constant 1 : i32
    %dma_wait3A_473 = arith.constant 1 : i32
    %dma_wait3A_474 = arith.constant 0 : i32
    %dma_wait3A_475 = arith.constant 0 : i32
    %dma_wait3A_476 = tpu.memref_slice %arg6[%dma_wait3A_472, %dma_wait3A_474, %dma_wait3A_475] : memref<2x2112x8xf32, #tpu.memory_space<vmem>> -> memref<1x2112x8xf32, #tpu.memory_space<vmem>>
    %dma_wait3A_477 = tpu.memref_squeeze %dma_wait3A_476 : memref<1x2112x8xf32, #tpu.memory_space<vmem>> -> memref<2112x8xf32, #tpu.memory_space<vmem>>
    %dma_wait3A_478 = arith.constant 0 : i32
    %dma_wait3A_479 = tpu.memref_slice %arg5[%dma_wait3A_471, %dma_wait3A_478] : memref<2x2112xi32, #tpu.memory_space<vmem>> -> memref<1x2112xi32, #tpu.memory_space<vmem>>
    %dma_wait3A_480 = tpu.memref_squeeze %dma_wait3A_479 : memref<1x2112xi32, #tpu.memory_space<vmem>> -> memref<2112xi32, #tpu.memory_space<vmem>>
    %dma_wait3A_481 = arith.constant 0 : i32
    %dma_wait3A_482 = arith.constant 0 : i32
    %dma_wait3A_483 = tpu.memref_slice %arg2[%dma_wait3A_481, %dma_wait3A_482] : memref<100000x8xf32, #tpu.memory_space<hbm>> -> memref<100000x8xf32, #tpu.memory_space<hbm>>
    %dma_wait3A_484 = tpu.memref_slice %arg7[%dma_wait3A_473] : memref<2x!tpu.dma_semaphore, #tpu.memory_space<semaphore_mem>> -> memref<1x!tpu.dma_semaphore, #tpu.memory_space<semaphore_mem>>
    %dma_wait3A_485 = tpu.memref_squeeze %dma_wait3A_484 : memref<1x!tpu.dma_semaphore, #tpu.memory_space<semaphore_mem>> -> memref<!tpu.dma_semaphore, #tpu.memory_space<semaphore_mem>>
    tpu.wait_indirect_dma semaphore(%dma_wait3A_485 : memref<!tpu.dma_semaphore, #tpu.memory_space<semaphore_mem>>) src(%dma_wait3A_483 : memref<100000x8xf32, #tpu.memory_space<hbm>>) dst(%dma_wait3A_477 : memref<2112x8xf32, #tpu.memory_space<vmem>>)
    %add3A_486 = arith.constant 14784 : i32
    %add3A_487 = arith.addi %mul3A_2, %add3A_486 : i32
    %dma_start3A_488 = arith.constant 1 : i32
    %dma_start3A_489 = arith.constant 1 : i32
    %dma_start3A_490 = arith.constant 0 : i32
    %dma_start3A_491 = arith.constant 0 : i32
    %dma_start3A_492 = tpu.memref_slice %arg6[%dma_start3A_488, %dma_start3A_490, %dma_start3A_491] : memref<2x2112x8xf32, #tpu.memory_space<vmem>> -> memref<1x2112x8xf32, #tpu.memory_space<vmem>>
    %dma_start3A_493 = tpu.memref_squeeze %dma_start3A_492 : memref<1x2112x8xf32, #tpu.memory_space<vmem>> -> memref<2112x8xf32, #tpu.memory_space<vmem>>
    %dma_start3A_494 = arith.constant 0 : i32
    %dma_start3A_495 = tpu.memref_slice %arg4[%add3A_487, %dma_start3A_494] : memref<540672x8xf32, #tpu.memory_space<hbm>> -> memref<2112x8xf32, #tpu.memory_space<hbm>>
    %dma_start3A_496 = tpu.memref_slice %arg8[%dma_start3A_489] : memref<2x!tpu.dma_semaphore, #tpu.memory_space<semaphore_mem>> -> memref<1x!tpu.dma_semaphore, #tpu.memory_space<semaphore_mem>>
    %dma_start3A_497 = tpu.memref_squeeze %dma_start3A_496 : memref<1x!tpu.dma_semaphore, #tpu.memory_space<semaphore_mem>> -> memref<!tpu.dma_semaphore, #tpu.memory_space<semaphore_mem>>
    %dma_start3A_498 = arith.constant 0 : i32
    %dma_start3A_499 = tpu.memref_slice %arg4[%add3A_487, %dma_start3A_498] : memref<540672x8xf32, #tpu.memory_space<hbm>> -> memref<2112x8xf32, #tpu.memory_space<hbm>>
    %dma_start3A_500 = arith.constant 0 : i32
    %dma_start3A_501 = arith.constant 0 : i32
    %dma_start3A_502 = tpu.memref_slice %arg6[%dma_start3A_488, %dma_start3A_500, %dma_start3A_501] : memref<2x2112x8xf32, #tpu.memory_space<vmem>> -> memref<1x2112x8xf32, #tpu.memory_space<vmem>>
    %dma_start3A_503 = tpu.memref_squeeze %dma_start3A_502 : memref<1x2112x8xf32, #tpu.memory_space<vmem>> -> memref<2112x8xf32, #tpu.memory_space<vmem>>
    tpu.enqueue_dma source(%dma_start3A_503 : memref<2112x8xf32, #tpu.memory_space<vmem>>) target(%dma_start3A_499 : memref<2112x8xf32, #tpu.memory_space<hbm>>) target_semaphore(%dma_start3A_497 : memref<!tpu.dma_semaphore, #tpu.memory_space<semaphore_mem>>)
    %dma_wait3A_504 = arith.constant 0 : i32
    %dma_wait3A_505 = arith.constant 0 : i32
    %dma_wait3A_506 = arith.constant 0 : i32
    %dma_wait3A_507 = arith.constant 0 : i32
    %dma_wait3A_508 = tpu.memref_slice %arg6[%dma_wait3A_504, %dma_wait3A_506, %dma_wait3A_507] : memref<2x2112x8xf32, #tpu.memory_space<vmem>> -> memref<1x2112x8xf32, #tpu.memory_space<vmem>>
    %dma_wait3A_509 = tpu.memref_squeeze %dma_wait3A_508 : memref<1x2112x8xf32, #tpu.memory_space<vmem>> -> memref<2112x8xf32, #tpu.memory_space<vmem>>
    %dma_wait3A_510 = arith.constant 0 : i32
    %dma_wait3A_511 = tpu.memref_slice %arg4[%add3A_454, %dma_wait3A_510] : memref<540672x8xf32, #tpu.memory_space<hbm>> -> memref<2112x8xf32, #tpu.memory_space<hbm>>
    %dma_wait3A_512 = tpu.memref_slice %arg8[%dma_wait3A_505] : memref<2x!tpu.dma_semaphore, #tpu.memory_space<semaphore_mem>> -> memref<1x!tpu.dma_semaphore, #tpu.memory_space<semaphore_mem>>
    %dma_wait3A_513 = tpu.memref_squeeze %dma_wait3A_512 : memref<1x!tpu.dma_semaphore, #tpu.memory_space<semaphore_mem>> -> memref<!tpu.dma_semaphore, #tpu.memory_space<semaphore_mem>>
    %dma_wait3A_514 = arith.constant 0 : i32
    %dma_wait3A_515 = tpu.memref_slice %arg4[%add3A_454, %dma_wait3A_514] : memref<540672x8xf32, #tpu.memory_space<hbm>> -> memref<2112x8xf32, #tpu.memory_space<hbm>>
    %dma_wait3A_516 = arith.constant 0 : i32
    %dma_wait3A_517 = arith.constant 0 : i32
    %dma_wait3A_518 = tpu.memref_slice %arg6[%dma_wait3A_504, %dma_wait3A_516, %dma_wait3A_517] : memref<2x2112x8xf32, #tpu.memory_space<vmem>> -> memref<1x2112x8xf32, #tpu.memory_space<vmem>>
    %dma_wait3A_519 = tpu.memref_squeeze %dma_wait3A_518 : memref<1x2112x8xf32, #tpu.memory_space<vmem>> -> memref<2112x8xf32, #tpu.memory_space<vmem>>
    tpu.wait_dma2 semaphore(%dma_wait3A_513 : memref<!tpu.dma_semaphore, #tpu.memory_space<semaphore_mem>>) src(%dma_wait3A_519 : memref<2112x8xf32, #tpu.memory_space<vmem>>) dst(%dma_wait3A_515 : memref<2112x8xf32, #tpu.memory_space<hbm>>)
    %dma_wait3A_520 = arith.constant 1 : i32
    %dma_wait3A_521 = arith.constant 1 : i32
    %dma_wait3A_522 = arith.constant 0 : i32
    %dma_wait3A_523 = arith.constant 0 : i32
    %dma_wait3A_524 = tpu.memref_slice %arg6[%dma_wait3A_520, %dma_wait3A_522, %dma_wait3A_523] : memref<2x2112x8xf32, #tpu.memory_space<vmem>> -> memref<1x2112x8xf32, #tpu.memory_space<vmem>>
    %dma_wait3A_525 = tpu.memref_squeeze %dma_wait3A_524 : memref<1x2112x8xf32, #tpu.memory_space<vmem>> -> memref<2112x8xf32, #tpu.memory_space<vmem>>
    %dma_wait3A_526 = arith.constant 0 : i32
    %dma_wait3A_527 = tpu.memref_slice %arg4[%add3A_487, %dma_wait3A_526] : memref<540672x8xf32, #tpu.memory_space<hbm>> -> memref<2112x8xf32, #tpu.memory_space<hbm>>
    %dma_wait3A_528 = tpu.memref_slice %arg8[%dma_wait3A_521] : memref<2x!tpu.dma_semaphore, #tpu.memory_space<semaphore_mem>> -> memref<1x!tpu.dma_semaphore, #tpu.memory_space<semaphore_mem>>
    %dma_wait3A_529 = tpu.memref_squeeze %dma_wait3A_528 : memref<1x!tpu.dma_semaphore, #tpu.memory_space<semaphore_mem>> -> memref<!tpu.dma_semaphore, #tpu.memory_space<semaphore_mem>>
    %dma_wait3A_530 = arith.constant 0 : i32
    %dma_wait3A_531 = tpu.memref_slice %arg4[%add3A_487, %dma_wait3A_530] : memref<540672x8xf32, #tpu.memory_space<hbm>> -> memref<2112x8xf32, #tpu.memory_space<hbm>>
    %dma_wait3A_532 = arith.constant 0 : i32
    %dma_wait3A_533 = arith.constant 0 : i32
    %dma_wait3A_534 = tpu.memref_slice %arg6[%dma_wait3A_520, %dma_wait3A_532, %dma_wait3A_533] : memref<2x2112x8xf32, #tpu.memory_space<vmem>> -> memref<1x2112x8xf32, #tpu.memory_space<vmem>>
    %dma_wait3A_535 = tpu.memref_squeeze %dma_wait3A_534 : memref<1x2112x8xf32, #tpu.memory_space<vmem>> -> memref<2112x8xf32, #tpu.memory_space<vmem>>
    tpu.wait_dma2 semaphore(%dma_wait3A_529 : memref<!tpu.dma_semaphore, #tpu.memory_space<semaphore_mem>>) src(%dma_wait3A_535 : memref<2112x8xf32, #tpu.memory_space<vmem>>) dst(%dma_wait3A_531 : memref<2112x8xf32, #tpu.memory_space<hbm>>)
    return
  }
}

module attributes {stable_mosaic.version = 14 : i64} {
  func.func @_mlp_body(%arg0: i32, %arg1: memref<1024x528xf32, #tpu.memory_space<vmem>>, %arg2: memref<528x17xf32, #tpu.memory_space<vmem>>, %arg3: memref<1x16xf32, #tpu.memory_space<vmem>>, %arg4: memref<16x8xf32, #tpu.memory_space<vmem>>, %arg5: memref<1x8xf32, #tpu.memory_space<vmem>>, %arg6: memref<8x1xf32, #tpu.memory_space<vmem>>, %arg7: memref<1x1xf32, #tpu.memory_space<vmem>>, %arg8: memref<1024x1xf32, #tpu.memory_space<vmem>>) attributes {dimension_semantics = [#tpu.dimension_semantics<arbitrary>], iteration_bounds = array<i64: 8>, scalar_prefetch = 0 : i64, scratch_operands = 0 : i64, tpu.core_type = #tpu.core_type<tc>, window_params = [{transform_indices = @transform_0, window_bounds = array<i64: 1024, 528>}, {pipeline_mode = #tpu.pipeline_mode<synchronous>, transform_indices = @transform_1, window_bounds = array<i64: 528, 17>}, {pipeline_mode = #tpu.pipeline_mode<synchronous>, transform_indices = @transform_2, window_bounds = array<i64: 1, 16>}, {pipeline_mode = #tpu.pipeline_mode<synchronous>, transform_indices = @transform_3, window_bounds = array<i64: 16, 8>}, {pipeline_mode = #tpu.pipeline_mode<synchronous>, transform_indices = @transform_4, window_bounds = array<i64: 1, 8>}, {pipeline_mode = #tpu.pipeline_mode<synchronous>, transform_indices = @transform_5, window_bounds = array<i64: 8, 1>}, {pipeline_mode = #tpu.pipeline_mode<synchronous>, transform_indices = @transform_6, window_bounds = array<i64: 1, 1>}, {transform_indices = @transform_7, window_bounds = array<i64: 1024, 1>}]} {
    %get3A = arith.constant 0 : index
    %get3A_0 = arith.constant 0 : index
    %get3A_1 = vector.load %arg1[%get3A, %get3A_0] : memref<1024x528xf32, #tpu.memory_space<vmem>>, vector<1024x528xf32>
    %get3A_2 = arith.constant 0 : index
    %get3A_3 = arith.constant 0 : index
    %get3A_4 = vector.load %arg2[%get3A_2, %get3A_3] : memref<528x17xf32, #tpu.memory_space<vmem>>, vector<528x17xf32>
    %dot_general3A = arith.constant dense<0.000000e+00> : vector<1024x17xf32>
    %dot_general3A_5 = tpu.matmul %get3A_1, %get3A_4, %dot_general3A {dimension_numbers = #tpu.dot_dimension_numbers<[1], [0], [0], [1], [0, 0, 1, 1], [], []>, transpose_lhs_hint = false} : vector<1024x528xf32>, vector<528x17xf32>, vector<1024x17xf32> -> vector<1024x17xf32>
    %slice3A = vector.extract_strided_slice %dot_general3A_5 {offsets = [0, 0], sizes = [1024, 16], strides = [1, 1]} : vector<1024x17xf32> to vector<1024x16xf32>
    %get3A_6 = arith.constant 0 : index
    %get3A_7 = arith.constant 0 : index
    %get3A_8 = vector.load %arg3[%get3A_6, %get3A_7] : memref<1x16xf32, #tpu.memory_space<vmem>>, vector<1x16xf32>
    %add3A = vector.broadcast %get3A_8 : vector<1x16xf32> to vector<1024x16xf32>
    %add3A_9 = arith.addf %slice3A, %add3A : vector<1024x16xf32>
    %max3A = arith.constant 0.000000e+00 : f32
    %max3A_10 = vector.broadcast %max3A : f32 to vector<1024x16xf32>
    %max3A_11 = arith.maximumf %add3A_9, %max3A_10 : vector<1024x16xf32>
    %slice3A_12 = vector.extract_strided_slice %dot_general3A_5 {offsets = [0, 16], sizes = [1024, 1], strides = [1, 1]} : vector<1024x17xf32> to vector<1024x1xf32>
    %get3A_13 = arith.constant 0 : index
    %get3A_14 = arith.constant 0 : index
    %get3A_15 = vector.load %arg4[%get3A_13, %get3A_14] : memref<16x8xf32, #tpu.memory_space<vmem>>, vector<16x8xf32>
    %dot_general3A_16 = arith.constant dense<0.000000e+00> : vector<1024x8xf32>
    %dot_general3A_17 = tpu.matmul %max3A_11, %get3A_15, %dot_general3A_16 {dimension_numbers = #tpu.dot_dimension_numbers<[1], [0], [0], [1], [0, 0, 1, 1], [], []>, transpose_lhs_hint = false} : vector<1024x16xf32>, vector<16x8xf32>, vector<1024x8xf32> -> vector<1024x8xf32>
    %get3A_18 = arith.constant 0 : index
    %get3A_19 = arith.constant 0 : index
    %get3A_20 = vector.load %arg5[%get3A_18, %get3A_19] : memref<1x8xf32, #tpu.memory_space<vmem>>, vector<1x8xf32>
    %add3A_21 = vector.broadcast %get3A_20 : vector<1x8xf32> to vector<1024x8xf32>
    %add3A_22 = arith.addf %dot_general3A_17, %add3A_21 : vector<1024x8xf32>
    %max3A_23 = arith.constant 0.000000e+00 : f32
    %max3A_24 = vector.broadcast %max3A_23 : f32 to vector<1024x8xf32>
    %max3A_25 = arith.maximumf %add3A_22, %max3A_24 : vector<1024x8xf32>
    %get3A_26 = arith.constant 0 : index
    %get3A_27 = arith.constant 0 : index
    %get3A_28 = vector.load %arg6[%get3A_26, %get3A_27] : memref<8x1xf32, #tpu.memory_space<vmem>>, vector<8x1xf32>
    %dot_general3A_29 = arith.constant dense<0.000000e+00> : vector<1024x1xf32>
    %dot_general3A_30 = tpu.matmul %max3A_25, %get3A_28, %dot_general3A_29 {dimension_numbers = #tpu.dot_dimension_numbers<[1], [0], [0], [1], [0, 0, 1, 1], [], []>, transpose_lhs_hint = false} : vector<1024x8xf32>, vector<8x1xf32>, vector<1024x1xf32> -> vector<1024x1xf32>
    %get3A_31 = arith.constant 0 : index
    %get3A_32 = arith.constant 0 : index
    %get3A_33 = vector.load %arg7[%get3A_31, %get3A_32] : memref<1x1xf32, #tpu.memory_space<vmem>>, vector<1x1xf32>
    %add3A_34 = vector.broadcast %get3A_33 : vector<1x1xf32> to vector<1024x1xf32>
    %add3A_35 = arith.addf %dot_general3A_30, %add3A_34 : vector<1024x1xf32>
    %add3A_36 = arith.addf %add3A_35, %slice3A_12 : vector<1024x1xf32>
    %swap3A = arith.constant 0 : index
    %swap3A_37 = arith.constant 0 : index
    %swap3A_38 = vector.load %arg8[%swap3A, %swap3A_37] : memref<1024x1xf32, #tpu.memory_space<vmem>>, vector<1024x1xf32>
    tpu.vector_store %arg8[%swap3A, %swap3A_37], %add3A_36 {strides = array<i32>} : memref<1024x1xf32, #tpu.memory_space<vmem>>, vector<1024x1xf32>,
    return
  }
  func.func @transform_0(%arg0: i32) -> (i32, i32) {
    %c0_i32 = arith.constant 0 : i32
    %c0_i32_0 = arith.constant 0 : i32
    return %arg0, %c0_i32 : i32, i32
  }
  func.func @transform_1(%arg0: i32) -> (i32, i32) {
    %c0_i32 = arith.constant 0 : i32
    %c0_i32_0 = arith.constant 0 : i32
    %c0_i32_1 = arith.constant 0 : i32
    return %c0_i32, %c0_i32_0 : i32, i32
  }
  func.func @transform_2(%arg0: i32) -> (i32, i32) {
    %c0_i32 = arith.constant 0 : i32
    %c0_i32_0 = arith.constant 0 : i32
    %c0_i32_1 = arith.constant 0 : i32
    return %c0_i32, %c0_i32_0 : i32, i32
  }
  func.func @transform_3(%arg0: i32) -> (i32, i32) {
    %c0_i32 = arith.constant 0 : i32
    %c0_i32_0 = arith.constant 0 : i32
    %c0_i32_1 = arith.constant 0 : i32
    return %c0_i32, %c0_i32_0 : i32, i32
  }
  func.func @transform_4(%arg0: i32) -> (i32, i32) {
    %c0_i32 = arith.constant 0 : i32
    %c0_i32_0 = arith.constant 0 : i32
    %c0_i32_1 = arith.constant 0 : i32
    return %c0_i32, %c0_i32_0 : i32, i32
  }
  func.func @transform_5(%arg0: i32) -> (i32, i32) {
    %c0_i32 = arith.constant 0 : i32
    %c0_i32_0 = arith.constant 0 : i32
    %c0_i32_1 = arith.constant 0 : i32
    return %c0_i32, %c0_i32_0 : i32, i32
  }
  func.func @transform_6(%arg0: i32) -> (i32, i32) {
    %c0_i32 = arith.constant 0 : i32
    %c0_i32_0 = arith.constant 0 : i32
    %c0_i32_1 = arith.constant 0 : i32
    return %c0_i32, %c0_i32_0 : i32, i32
  }
  func.func @transform_7(%arg0: i32) -> (i32, i32) {
    %c0_i32 = arith.constant 0 : i32
    %c0_i32_0 = arith.constant 0 : i32
    return %arg0, %c0_i32 : i32, i32
  }
}

</mosaic_0001>

<sc_bundles>
// kernel: kernel.6.cloned.1.call-start
scs
__scs_entry_jumppad:
0x0: {  	(pc) =	sbr.rel $0x88, $3  }
0x1: {  	(tag) =	ssettag $0x0;
	lr =	simm.s32 $0x1  }
0x2: {  	[smem:$0x3F98] =	sst lr;
	_ =	strace $0xD0000000  }
0x3: {  	_ = 	snop  }
0x4: {  	_ = 	snop  }
0x5: {  	_ = 	snop  }
0x6: {  	_ = 	snop  }
0x7: {  	_ = 	snop  }
__scs_overlays_trampoline_lowered:
0x8: {  	[smem:$0x3FA7] =	sst s0  }
0x9: {  	[smem:$0x3FA8] =	sst s1  }
0xa: {  	[smem:$0x3FA9] =	sst s2  }
0xb: {  	[smem:$0x3FAA] =	sst s3  }
0xc: {  	[smem:$0x3FAB] =	sst s4  }
0xd: {  	[smem:$0x3FAC] =	sst s5  }
0xe: {  	[smem:$0x3FAD] =	sst s6  }
0xf: {  	[smem:$0x3FAE] =	sst s7  }
0x10: {  	[smem:$0x3FAF] =	sst s8  }
0x11: {  	[smem:$0x3FB0] =	sst s9;
	s0 =	simm.s32 @!p0 $0x0  }
0x12: {  	s1 =	sld [smem:$0x3F96];
	s0 =	simm.s32 @p0 $0x1  }
0x13: {  	[smem:$0x3FB1] =	sst s0;
	s0 =	simm.s32 @!p1 $0x0  }
0x14: {  	s2 =	sld [smem:$0x3F95];
	s0 =	simm.s32 @p1 $0x1  }
0x15: {  	[smem:$0x3FB2] =	sst s0;
	s0 =	simm.s32 @!p2 $0x0  }
0x16: {  	s3 =	sld [smem:$0x3FDB];
	s0 =	simm.s32 @p2 $0x1  }
0x17: {  	s4 =	simm.s32 $0x1BF5;
	[smem:$0x3FB4] =	sst s0  }
0x18: {  	s0 =	sld [smem:$0x3F97];
	_ =	swait.ge [sflag:s4], $0x0  }
0x19: {  	s7 =	sld [smem:$0x3F98]  }
0x1a: {  	s8 =	sadd.s32 $0xFFFFE003, lr  }
0x1b: {  	s9 =	sadd.s32 $0xFFFFFEF7, lr;
	s5 =	simm.s32 $0xFFFFFFFF;
	p2 =	slt.u32 s8, $0xFFFFF086  }
0x1c: {  	p1 =	slt.u32 s9, $0xF7A;
	s5 =	simm.s32 @!p2 $0x0  }
0x1d: {  	s5 =	simm.s32 @p1 $0x1;
	p0 =	seq.s32 s7, s2  }
0x1e: {  	s7 =	smul.u32 @!p0 $0xF7A, s2;
	p2 =	seq.s32 @!p0 s5, $0x0  }
0x1f: {  	s9 =	smul.u32 $0xF7A, s1;
	s8 =	simm.s32 @!p0 $0x1BF5;
	p2 =	por !p2, p0  }
0x20: {  	[sflag:s8] =	ssyncset.s32 @!p0 $0xFFFFF086;
	s6 =	sadd.s32 @!p0 s3, s7;
	s7 =	simm.s32 @!p0 $0x108  }
0x21: {  	s3 =	sadd.s32 s3, s9;
	s6 =	sadd.s32 @!p0 $0x88, s6;
	s7 =	simm.s32 @p2 $0x1082  }
0x22: {  	[simem:s7], [sflag:s8] =	dma.local @!p0 [hbm:s6], $0xF7A  }
0x23: {  	s9 =	sor.u32 $0xD0000000, s2;
	s6 =	simm.s32 $0x108;
	_ =	swait.ge @!p0 [sflag:s8], $0x0  }
0x24: {  	s3 =	sadd.s32 $0x88, s3;
	s6 =	simm.s32 @!p1 $0x1082;
	[sflag:s4] =	ssyncset.s32 $0xFFFFF086  }
0x25: {  	[simem:s6], [sflag:s4] =	dma.local [hbm:s3], $0xF7A  }
0x26: {  	[smem:$0x3F98] =	sst s1;
	(tag) =	ssettag s2;
	_ =	strace s9  }
0x27: {  	s1 =	sld [smem:$0x3FA8]  }
0x28: {  	s2 =	sld [smem:$0x3FA9]  }
0x29: {  	s4 =	sld [smem:$0x3FAB]  }
0x2a: {  	p0 =	seq.s32 s5, $0x0;
	s5 =	sld [smem:$0x3FAC]  }
0x2b: {  	s6 =	sld [smem:$0x3FAD]  }
0x2c: {  	s7 =	sld [smem:$0x3FAE]  }
0x2d: {  	s3 =	simm.s32 $0x108;
	s8 =	sld [smem:$0x3FAF]  }
0x2e: {  	s3 =	simm.s32 @!p0 $0x1082;
	s9 =	sld [smem:$0x3FB0]  }
0x2f: {  	lr =	sadd.s32 s0, s3;
	s0 =	sld [smem:$0x3FA7]  }
0x30: {  	s3 =	sld [smem:$0x3FAA]  }
0x31: {  	[smem:$0x3FB3] =	sst s10  }
0x32: {  	s10 =	sld [smem:$0x3FB1];
	_ =	sdelay $0x3  }
0x33: {  	p0 =	seq.s32 s10, $0x1;
	s10 =	sld [smem:$0x3FB3];
	_ =	sdelay $0x3  }
0x34: {  	[smem:$0x3FB3] =	sst s10  }
0x35: {  	s10 =	sld [smem:$0x3FB2];
	_ =	sdelay $0x3  }
0x36: {  	p1 =	seq.s32 s10, $0x1;
	s10 =	sld [smem:$0x3FB3];
	_ =	sdelay $0x3  }
0x37: {  	[smem:$0x3FB3] =	sst s10  }
0x38: {  	s10 =	sld [smem:$0x3FB4]  }
0x39: {  	_ = 	snop;
	(pc) =	sbr.ind lr, $3  }
0x3a: {  	_ = 	snop  }
0x3b: {  	_ = 	snop  }
0x3c: {  	p2 =	seq.s32 s10, $0x1;
	s10 =	sld [smem:$0x3FB3]  }
0x3d: {  	_ =	shalt  }
0x3e: {  	_ =	shalt  }
0x3f: {  	_ =	shalt  }
0x40: {  	_ =	shalt  }
0x41: {  	_ =	shalt  }
0x42: {  	_ =	shalt  }
0x43: {  	_ =	shalt  }
0x44: {  	_ =	shalt  }
0x45: {  	_ =	shalt  }
0x46: {  	_ =	shalt  }
0x47: {  	_ =	shalt  }
0x48: {  	_ =	shalt  }
0x49: {  	_ =	shalt  }
0x4a: {  	_ =	shalt  }
0x4b: {  	_ =	shalt  }
0x4c: {  	_ =	shalt  }
0x4d: {  	_ =	shalt  }
0x4e: {  	_ =	shalt  }
0x4f: {  	_ =	shalt  }
0x50: {  	_ =	shalt  }
0x51: {  	_ =	shalt  }
0x52: {  	_ =	shalt  }
0x53: {  	_ =	shalt  }
0x54: {  	_ =	shalt  }
0x55: {  	_ =	shalt  }
0x56: {  	_ =	shalt  }
0x57: {  	_ =	shalt  }
0x58: {  	_ =	shalt  }
0x59: {  	_ =	shalt  }
0x5a: {  	_ =	shalt  }
0x5b: {  	_ =	shalt  }
0x5c: {  	_ =	shalt  }
0x5d: {  	_ =	shalt  }
0x5e: {  	_ =	shalt  }
0x5f: {  	_ =	shalt  }
0x60: {  	_ =	shalt  }
0x61: {  	_ =	shalt  }
0x62: {  	_ =	shalt  }
0x63: {  	_ =	shalt  }
0x64: {  	_ =	shalt  }
0x65: {  	_ =	shalt  }
0x66: {  	_ =	shalt  }
0x67: {  	_ =	shalt  }
0x68: {  	_ =	shalt  }
0x69: {  	_ =	shalt  }
0x6a: {  	_ =	shalt  }
0x6b: {  	_ =	shalt  }
0x6c: {  	_ =	shalt  }
0x6d: {  	_ =	shalt  }
0x6e: {  	_ =	shalt  }
0x6f: {  	_ =	shalt  }
0x70: {  	_ =	shalt  }
0x71: {  	_ =	shalt  }
0x72: {  	_ =	shalt  }
0x73: {  	_ =	shalt  }
0x74: {  	_ =	shalt  }
0x75: {  	_ =	shalt  }
0x76: {  	_ =	shalt  }
0x77: {  	_ =	shalt  }
0x78: {  	_ =	shalt  }
0x79: {  	_ =	shalt  }
0x7a: {  	_ =	shalt  }
0x7b: {  	_ =	shalt  }
0x7c: {  	_ =	shalt  }
0x7d: {  	_ =	shalt  }
0x7e: {  	_ =	shalt  }
0x7f: {  	_ =	shalt  }
0x80: {  	_ =	shalt  }
0x81: {  	_ =	shalt  }
0x82: {  	_ =	shalt  }
0x83: {  	_ =	shalt  }
0x84: {  	_ =	shalt  }
0x85: {  	_ =	shalt  }
0x86: {  	_ =	shalt  }
0x87: {  	_ =	shalt  }
.Lfunc_end0:
.L_simem_size_0:
called_computation_lowered:
.L_overlay_start_0:
0x88: {  	s2 =	sld [smem:$0x3FD9]  }
0x89: {  	s3 =	sld [smem:$0x3FFE];
	_ =	sdelay $0x1  }
0x8a: {  	s1 =	srdreg.scid  }
0x8b: {  	s0 =	sand.u32 $0x1, s1  }
0x8c: {  	s16 =	sshll.u32 s0, $0xA;
	s2 =	sadd.s32 s3, s2  }
0x8d: {  	s2 =	sadd.s32 s2, s16  }
0x8e: {  	[smem:$0x3FBF] =	sst s2  }
0x8f: {  	_ = 	snop  }
0x90: {  	(tm) =	ssettm $0x1  }
0x91: {  	s17 =	sld [smem:$0x3FFB];
	_ =	sdelay $0x3  }
0x92: {  	_ =	strace s17  }
0x93: {  	s2 =	sld [smem:$0x3FFC];
	_ =	sdelay $0x3  }
0x94: {  	_ =	strace s2  }
0x95: {  	s2 =	sld [smem:$0x3FFD];
	_ =	sdelay $0x3  }
0x96: {  	_ =	strace s2  }
0x97: {  	_ =	strace $0x8FFFFFFF  }
0x98: {  	s18 =	sld [smem:$0x3FDB];
	_ =	sdelay $0x1  }
0x99: {  	s19 =	simm.s32 $_scs_section_size  }
0x9a: {  	s4 =	simm.s32 $_size__tile_overlayer_lowered;
	s5 =	simm.s32 $_tile_overlayer_lowered  }
0x9b: {  	s22 =	simm.s32 $0x1BFF;
	s21 =	sshll.u32 s5, $0x1;
	s2 =	sadd.s32 s19, s18  }
0x9c: {  	s6 =	simm.s32 $0x0;
	s20 =	sshll.u32 s4, $0x1;
	s4 =	sadd.s32 s21, s2  }
0x9d: {  	[timem:s6], [sflag:s22] =	dma.local [hbm:s4], s20  }
0x9e: {  	_ =	swait.ge [sflag:s22], s20  }
0x9f: {  	s3 =	ssub.s32 $0x0, s20;
	[sflag:s22] =	ssyncset.done $0x0  }
0xa0: {  	[sflag:s22] =	ssyncadd.s32 s3;
	_ =	sdelay $0x1  }
0xa1: {  	s23 =	simm.s32 $0x1B8B  }
0xa2: {  	_ =	swait.ge [sflag:s23], $0x1  }
0xa3: {  	[sflag:s23] =	ssyncset.done $0x0  }
0xa4: {  	s25 =	simm.s32 $0x1B8E;
	s24 =	sld [smem:$0x3FFE];
	[sflag:s23] =	ssyncadd.s32 $0xFFFFFFFF  }
0xa5: {  	s26 =	simm.s32 $execute0_lowered;
	[smem:$0x3FD2] =	sst s25  }
0xa6: {  	s4 =	sshll.u32 s26, $0x1;
	_ =	strace $0x80000046;
	[dreg:$0x1] =	wrdreg $0xFFFFFFFF  }
0xa7: {  	s28 =	simm.s32 $_size_execute0_lowered;
	s2 =	sadd.s32 s2, s4;
	[dreg:$0x0] =	wrdreg $0x0  }
0xa8: {  	s4 =	sshll.u32 s28, $0x1;
	[dreg:$0x2] =	wrdreg s2  }
0xa9: {  	[dreg:$0x3] =	wrdreg s4  }
0xaa: {  	[dreg:$0x4] =	wrdreg $0xC0  }
0xab: {  	_ =	task [dreg:s6], $0x5FFFF  }
0xac: {  	[dreg:$0x1] =	wrdreg $0xFFFFFFFF  }
0xad: {  	[dreg:$0x0] =	wrdreg $0x60  }
0xae: {  	[dreg:$0x2] =	wrdreg s24  }
0xaf: {  	[dreg:$0x3] =	wrdreg $0x9  }
0xb0: {  	_ =	task.clear_ibuf [dreg:s6], $0x4FFFF;
	_ =	strace $0x90000046  }
0xb1: {  	s29 =	simm.s32 $0x9;
	_ =	strace $0x80000048  }
0xb2: {  	_ =	swait.ge [sflag:s29], $0x1  }
0xb3: {  	[sflag:s29] =	ssyncadd.s32 $0xFFFFFFFF  }
0xb4: {  	_ =	strace $0x90000048  }
0xb5: {  	_ =	sfence  }
0xb6: {  	s30 =	sld [smem:$0x0];
	_ =	sdelay $0x2  }
0xb7: {  	s31 =	sshll.u32 s1, $0xD;
	s1 =	sshrl.u32 s1, $0x2  }
0xb8: {  	s3 =	sand.u32 $0x4000, s31;
	s1 =	sadd.s32 s1, s30  }
0xb9: {  	s0 =	sor.u32 s3, s0;
	s1 =	sshll.u32 s1, $0x11  }
0xba: {  	s0 =	sor.u32 s1, s0  }
0xbb: {  	s0 =	sadd.s32 $0x8F2B, s0  }
0xbc: {  	[sflag:s0] =	ssyncadd.remote.s32 $0x1  }
0xbd: {  	_ =	sfence.sel $0xFFFF  }
0xbe: {  	[dreg:$0x0] =	wrdreg $0xFFFFFFFF;
	(pc) =	sbr.abs _section_cstart, $3  }
0xbf: {  	[dreg:$0x1] =	wrdreg $0xFFFFFFFF  }
0xc0: {  	_ =	task.clear_ibuf [dreg:s6], $0x2FFFF;
	_ =	strace $0x9FFFFFFF  }
0xc1: {  	(tm) =	ssettm $0x7FFFFFFF  }
tec
execute0_lowered:
.L_overlay_start_1:
0x0: {  	(tag) =	ssettag $0x1  }
0x1: {  	s1 =	srdreg.scid;
	s0 =	stileid.u32  }
0x2: {  	s29 =	sand.u32 $0x1, s1;
	s30 =	sshll.u32 s0, $0x1  }
0x3: {  	s1 =	sor.u32 s29, s30  }
0x4: {  	s26 =	smul.u32 $0x4200, s1  }
0x5: {  	s11 =	rddreg [dreg:$0x0];
	s2 =	simm.s32 $0x0;
	s4 =	simm.s32 $0x5  }
0x6: {  	[smem:$0x7FF] =	sst s2;
	s25 =	sadd.s32 $0x1400, s11;
	s3 =	sshrl.u32 s26, $0x3  }
0x7: {  	s1 =	rddreg [dreg:$0x1];
	_ =	strace $0x80000047;
	s3 =	sadd.s32 s25, s3  }
0x8: {  	[tilespmem:s2], [sflag:$0x5] =	stream.linear.gather [hbm4b:s3+s2], $0x840, $0x38;
	[tilespmem:$0x9480] =	vst v63  }
0x9: {  	s6 =	simm.s32 $0x840;
	_ =	swait.ge [sflag:s4], $0x840  }
0xa: {  	s7 =	simm.s32 $0x1080;
	s15 =	sadd.s32 $0x840, s26;
	[sflag:s4] =	ssyncset.done $0x0  }
0xb: {  	s5 =	sadd.s32 $0x187E00, s11;
	s8 =	sshrl.u32 s15, $0x3;
	[sflag:s4] =	ssyncadd.s32 $0xFFFFF7C0  }
0xc: {  	[tilespmem:s7], [sflag:$0x1] =	stream.indirect.gather [hbm4b:s5+s6], $0x8, s2, s6, $0xb8;
	[tilespmem:$0x9480] =	vst v63  }
0xd: {  	s8 =	sadd.s32 s25, s8  }
0xe: {  	[tilespmem:s6], [sflag:$0x5] =	stream.linear.gather [hbm4b:s8+s2], $0x840, $0x38;
	[tilespmem:$0x9480] =	vst v63  }
0xf: {  	_ =	swait.ge [sflag:s4], $0x840  }
0x10: {  	[sflag:s4] =	ssyncset.done $0x0  }
0x11: {  	s9 =	simm.s32 $0x5280;
	s10 =	simm.s32 $0x1;
	[sflag:s4] =	ssyncadd.s32 $0xFFFFF7C0  }
0x12: {  	[tilespmem:s9], [sflag:$0x2] =	stream.indirect.gather [hbm4b:s5+s6], $0x8, s6, s6, $0xb8;
	[tilespmem:$0x9480] =	vst v63  }
0x13: {  	_ =	swait.ge [sflag:s10], $0x4200  }
0x14: {  	s28 =	sadd.s32 $0x11C00, s11;
	[sflag:s10] =	ssyncset.done $0x0  }
0x15: {  	s12 =	simm.s32 $0x3;
	s11 =	sadd.s32 s28, s26;
	[sflag:s10] =	ssyncadd.s32 $0xFFFFBE00  }
0x16: {  	[hbm4b:s11+s2] =	stream.linear.scatter [tilespmem:s7], [sflag:$0x3], $0x4200, $0x38;
	[tilespmem:$0x9480] =	vst v63  }
0x17: {  	s18 =	sadd.s32 $0x1080, s26;
	_ =	swait.ge [sflag:s12], $0x4200  }
0x18: {  	s13 =	sshrl.u32 s18, $0x3;
	[sflag:s12] =	ssyncset.done $0x0  }
0x19: {  	s13 =	sadd.s32 s25, s13;
	[sflag:s12] =	ssyncadd.s32 $0xFFFFBE00  }
0x1a: {  	[tilespmem:s2], [sflag:$0x5] =	stream.linear.gather [hbm4b:s13+s2], $0x840, $0x38;
	[tilespmem:$0x9480] =	vst v63  }
0x1b: {  	_ =	swait.ge [sflag:s4], $0x840  }
0x1c: {  	[sflag:s4] =	ssyncset.done $0x0  }
0x1d: {  	s14 =	simm.s32 $0x2;
	[sflag:s4] =	ssyncadd.s32 $0xFFFFF7C0  }
0x1e: {  	[tilespmem:s7], [sflag:$0x1] =	stream.indirect.gather [hbm4b:s5+s6], $0x8, s2, s6, $0xb8;
	[tilespmem:$0x9480] =	vst v63  }
0x1f: {  	_ =	swait.ge [sflag:s14], $0x4200  }
0x20: {  	[sflag:s14] =	ssyncset.done $0x0  }
0x21: {  	s16 =	sadd.s32 s28, s15;
	s15 =	simm.s32 $0x4;
	[sflag:s14] =	ssyncadd.s32 $0xFFFFBE00  }
0x22: {  	[hbm4b:s16+s2] =	stream.linear.scatter [tilespmem:s9], [sflag:$0x4], $0x4200, $0x38;
	[tilespmem:$0x9480] =	vst v63  }
0x23: {  	s20 =	sadd.s32 $0x18C0, s26;
	_ =	swait.ge [sflag:s15], $0x4200  }
0x24: {  	s17 =	sshrl.u32 s20, $0x3;
	[sflag:s15] =	ssyncset.done $0x0  }
0x25: {  	s17 =	sadd.s32 s25, s17;
	[sflag:s15] =	ssyncadd.s32 $0xFFFFBE00  }
0x26: {  	[tilespmem:s6], [sflag:$0x5] =	stream.linear.gather [hbm4b:s17+s2], $0x840, $0x38;
	[tilespmem:$0x9480] =	vst v63  }
0x27: {  	_ =	swait.ge [sflag:s4], $0x840  }
0x28: {  	[sflag:s4] =	ssyncset.done $0x0  }
0x29: {  	[sflag:s4] =	ssyncadd.s32 $0xFFFFF7C0  }
0x2a: {  	[tilespmem:s9], [sflag:$0x2] =	stream.indirect.gather [hbm4b:s5+s6], $0x8, s6, s6, $0xb8;
	[tilespmem:$0x9480] =	vst v63  }
0x2b: {  	_ =	swait.ge [sflag:s10], $0x4200  }
0x2c: {  	[sflag:s10] =	ssyncset.done $0x0  }
0x2d: {  	s18 =	sadd.s32 s28, s18;
	[sflag:s10] =	ssyncadd.s32 $0xFFFFBE00  }
0x2e: {  	[hbm4b:s18+s2] =	stream.linear.scatter [tilespmem:s7], [sflag:$0x3], $0x4200, $0x38;
	[tilespmem:$0x9480] =	vst v63  }
0x2f: {  	s22 =	sadd.s32 $0x2100, s26;
	_ =	swait.ge [sflag:s12], $0x4200  }
0x30: {  	s19 =	sshrl.u32 s22, $0x3;
	[sflag:s12] =	ssyncset.done $0x0  }
0x31: {  	s19 =	sadd.s32 s25, s19;
	[sflag:s12] =	ssyncadd.s32 $0xFFFFBE00  }
0x32: {  	[tilespmem:s2], [sflag:$0x5] =	stream.linear.gather [hbm4b:s19+s2], $0x840, $0x38;
	[tilespmem:$0x9480] =	vst v63  }
0x33: {  	_ =	swait.ge [sflag:s4], $0x840  }
0x34: {  	[sflag:s4] =	ssyncset.done $0x0  }
0x35: {  	[sflag:s4] =	ssyncadd.s32 $0xFFFFF7C0  }
0x36: {  	[tilespmem:s7], [sflag:$0x1] =	stream.indirect.gather [hbm4b:s5+s6], $0x8, s2, s6, $0xb8;
	[tilespmem:$0x9480] =	vst v63  }
0x37: {  	_ =	swait.ge [sflag:s14], $0x4200  }
0x38: {  	[sflag:s14] =	ssyncset.done $0x0  }
0x39: {  	s20 =	sadd.s32 s28, s20;
	[sflag:s14] =	ssyncadd.s32 $0xFFFFBE00  }
0x3a: {  	[hbm4b:s20+s2] =	stream.linear.scatter [tilespmem:s9], [sflag:$0x4], $0x4200, $0x38;
	[tilespmem:$0x9480] =	vst v63  }
0x3b: {  	s24 =	sadd.s32 $0x2940, s26;
	_ =	swait.ge [sflag:s15], $0x4200  }
0x3c: {  	s21 =	sshrl.u32 s24, $0x3;
	[sflag:s15] =	ssyncset.done $0x0  }
0x3d: {  	s21 =	sadd.s32 s25, s21;
	[sflag:s15] =	ssyncadd.s32 $0xFFFFBE00  }
0x3e: {  	[tilespmem:s6], [sflag:$0x5] =	stream.linear.gather [hbm4b:s21+s2], $0x840, $0x38;
	[tilespmem:$0x9480] =	vst v63  }
0x3f: {  	_ =	swait.ge [sflag:s4], $0x840  }
0x40: {  	[sflag:s4] =	ssyncset.done $0x0  }
0x41: {  	[sflag:s4] =	ssyncadd.s32 $0xFFFFF7C0  }
0x42: {  	[tilespmem:s9], [sflag:$0x2] =	stream.indirect.gather [hbm4b:s5+s6], $0x8, s6, s6, $0xb8;
	[tilespmem:$0x9480] =	vst v63  }
0x43: {  	_ =	swait.ge [sflag:s10], $0x4200  }
0x44: {  	[sflag:s10] =	ssyncset.done $0x0  }
0x45: {  	s22 =	sadd.s32 s28, s22;
	[sflag:s10] =	ssyncadd.s32 $0xFFFFBE00  }
0x46: {  	[hbm4b:s22+s2] =	stream.linear.scatter [tilespmem:s7], [sflag:$0x3], $0x4200, $0x38;
	[tilespmem:$0x9480] =	vst v63  }
0x47: {  	s30 =	sadd.s32 $0x3180, s26;
	_ =	swait.ge [sflag:s12], $0x4200  }
0x48: {  	s23 =	sshrl.u32 s30, $0x3;
	[sflag:s12] =	ssyncset.done $0x0  }
0x49: {  	s23 =	sadd.s32 s25, s23;
	[sflag:s12] =	ssyncadd.s32 $0xFFFFBE00  }
0x4a: {  	[tilespmem:s2], [sflag:$0x5] =	stream.linear.gather [hbm4b:s23+s2], $0x840, $0x38;
	[tilespmem:$0x9480] =	vst v63  }
0x4b: {  	_ =	swait.ge [sflag:s4], $0x840  }
0x4c: {  	[sflag:s4] =	ssyncset.done $0x0  }
0x4d: {  	[sflag:s4] =	ssyncadd.s32 $0xFFFFF7C0  }
0x4e: {  	[tilespmem:s7], [sflag:$0x1] =	stream.indirect.gather [hbm4b:s5+s6], $0x8, s2, s6, $0xb8;
	[tilespmem:$0x9480] =	vst v63  }
0x4f: {  	_ =	swait.ge [sflag:s14], $0x4200  }
0x50: {  	[sflag:s14] =	ssyncset.done $0x0  }
0x51: {  	s24 =	sadd.s32 s28, s24;
	[sflag:s14] =	ssyncadd.s32 $0xFFFFBE00  }
0x52: {  	[hbm4b:s24+s2] =	stream.linear.scatter [tilespmem:s9], [sflag:$0x4], $0x4200, $0x38;
	[tilespmem:$0x9480] =	vst v63  }
0x53: {  	s31 =	sadd.s32 $0x39C0, s26;
	_ =	swait.ge [sflag:s15], $0x4200  }
0x54: {  	s26 =	sshrl.u32 s31, $0x3;
	[sflag:s15] =	ssyncset.done $0x0  }
0x55: {  	s25 =	sadd.s32 s25, s26;
	[sflag:s15] =	ssyncadd.s32 $0xFFFFBE00  }
0x56: {  	[tilespmem:s6], [sflag:$0x5] =	stream.linear.gather [hbm4b:s25+s2], $0x840, $0x38;
	[tilespmem:$0x9480] =	vst v63  }
0x57: {  	_ =	swait.ge [sflag:s4], $0x840  }
0x58: {  	[sflag:s4] =	ssyncset.done $0x0  }
0x59: {  	[sflag:s4] =	ssyncadd.s32 $0xFFFFF7C0  }
0x5a: {  	[tilespmem:s9], [sflag:$0x2] =	stream.indirect.gather [hbm4b:s5+s6], $0x8, s6, s6, $0xb8;
	[tilespmem:$0x9480] =	vst v63  }
0x5b: {  	_ =	swait.ge [sflag:s10], $0x4200  }
0x5c: {  	s29 =	ssub.s32 $0x2, s29;
	s26 =	sadd.s32 s28, s30;
	[sflag:s10] =	ssyncset.done $0x0  }
0x5d: {  	s28 =	sadd.s32 s28, s31;
	s31 =	sshrl.u32 s29, $0x1;
	[sflag:s10] =	ssyncadd.s32 $0xFFFFBE00  }
0x5e: {  	[hbm4b:s26+s2] =	stream.linear.scatter [tilespmem:s7], [sflag:$0x3], $0x4200, $0x38;
	[tilespmem:$0x9480] =	vst v63  }
0x5f: {  	s29 =	ssub.s32 s29, s31;
	_ =	swait.ge [sflag:s14], $0x4200  }
0x60: {  	s29 =	smax.u32 s29, $0x1;
	[sflag:s14] =	ssyncset.done $0x0  }
0x61: {  	p0 =	sne.s32 s29, $0x1;
	[sflag:s14] =	ssyncadd.s32 $0xFFFFBE00  }
0x62: {  	[hbm4b:s28+s2] =	stream.linear.scatter [tilespmem:s9], [sflag:$0x4], $0x4200, $0x38;
	[tilespmem:$0x9480] =	vst v63  }
.Ltmp0:
0x63: {  	_ =	swait.ge [sflag:s12], $0x4200;
	(pc) =	sbr.rel @!p0 .LBB2_2-.Ltmp0, $4  }
0x64: {  	[sflag:s12] =	ssyncset.done $0x0  }
0x65: {  	[sflag:s12] =	ssyncadd.s32 $0xFFFFBE00  }
0x66: {  	_ =	swait.ge [sflag:s15], $0x4200  }
0x67: {  	s29 =	sadd.s32 $0xFFFFFFFF, s29;
	[sflag:s15] =	ssyncset.done $0x0  }
.LBB2_1:
0x68: {  	p0 =	sne.s32 s29, $0x1;
	s29 =	sadd.s32 $0xFFFFFFFF, s29;
	[sflag:s15] =	ssyncadd.s32 $0xFFFFBE00  }
0x69: {  	[tilespmem:s2], [sflag:$0x5] =	stream.linear.gather [hbm4b:s3+s2], $0x840, $0x38;
	[tilespmem:$0x9480] =	vst v63  }
0x6a: {  	_ =	swait.ge [sflag:s4], $0x840  }
0x6b: {  	[sflag:s4] =	ssyncset.done $0x0  }
0x6c: {  	[sflag:s4] =	ssyncadd.s32 $0xFFFFF7C0  }
0x6d: {  	[tilespmem:s7], [sflag:$0x1] =	stream.indirect.gather [hbm4b:s5+s6], $0x8, s2, s6, $0xb8;
	[tilespmem:$0x9480] =	vst v63  }
0x6e: {  	_ = 	snop  }
0x6f: {  	[tilespmem:s6], [sflag:$0x5] =	stream.linear.gather [hbm4b:s8+s2], $0x840, $0x38;
	[tilespmem:$0x9480] =	vst v63  }
0x70: {  	_ =	swait.ge [sflag:s4], $0x840  }
0x71: {  	[sflag:s4] =	ssyncset.done $0x0  }
0x72: {  	[sflag:s4] =	ssyncadd.s32 $0xFFFFF7C0  }
0x73: {  	[tilespmem:s9], [sflag:$0x2] =	stream.indirect.gather [hbm4b:s5+s6], $0x8, s6, s6, $0xb8;
	[tilespmem:$0x9480] =	vst v63  }
0x74: {  	_ =	swait.ge [sflag:s10], $0x4200  }
0x75: {  	[sflag:s10] =	ssyncset.done $0x0  }
0x76: {  	[sflag:s10] =	ssyncadd.s32 $0xFFFFBE00  }
0x77: {  	[hbm4b:s11+s2] =	stream.linear.scatter [tilespmem:s7], [sflag:$0x3], $0x4200, $0x38;
	[tilespmem:$0x9480] =	vst v63  }
0x78: {  	_ =	swait.ge [sflag:s12], $0x4200  }
0x79: {  	[sflag:s12] =	ssyncset.done $0x0  }
0x7a: {  	[sflag:s12] =	ssyncadd.s32 $0xFFFFBE00  }
0x7b: {  	[tilespmem:s2], [sflag:$0x5] =	stream.linear.gather [hbm4b:s13+s2], $0x840, $0x38;
	[tilespmem:$0x9480] =	vst v63  }
0x7c: {  	_ =	swait.ge [sflag:s4], $0x840  }
0x7d: {  	[sflag:s4] =	ssyncset.done $0x0  }
0x7e: {  	[sflag:s4] =	ssyncadd.s32 $0xFFFFF7C0  }
0x7f: {  	[tilespmem:s7], [sflag:$0x1] =	stream.indirect.gather [hbm4b:s5+s6], $0x8, s2, s6, $0xb8;
	[tilespmem:$0x9480] =	vst v63  }
0x80: {  	_ =	swait.ge [sflag:s14], $0x4200  }
0x81: {  	[sflag:s14] =	ssyncset.done $0x0  }
0x82: {  	[sflag:s14] =	ssyncadd.s32 $0xFFFFBE00  }
0x83: {  	[hbm4b:s16+s2] =	stream.linear.scatter [tilespmem:s9], [sflag:$0x4], $0x4200, $0x38;
	[tilespmem:$0x9480] =	vst v63  }
0x84: {  	_ =	swait.ge [sflag:s15], $0x4200  }
0x85: {  	[sflag:s15] =	ssyncset.done $0x0  }
0x86: {  	[sflag:s15] =	ssyncadd.s32 $0xFFFFBE00  }
0x87: {  	[tilespmem:s6], [sflag:$0x5] =	stream.linear.gather [hbm4b:s17+s2], $0x840, $0x38;
	[tilespmem:$0x9480] =	vst v63  }
0x88: {  	_ =	swait.ge [sflag:s4], $0x840  }
0x89: {  	[sflag:s4] =	ssyncset.done $0x0  }
0x8a: {  	[sflag:s4] =	ssyncadd.s32 $0xFFFFF7C0  }
0x8b: {  	[tilespmem:s9], [sflag:$0x2] =	stream.indirect.gather [hbm4b:s5+s6], $0x8, s6, s6, $0xb8;
	[tilespmem:$0x9480] =	vst v63  }
0x8c: {  	_ =	swait.ge [sflag:s10], $0x4200  }
0x8d: {  	[sflag:s10] =	ssyncset.done $0x0  }
0x8e: {  	[sflag:s10] =	ssyncadd.s32 $0xFFFFBE00  }
0x8f: {  	[hbm4b:s18+s2] =	stream.linear.scatter [tilespmem:s7], [sflag:$0x3], $0x4200, $0x38;
	[tilespmem:$0x9480] =	vst v63  }
0x90: {  	_ =	swait.ge [sflag:s12], $0x4200  }
0x91: {  	[sflag:s12] =	ssyncset.done $0x0  }
0x92: {  	[sflag:s12] =	ssyncadd.s32 $0xFFFFBE00  }
0x93: {  	[tilespmem:s2], [sflag:$0x5] =	stream.linear.gather [hbm4b:s19+s2], $0x840, $0x38;
	[tilespmem:$0x9480] =	vst v63  }
0x94: {  	_ =	swait.ge [sflag:s4], $0x840  }
0x95: {  	[sflag:s4] =	ssyncset.done $0x0  }
0x96: {  	[sflag:s4] =	ssyncadd.s32 $0xFFFFF7C0  }
0x97: {  	[tilespmem:s7], [sflag:$0x1] =	stream.indirect.gather [hbm4b:s5+s6], $0x8, s2, s6, $0xb8;
	[tilespmem:$0x9480] =	vst v63  }
0x98: {  	_ =	swait.ge [sflag:s14], $0x4200  }
0x99: {  	[sflag:s14] =	ssyncset.done $0x0  }
0x9a: {  	[sflag:s14] =	ssyncadd.s32 $0xFFFFBE00  }
0x9b: {  	[hbm4b:s20+s2] =	stream.linear.scatter [tilespmem:s9], [sflag:$0x4], $0x4200, $0x38;
	[tilespmem:$0x9480] =	vst v63  }
0x9c: {  	_ =	swait.ge [sflag:s15], $0x4200  }
0x9d: {  	[sflag:s15] =	ssyncset.done $0x0  }
0x9e: {  	[sflag:s15] =	ssyncadd.s32 $0xFFFFBE00  }
0x9f: {  	[tilespmem:s6], [sflag:$0x5] =	stream.linear.gather [hbm4b:s21+s2], $0x840, $0x38;
	[tilespmem:$0x9480] =	vst v63  }
0xa0: {  	_ =	swait.ge [sflag:s4], $0x840  }
0xa1: {  	[sflag:s4] =	ssyncset.done $0x0  }
0xa2: {  	[sflag:s4] =	ssyncadd.s32 $0xFFFFF7C0  }
0xa3: {  	[tilespmem:s9], [sflag:$0x2] =	stream.indirect.gather [hbm4b:s5+s6], $0x8, s6, s6, $0xb8;
	[tilespmem:$0x9480] =	vst v63  }
0xa4: {  	_ =	swait.ge [sflag:s10], $0x4200  }
0xa5: {  	[sflag:s10] =	ssyncset.done $0x0  }
0xa6: {  	[sflag:s10] =	ssyncadd.s32 $0xFFFFBE00  }
0xa7: {  	[hbm4b:s22+s2] =	stream.linear.scatter [tilespmem:s7], [sflag:$0x3], $0x4200, $0x38;
	[tilespmem:$0x9480] =	vst v63  }
0xa8: {  	_ =	swait.ge [sflag:s12], $0x4200  }
0xa9: {  	[sflag:s12] =	ssyncset.done $0x0  }
0xaa: {  	[sflag:s12] =	ssyncadd.s32 $0xFFFFBE00  }
0xab: {  	[tilespmem:s2], [sflag:$0x5] =	stream.linear.gather [hbm4b:s23+s2], $0x840, $0x38;
	[tilespmem:$0x9480] =	vst v63  }
0xac: {  	_ =	swait.ge [sflag:s4], $0x840  }
0xad: {  	[sflag:s4] =	ssyncset.done $0x0  }
0xae: {  	[sflag:s4] =	ssyncadd.s32 $0xFFFFF7C0  }
0xaf: {  	[tilespmem:s7], [sflag:$0x1] =	stream.indirect.gather [hbm4b:s5+s6], $0x8, s2, s6, $0xb8;
	[tilespmem:$0x9480] =	vst v63  }
0xb0: {  	_ =	swait.ge [sflag:s14], $0x4200  }
0xb1: {  	[sflag:s14] =	ssyncset.done $0x0  }
0xb2: {  	[sflag:s14] =	ssyncadd.s32 $0xFFFFBE00  }
0xb3: {  	[hbm4b:s24+s2] =	stream.linear.scatter [tilespmem:s9], [sflag:$0x4], $0x4200, $0x38;
	[tilespmem:$0x9480] =	vst v63  }
0xb4: {  	_ =	swait.ge [sflag:s15], $0x4200  }
0xb5: {  	[sflag:s15] =	ssyncset.done $0x0  }
0xb6: {  	[sflag:s15] =	ssyncadd.s32 $0xFFFFBE00  }
0xb7: {  	[tilespmem:s6], [sflag:$0x5] =	stream.linear.gather [hbm4b:s25+s2], $0x840, $0x38;
	[tilespmem:$0x9480] =	vst v63  }
0xb8: {  	_ =	swait.ge [sflag:s4], $0x840  }
0xb9: {  	[sflag:s4] =	ssyncset.done $0x0  }
0xba: {  	[sflag:s4] =	ssyncadd.s32 $0xFFFFF7C0  }
0xbb: {  	[tilespmem:s9], [sflag:$0x2] =	stream.indirect.gather [hbm4b:s5+s6], $0x8, s6, s6, $0xb8;
	[tilespmem:$0x9480] =	vst v63  }
0xbc: {  	_ =	swait.ge [sflag:s10], $0x4200  }
0xbd: {  	[sflag:s10] =	ssyncset.done $0x0  }
0xbe: {  	[sflag:s10] =	ssyncadd.s32 $0xFFFFBE00  }
0xbf: {  	[hbm4b:s26+s2] =	stream.linear.scatter [tilespmem:s7], [sflag:$0x3], $0x4200, $0x38;
	[tilespmem:$0x9480] =	vst v63  }
0xc0: {  	_ =	swait.ge [sflag:s14], $0x4200  }
0xc1: {  	[sflag:s14] =	ssyncset.done $0x0  }
0xc2: {  	[sflag:s14] =	ssyncadd.s32 $0xFFFFBE00  }
0xc3: {  	[hbm4b:s28+s2] =	stream.linear.scatter [tilespmem:s9], [sflag:$0x4], $0x4200, $0x38;
	[tilespmem:$0x9480] =	vst v63  }
.Ltmp1:
0xc4: {  	_ =	swait.ge [sflag:s12], $0x4200;
	(pc) =	sbr.rel @p0 .LBB2_1-.Ltmp1, $4  }
0xc5: {  	[sflag:s12] =	ssyncset.done $0x0  }
0xc6: {  	[sflag:s12] =	ssyncadd.s32 $0xFFFFBE00  }
0xc7: {  	_ =	swait.ge [sflag:s15], $0x4200  }
0xc8: {  	[sflag:s15] =	ssyncset.done $0x0  }
.LBB2_2:
0xc9: {  	[sflag:s15] =	ssyncadd.s32 $0xFFFFBE00  }
0xca: {  	_ =	sfence.sel $0x180000  }
0xcb: {  	[bflag:$0x0] =	sbarrier.arrive $0xFFFF  }
0xcc: {  	p0 =	sne.s32 s0, $0x0;
	_ =	strace $0x90000047  }
0xcd: {  	s0 =	sadd.s32 @!p0 $0x100000, s1;
	[bflag:$0x2] =	sbarrier.arrive $0xFFFF  }
0xce: {  	[sflag:s0] =	ssyncadd.tile.s32 @!p0 $0x1;
	_ =	shalt  }
.Lfunc_end2:
_tile_overlayer_lowered:
.L_overlay_start_2:
0xcf: {  	(tag) =	ssettag $0x2  }
0xd0: {  	s0 =	rddreg [dreg:$0x0];
	s2 =	stileid.u32  }
0xd1: {  	s1 =	rddreg [dreg:$0x1];
	p0 =	sne.s32 s2, $0x0  }
0xd2: {  	s3 =	rddreg [dreg:$0x2];
	[bflag:$0x3] =	sbarrier.arrive $0xFFFF;
	s2 =	simm.s32 @!p0 $0x1C05  }
0xd3: {  	[timem:s3], [sflag:s2] =	dma.local @!p0 [hbm:s0], s1  }
0xd4: {  	s0 =	simm.s32 @!p0 $0x5  }
0xd5: {  	_ =	swait.ge @!p0 [sflag:s0], s1  }
0xd6: {  	s1 =	ssub.s32 @!p0 $0x0, s1;
	[sflag:s0] =	ssyncset.done @!p0 $0x0  }
0xd7: {  	[sflag:s0] =	ssyncadd.s32 @!p0 s1  }
0xd8: {  	[bflag:$0x3] =	sbarrier.arrive $0xFFFF  }
0xd9: {  	_ =	shalt  }

// kernel: kernel.9.cloned.1.call-start
scs
__scs_entry_jumppad:
0x0: {  	(pc) =	sbr.rel $0x88, $3  }
0x1: {  	(tag) =	ssettag $0x0;
	lr =	simm.s32 $0x1  }
0x2: {  	[smem:$0x3F98] =	sst lr;
	_ =	strace $0xD0000000  }
0x3: {  	_ = 	snop  }
0x4: {  	_ = 	snop  }
0x5: {  	_ = 	snop  }
0x6: {  	_ = 	snop  }
0x7: {  	_ = 	snop  }
__scs_overlays_trampoline_lowered:
0x8: {  	[smem:$0x3FA7] =	sst s0  }
0x9: {  	[smem:$0x3FA8] =	sst s1  }
0xa: {  	[smem:$0x3FA9] =	sst s2  }
0xb: {  	[smem:$0x3FAA] =	sst s3  }
0xc: {  	[smem:$0x3FAB] =	sst s4  }
0xd: {  	[smem:$0x3FAC] =	sst s5  }
0xe: {  	[smem:$0x3FAD] =	sst s6  }
0xf: {  	[smem:$0x3FAE] =	sst s7  }
0x10: {  	[smem:$0x3FAF] =	sst s8  }
0x11: {  	[smem:$0x3FB0] =	sst s9;
	s0 =	simm.s32 @!p0 $0x0  }
0x12: {  	s1 =	sld [smem:$0x3F96];
	s0 =	simm.s32 @p0 $0x1  }
0x13: {  	[smem:$0x3FB1] =	sst s0;
	s0 =	simm.s32 @!p1 $0x0  }
0x14: {  	s2 =	sld [smem:$0x3F95];
	s0 =	simm.s32 @p1 $0x1  }
0x15: {  	[smem:$0x3FB2] =	sst s0;
	s0 =	simm.s32 @!p2 $0x0  }
0x16: {  	s3 =	sld [smem:$0x3FDB];
	s0 =	simm.s32 @p2 $0x1  }
0x17: {  	s4 =	simm.s32 $0x1BF5;
	[smem:$0x3FB4] =	sst s0  }
0x18: {  	s0 =	sld [smem:$0x3F97];
	_ =	swait.ge [sflag:s4], $0x0  }
0x19: {  	s7 =	sld [smem:$0x3F98]  }
0x1a: {  	s8 =	sadd.s32 $0xFFFFE003, lr  }
0x1b: {  	s9 =	sadd.s32 $0xFFFFFEF7, lr;
	s5 =	simm.s32 $0xFFFFFFFF;
	p2 =	slt.u32 s8, $0xFFFFF086  }
0x1c: {  	p1 =	slt.u32 s9, $0xF7A;
	s5 =	simm.s32 @!p2 $0x0  }
0x1d: {  	s5 =	simm.s32 @p1 $0x1;
	p0 =	seq.s32 s7, s2  }
0x1e: {  	s7 =	smul.u32 @!p0 $0xF7A, s2;
	p2 =	seq.s32 @!p0 s5, $0x0  }
0x1f: {  	s9 =	smul.u32 $0xF7A, s1;
	s8 =	simm.s32 @!p0 $0x1BF5;
	p2 =	por !p2, p0  }
0x20: {  	[sflag:s8] =	ssyncset.s32 @!p0 $0xFFFFF086;
	s6 =	sadd.s32 @!p0 s3, s7;
	s7 =	simm.s32 @!p0 $0x108  }
0x21: {  	s3 =	sadd.s32 s3, s9;
	s6 =	sadd.s32 @!p0 $0x88, s6;
	s7 =	simm.s32 @p2 $0x1082  }
0x22: {  	[simem:s7], [sflag:s8] =	dma.local @!p0 [hbm:s6], $0xF7A  }
0x23: {  	s9 =	sor.u32 $0xD0000000, s2;
	s6 =	simm.s32 $0x108;
	_ =	swait.ge @!p0 [sflag:s8], $0x0  }
0x24: {  	s3 =	sadd.s32 $0x88, s3;
	s6 =	simm.s32 @!p1 $0x1082;
	[sflag:s4] =	ssyncset.s32 $0xFFFFF086  }
0x25: {  	[simem:s6], [sflag:s4] =	dma.local [hbm:s3], $0xF7A  }
0x26: {  	[smem:$0x3F98] =	sst s1;
	(tag) =	ssettag s2;
	_ =	strace s9  }
0x27: {  	s1 =	sld [smem:$0x3FA8]  }
0x28: {  	s2 =	sld [smem:$0x3FA9]  }
0x29: {  	s4 =	sld [smem:$0x3FAB]  }
0x2a: {  	p0 =	seq.s32 s5, $0x0;
	s5 =	sld [smem:$0x3FAC]  }
0x2b: {  	s6 =	sld [smem:$0x3FAD]  }
0x2c: {  	s7 =	sld [smem:$0x3FAE]  }
0x2d: {  	s3 =	simm.s32 $0x108;
	s8 =	sld [smem:$0x3FAF]  }
0x2e: {  	s3 =	simm.s32 @!p0 $0x1082;
	s9 =	sld [smem:$0x3FB0]  }
0x2f: {  	lr =	sadd.s32 s0, s3;
	s0 =	sld [smem:$0x3FA7]  }
0x30: {  	s3 =	sld [smem:$0x3FAA]  }
0x31: {  	[smem:$0x3FB3] =	sst s10  }
0x32: {  	s10 =	sld [smem:$0x3FB1];
	_ =	sdelay $0x3  }
0x33: {  	p0 =	seq.s32 s10, $0x1;
	s10 =	sld [smem:$0x3FB3];
	_ =	sdelay $0x3  }
0x34: {  	[smem:$0x3FB3] =	sst s10  }
0x35: {  	s10 =	sld [smem:$0x3FB2];
	_ =	sdelay $0x3  }
0x36: {  	p1 =	seq.s32 s10, $0x1;
	s10 =	sld [smem:$0x3FB3];
	_ =	sdelay $0x3  }
0x37: {  	[smem:$0x3FB3] =	sst s10  }
0x38: {  	s10 =	sld [smem:$0x3FB4]  }
0x39: {  	_ = 	snop;
	(pc) =	sbr.ind lr, $3  }
0x3a: {  	_ = 	snop  }
0x3b: {  	_ = 	snop  }
0x3c: {  	p2 =	seq.s32 s10, $0x1;
	s10 =	sld [smem:$0x3FB3]  }
0x3d: {  	_ =	shalt  }
0x3e: {  	_ =	shalt  }
0x3f: {  	_ =	shalt  }
0x40: {  	_ =	shalt  }
0x41: {  	_ =	shalt  }
0x42: {  	_ =	shalt  }
0x43: {  	_ =	shalt  }
0x44: {  	_ =	shalt  }
0x45: {  	_ =	shalt  }
0x46: {  	_ =	shalt  }
0x47: {  	_ =	shalt  }
0x48: {  	_ =	shalt  }
0x49: {  	_ =	shalt  }
0x4a: {  	_ =	shalt  }
0x4b: {  	_ =	shalt  }
0x4c: {  	_ =	shalt  }
0x4d: {  	_ =	shalt  }
0x4e: {  	_ =	shalt  }
0x4f: {  	_ =	shalt  }
0x50: {  	_ =	shalt  }
0x51: {  	_ =	shalt  }
0x52: {  	_ =	shalt  }
0x53: {  	_ =	shalt  }
0x54: {  	_ =	shalt  }
0x55: {  	_ =	shalt  }
0x56: {  	_ =	shalt  }
0x57: {  	_ =	shalt  }
0x58: {  	_ =	shalt  }
0x59: {  	_ =	shalt  }
0x5a: {  	_ =	shalt  }
0x5b: {  	_ =	shalt  }
0x5c: {  	_ =	shalt  }
0x5d: {  	_ =	shalt  }
0x5e: {  	_ =	shalt  }
0x5f: {  	_ =	shalt  }
0x60: {  	_ =	shalt  }
0x61: {  	_ =	shalt  }
0x62: {  	_ =	shalt  }
0x63: {  	_ =	shalt  }
0x64: {  	_ =	shalt  }
0x65: {  	_ =	shalt  }
0x66: {  	_ =	shalt  }
0x67: {  	_ =	shalt  }
0x68: {  	_ =	shalt  }
0x69: {  	_ =	shalt  }
0x6a: {  	_ =	shalt  }
0x6b: {  	_ =	shalt  }
0x6c: {  	_ =	shalt  }
0x6d: {  	_ =	shalt  }
0x6e: {  	_ =	shalt  }
0x6f: {  	_ =	shalt  }
0x70: {  	_ =	shalt  }
0x71: {  	_ =	shalt  }
0x72: {  	_ =	shalt  }
0x73: {  	_ =	shalt  }
0x74: {  	_ =	shalt  }
0x75: {  	_ =	shalt  }
0x76: {  	_ =	shalt  }
0x77: {  	_ =	shalt  }
0x78: {  	_ =	shalt  }
0x79: {  	_ =	shalt  }
0x7a: {  	_ =	shalt  }
0x7b: {  	_ =	shalt  }
0x7c: {  	_ =	shalt  }
0x7d: {  	_ =	shalt  }
0x7e: {  	_ =	shalt  }
0x7f: {  	_ =	shalt  }
0x80: {  	_ =	shalt  }
0x81: {  	_ =	shalt  }
0x82: {  	_ =	shalt  }
0x83: {  	_ =	shalt  }
0x84: {  	_ =	shalt  }
0x85: {  	_ =	shalt  }
0x86: {  	_ =	shalt  }
0x87: {  	_ =	shalt  }
.Lfunc_end0:
.L_simem_size_0:
called_computation.1_lowered:
.L_overlay_start_0:
0x88: {  	s2 =	sld [smem:$0x3FD9]  }
0x89: {  	s3 =	sld [smem:$0x3FFE];
	_ =	sdelay $0x1  }
0x8a: {  	s1 =	srdreg.scid  }
0x8b: {  	s0 =	sand.u32 $0x1, s1  }
0x8c: {  	s17 =	sshll.u32 s0, $0xA;
	s2 =	sadd.s32 s3, s2  }
0x8d: {  	s2 =	sadd.s32 s2, s17  }
0x8e: {  	[smem:$0x3FBF] =	sst s2  }
0x8f: {  	_ = 	snop  }
0x90: {  	(tm) =	ssettm $0x1  }
0x91: {  	s18 =	sld [smem:$0x3FFB];
	_ =	sdelay $0x3  }
0x92: {  	_ =	strace s18  }
0x93: {  	s2 =	sld [smem:$0x3FFC];
	_ =	sdelay $0x3  }
0x94: {  	_ =	strace s2  }
0x95: {  	s2 =	sld [smem:$0x3FFD];
	_ =	sdelay $0x3  }
0x96: {  	_ =	strace s2  }
0x97: {  	_ =	strace $0x8FFFFFFF  }
0x98: {  	s19 =	sld [smem:$0x3FDB];
	_ =	sdelay $0x1  }
0x99: {  	s20 =	simm.s32 $_scs_section_size  }
0x9a: {  	s4 =	simm.s32 $_size__tile_overlayer_lowered;
	s5 =	simm.s32 $_tile_overlayer_lowered  }
0x9b: {  	s6 =	simm.s32 $0x1BFF;
	s21 =	sshll.u32 s5, $0x1;
	s3 =	sadd.s32 s20, s19  }
0x9c: {  	s22 =	simm.s32 $0x0;
	s4 =	sshll.u32 s4, $0x1;
	s5 =	sadd.s32 s21, s3  }
0x9d: {  	[timem:s22], [sflag:s6] =	dma.local [hbm:s5], s4  }
0x9e: {  	_ =	swait.ge [sflag:s6], s4  }
0x9f: {  	s4 =	ssub.s32 $0x0, s4;
	[sflag:s6] =	ssyncset.done $0x0  }
0xa0: {  	[sflag:s6] =	ssyncadd.s32 s4;
	_ =	sdelay $0x1  }
0xa1: {  	s23 =	simm.s32 $0x1B8B  }
0xa2: {  	_ =	swait.ge [sflag:s23], $0x1  }
0xa3: {  	[sflag:s23] =	ssyncset.done $0x0  }
0xa4: {  	[sflag:s23] =	ssyncadd.s32 $0xFFFFFFFF  }
0xa5: {  	s4 =	sld [smem:$0x0]  }
0xa6: {  	s5 =	sand.u32 $0xFFFFFFFE, s1  }
0xa7: {  	p0 =	sne.s32 s1, s5  }
0xa8: {  	s5 =	sshll.u32 @p0 s5, $0xE  }
0xa9: {  	s5 =	sadd.s32 @p0 $0x11B8D, s5;
	s6 =	sshll.u32 @p0 s4, $0x11  }
0xaa: {  	s5 =	sor.u32 @p0 s6, s5  }
0xab: {  	[sflag:s5] =	ssyncadd.remote.s32 @p0 $0x1;
	_ =	sdelay $0x1  }
0xac: {  	s5 =	simm.s32 @p0 $0x1B8D  }
0xad: {  	_ =	swait.eq @p0 [sflag:s5], $0x1  }
0xae: {  	[sflag:s5] =	ssyncadd.s32 @p0 $0xFFFFFFFF  }
0xaf: {  	s6 =	sshll.u32 @!p0 s1, $0xE  }
0xb0: {  	s6 =	sor.u32 @!p0 $0x4000, s6;
	s5 =	simm.s32 @!p0 $0x1B8D  }
0xb1: {  	s4 =	sshll.u32 @!p0 s4, $0x11;
	s6 =	sadd.s32 @!p0 $0x11B8D, s6;
	_ =	swait.eq @!p0 [sflag:s5], $0x1  }
0xb2: {  	s4 =	sor.u32 @!p0 s4, s6;
	[sflag:s5] =	ssyncadd.s32 @!p0 $0xFFFFFFFF  }
0xb3: {  	s25 =	simm.s32 $0x1B8E;
	s24 =	sld [smem:$0x3FFE];
	[sflag:s4] =	ssyncadd.remote.s32 @!p0 $0x1  }
0xb4: {  	s26 =	simm.s32 $execute0_lowered;
	[smem:$0x3FD2] =	sst s25  }
0xb5: {  	s5 =	sshll.u32 s26, $0x1;
	_ =	strace $0x80000049;
	[dreg:$0x1] =	wrdreg $0xFFFFFFFF  }
0xb6: {  	s28 =	simm.s32 $_size_execute0_lowered;
	s3 =	sadd.s32 s3, s5;
	[dreg:$0x0] =	wrdreg $0x0  }
0xb7: {  	s5 =	sshll.u32 s28, $0x1;
	[dreg:$0x2] =	wrdreg s3  }
0xb8: {  	[dreg:$0x3] =	wrdreg s5  }
0xb9: {  	[dreg:$0x4] =	wrdreg $0xC0  }
0xba: {  	_ =	task [dreg:s22], $0x5FFFF  }
0xbb: {  	[dreg:$0x1] =	wrdreg $0xFFFFFFFF  }
0xbc: {  	[dreg:$0x0] =	wrdreg $0x60  }
0xbd: {  	[dreg:$0x2] =	wrdreg s24  }
0xbe: {  	[dreg:$0x3] =	wrdreg $0xA  }
0xbf: {  	_ =	task.clear_ibuf [dreg:s22], $0x4FFFF;
	_ =	strace $0x90000049  }
0xc0: {  	s29 =	simm.s32 $0xA;
	_ =	strace $0x8000004B  }
0xc1: {  	_ =	swait.ge [sflag:s29], $0x1  }
0xc2: {  	[sflag:s29] =	ssyncadd.s32 $0xFFFFFFFF  }
0xc3: {  	_ =	strace $0x9000004B  }
0xc4: {  	_ =	sfence  }
0xc5: {  	s30 =	sld [smem:$0x0];
	_ =	sdelay $0x2  }
0xc6: {  	s31 =	sshll.u32 s1, $0xD;
	s1 =	sshrl.u32 s1, $0x2  }
0xc7: {  	s4 =	sand.u32 $0x4000, s31;
	s1 =	sadd.s32 s1, s30  }
0xc8: {  	s0 =	sor.u32 s4, s0;
	s1 =	sshll.u32 s1, $0x11  }
0xc9: {  	s0 =	sor.u32 s1, s0  }
0xca: {  	s0 =	sadd.s32 $0x8F2B, s0  }
0xcb: {  	[sflag:s0] =	ssyncadd.remote.s32 $0x1  }
0xcc: {  	_ =	sfence.sel $0xFFFF  }
0xcd: {  	[dreg:$0x0] =	wrdreg $0xFFFFFFFF;
	(pc) =	sbr.abs _section_cstart, $3  }
0xce: {  	[dreg:$0x1] =	wrdreg $0xFFFFFFFF  }
0xcf: {  	_ =	task.clear_ibuf [dreg:s22], $0x2FFFF;
	_ =	strace $0x9FFFFFFF  }
0xd0: {  	(tm) =	ssettm $0x7FFFFFFF  }
0xd1: {  	_ =	shalt  }
tec
execute0_lowered:
.L_overlay_start_1:
0x0: {  	(tag) =	ssettag $0x1  }
0x1: {  	s1 =	srdreg.scid;
	s0 =	stileid.u32  }
0x2: {  	s29 =	sand.u32 $0x1, s1;
	s30 =	sshll.u32 s0, $0x1  }
0x3: {  	s1 =	sor.u32 s29, s30  }
0x4: {  	s26 =	smul.u32 $0x4200, s1  }
0x5: {  	s11 =	rddreg [dreg:$0x0];
	s2 =	simm.s32 $0x0;
	s4 =	simm.s32 $0x5  }
0x6: {  	[smem:$0x7FF] =	sst s2;
	s25 =	sadd.s32 $0x95C00, s11;
	s3 =	sshrl.u32 s26, $0x3  }
0x7: {  	s1 =	rddreg [dreg:$0x1];
	_ =	strace $0x8000004A;
	s3 =	sadd.s32 s25, s3  }
0x8: {  	[tilespmem:s2], [sflag:$0x5] =	stream.linear.gather [hbm4b:s3+s2], $0x840, $0x38;
	[tilespmem:$0x9480] =	vst v63  }
0x9: {  	s6 =	simm.s32 $0x840;
	_ =	swait.ge [sflag:s4], $0x840  }
0xa: {  	s7 =	simm.s32 $0x1080;
	s15 =	sadd.s32 $0x840, s26;
	[sflag:s4] =	ssyncset.done $0x0  }
0xb: {  	s5 =	sadd.s32 $0x187E00, s11;
	s8 =	sshrl.u32 s15, $0x3;
	[sflag:s4] =	ssyncadd.s32 $0xFFFFF7C0  }
0xc: {  	[tilespmem:s7], [sflag:$0x1] =	stream.indirect.gather [hbm4b:s5+s6], $0x8, s2, s6, $0xb8;
	[tilespmem:$0x9480] =	vst v63  }
0xd: {  	s8 =	sadd.s32 s25, s8  }
0xe: {  	[tilespmem:s6], [sflag:$0x5] =	stream.linear.gather [hbm4b:s8+s2], $0x840, $0x38;
	[tilespmem:$0x9480] =	vst v63  }
0xf: {  	_ =	swait.ge [sflag:s4], $0x840  }
0x10: {  	[sflag:s4] =	ssyncset.done $0x0  }
0x11: {  	s9 =	simm.s32 $0x5280;
	s10 =	simm.s32 $0x1;
	[sflag:s4] =	ssyncadd.s32 $0xFFFFF7C0  }
0x12: {  	[tilespmem:s9], [sflag:$0x2] =	stream.indirect.gather [hbm4b:s5+s6], $0x8, s6, s6, $0xb8;
	[tilespmem:$0x9480] =	vst v63  }
0x13: {  	_ =	swait.ge [sflag:s10], $0x4200  }
0x14: {  	s28 =	sadd.s32 $0xA6400, s11;
	[sflag:s10] =	ssyncset.done $0x0  }
0x15: {  	s12 =	simm.s32 $0x3;
	s11 =	sadd.s32 s28, s26;
	[sflag:s10] =	ssyncadd.s32 $0xFFFFBE00  }
0x16: {  	[hbm4b:s11+s2] =	stream.linear.scatter [tilespmem:s7], [sflag:$0x3], $0x4200, $0x38;
	[tilespmem:$0x9480] =	vst v63  }
0x17: {  	s18 =	sadd.s32 $0x1080, s26;
	_ =	swait.ge [sflag:s12], $0x4200  }
0x18: {  	s13 =	sshrl.u32 s18, $0x3;
	[sflag:s12] =	ssyncset.done $0x0  }
0x19: {  	s13 =	sadd.s32 s25, s13;
	[sflag:s12] =	ssyncadd.s32 $0xFFFFBE00  }
0x1a: {  	[tilespmem:s2], [sflag:$0x5] =	stream.linear.gather [hbm4b:s13+s2], $0x840, $0x38;
	[tilespmem:$0x9480] =	vst v63  }
0x1b: {  	_ =	swait.ge [sflag:s4], $0x840  }
0x1c: {  	[sflag:s4] =	ssyncset.done $0x0  }
0x1d: {  	s14 =	simm.s32 $0x2;
	[sflag:s4] =	ssyncadd.s32 $0xFFFFF7C0  }
0x1e: {  	[tilespmem:s7], [sflag:$0x1] =	stream.indirect.gather [hbm4b:s5+s6], $0x8, s2, s6, $0xb8;
	[tilespmem:$0x9480] =	vst v63  }
0x1f: {  	_ =	swait.ge [sflag:s14], $0x4200  }
0x20: {  	[sflag:s14] =	ssyncset.done $0x0  }
0x21: {  	s16 =	sadd.s32 s28, s15;
	s15 =	simm.s32 $0x4;
	[sflag:s14] =	ssyncadd.s32 $0xFFFFBE00  }
0x22: {  	[hbm4b:s16+s2] =	stream.linear.scatter [tilespmem:s9], [sflag:$0x4], $0x4200, $0x38;
	[tilespmem:$0x9480] =	vst v63  }
0x23: {  	s20 =	sadd.s32 $0x18C0, s26;
	_ =	swait.ge [sflag:s15], $0x4200  }
0x24: {  	s17 =	sshrl.u32 s20, $0x3;
	[sflag:s15] =	ssyncset.done $0x0  }
0x25: {  	s17 =	sadd.s32 s25, s17;
	[sflag:s15] =	ssyncadd.s32 $0xFFFFBE00  }
0x26: {  	[tilespmem:s6], [sflag:$0x5] =	stream.linear.gather [hbm4b:s17+s2], $0x840, $0x38;
	[tilespmem:$0x9480] =	vst v63  }
0x27: {  	_ =	swait.ge [sflag:s4], $0x840  }
0x28: {  	[sflag:s4] =	ssyncset.done $0x0  }
0x29: {  	[sflag:s4] =	ssyncadd.s32 $0xFFFFF7C0  }
0x2a: {  	[tilespmem:s9], [sflag:$0x2] =	stream.indirect.gather [hbm4b:s5+s6], $0x8, s6, s6, $0xb8;
	[tilespmem:$0x9480] =	vst v63  }
0x2b: {  	_ =	swait.ge [sflag:s10], $0x4200  }
0x2c: {  	[sflag:s10] =	ssyncset.done $0x0  }
0x2d: {  	s18 =	sadd.s32 s28, s18;
	[sflag:s10] =	ssyncadd.s32 $0xFFFFBE00  }
0x2e: {  	[hbm4b:s18+s2] =	stream.linear.scatter [tilespmem:s7], [sflag:$0x3], $0x4200, $0x38;
	[tilespmem:$0x9480] =	vst v63  }
0x2f: {  	s22 =	sadd.s32 $0x2100, s26;
	_ =	swait.ge [sflag:s12], $0x4200  }
0x30: {  	s19 =	sshrl.u32 s22, $0x3;
	[sflag:s12] =	ssyncset.done $0x0  }
0x31: {  	s19 =	sadd.s32 s25, s19;
	[sflag:s12] =	ssyncadd.s32 $0xFFFFBE00  }
0x32: {  	[tilespmem:s2], [sflag:$0x5] =	stream.linear.gather [hbm4b:s19+s2], $0x840, $0x38;
	[tilespmem:$0x9480] =	vst v63  }
0x33: {  	_ =	swait.ge [sflag:s4], $0x840  }
0x34: {  	[sflag:s4] =	ssyncset.done $0x0  }
0x35: {  	[sflag:s4] =	ssyncadd.s32 $0xFFFFF7C0  }
0x36: {  	[tilespmem:s7], [sflag:$0x1] =	stream.indirect.gather [hbm4b:s5+s6], $0x8, s2, s6, $0xb8;
	[tilespmem:$0x9480] =	vst v63  }
0x37: {  	_ =	swait.ge [sflag:s14], $0x4200  }
0x38: {  	[sflag:s14] =	ssyncset.done $0x0  }
0x39: {  	s20 =	sadd.s32 s28, s20;
	[sflag:s14] =	ssyncadd.s32 $0xFFFFBE00  }
0x3a: {  	[hbm4b:s20+s2] =	stream.linear.scatter [tilespmem:s9], [sflag:$0x4], $0x4200, $0x38;
	[tilespmem:$0x9480] =	vst v63  }
0x3b: {  	s24 =	sadd.s32 $0x2940, s26;
	_ =	swait.ge [sflag:s15], $0x4200  }
0x3c: {  	s21 =	sshrl.u32 s24, $0x3;
	[sflag:s15] =	ssyncset.done $0x0  }
0x3d: {  	s21 =	sadd.s32 s25, s21;
	[sflag:s15] =	ssyncadd.s32 $0xFFFFBE00  }
0x3e: {  	[tilespmem:s6], [sflag:$0x5] =	stream.linear.gather [hbm4b:s21+s2], $0x840, $0x38;
	[tilespmem:$0x9480] =	vst v63  }
0x3f: {  	_ =	swait.ge [sflag:s4], $0x840  }
0x40: {  	[sflag:s4] =	ssyncset.done $0x0  }
0x41: {  	[sflag:s4] =	ssyncadd.s32 $0xFFFFF7C0  }
0x42: {  	[tilespmem:s9], [sflag:$0x2] =	stream.indirect.gather [hbm4b:s5+s6], $0x8, s6, s6, $0xb8;
	[tilespmem:$0x9480] =	vst v63  }
0x43: {  	_ =	swait.ge [sflag:s10], $0x4200  }
0x44: {  	[sflag:s10] =	ssyncset.done $0x0  }
0x45: {  	s22 =	sadd.s32 s28, s22;
	[sflag:s10] =	ssyncadd.s32 $0xFFFFBE00  }
0x46: {  	[hbm4b:s22+s2] =	stream.linear.scatter [tilespmem:s7], [sflag:$0x3], $0x4200, $0x38;
	[tilespmem:$0x9480] =	vst v63  }
0x47: {  	s30 =	sadd.s32 $0x3180, s26;
	_ =	swait.ge [sflag:s12], $0x4200  }
0x48: {  	s23 =	sshrl.u32 s30, $0x3;
	[sflag:s12] =	ssyncset.done $0x0  }
0x49: {  	s23 =	sadd.s32 s25, s23;
	[sflag:s12] =	ssyncadd.s32 $0xFFFFBE00  }
0x4a: {  	[tilespmem:s2], [sflag:$0x5] =	stream.linear.gather [hbm4b:s23+s2], $0x840, $0x38;
	[tilespmem:$0x9480] =	vst v63  }
0x4b: {  	_ =	swait.ge [sflag:s4], $0x840  }
0x4c: {  	[sflag:s4] =	ssyncset.done $0x0  }
0x4d: {  	[sflag:s4] =	ssyncadd.s32 $0xFFFFF7C0  }
0x4e: {  	[tilespmem:s7], [sflag:$0x1] =	stream.indirect.gather [hbm4b:s5+s6], $0x8, s2, s6, $0xb8;
	[tilespmem:$0x9480] =	vst v63  }
0x4f: {  	_ =	swait.ge [sflag:s14], $0x4200  }
0x50: {  	[sflag:s14] =	ssyncset.done $0x0  }
0x51: {  	s24 =	sadd.s32 s28, s24;
	[sflag:s14] =	ssyncadd.s32 $0xFFFFBE00  }
0x52: {  	[hbm4b:s24+s2] =	stream.linear.scatter [tilespmem:s9], [sflag:$0x4], $0x4200, $0x38;
	[tilespmem:$0x9480] =	vst v63  }
0x53: {  	s31 =	sadd.s32 $0x39C0, s26;
	_ =	swait.ge [sflag:s15], $0x4200  }
0x54: {  	s26 =	sshrl.u32 s31, $0x3;
	[sflag:s15] =	ssyncset.done $0x0  }
0x55: {  	s25 =	sadd.s32 s25, s26;
	[sflag:s15] =	ssyncadd.s32 $0xFFFFBE00  }
0x56: {  	[tilespmem:s6], [sflag:$0x5] =	stream.linear.gather [hbm4b:s25+s2], $0x840, $0x38;
	[tilespmem:$0x9480] =	vst v63  }
0x57: {  	_ =	swait.ge [sflag:s4], $0x840  }
0x58: {  	[sflag:s4] =	ssyncset.done $0x0  }
0x59: {  	[sflag:s4] =	ssyncadd.s32 $0xFFFFF7C0  }
0x5a: {  	[tilespmem:s9], [sflag:$0x2] =	stream.indirect.gather [hbm4b:s5+s6], $0x8, s6, s6, $0xb8;
	[tilespmem:$0x9480] =	vst v63  }
0x5b: {  	_ =	swait.ge [sflag:s10], $0x4200  }
0x5c: {  	s29 =	ssub.s32 $0x2, s29;
	s26 =	sadd.s32 s28, s30;
	[sflag:s10] =	ssyncset.done $0x0  }
0x5d: {  	s28 =	sadd.s32 s28, s31;
	s31 =	sshrl.u32 s29, $0x1;
	[sflag:s10] =	ssyncadd.s32 $0xFFFFBE00  }
0x5e: {  	[hbm4b:s26+s2] =	stream.linear.scatter [tilespmem:s7], [sflag:$0x3], $0x4200, $0x38;
	[tilespmem:$0x9480] =	vst v63  }
0x5f: {  	s29 =	ssub.s32 s29, s31;
	_ =	swait.ge [sflag:s14], $0x4200  }
0x60: {  	s29 =	smax.u32 s29, $0x1;
	[sflag:s14] =	ssyncset.done $0x0  }
0x61: {  	p0 =	sne.s32 s29, $0x1;
	[sflag:s14] =	ssyncadd.s32 $0xFFFFBE00  }
0x62: {  	[hbm4b:s28+s2] =	stream.linear.scatter [tilespmem:s9], [sflag:$0x4], $0x4200, $0x38;
	[tilespmem:$0x9480] =	vst v63  }
.Ltmp0:
0x63: {  	_ =	swait.ge [sflag:s12], $0x4200;
	(pc) =	sbr.rel @!p0 .LBB2_2-.Ltmp0, $4  }
0x64: {  	[sflag:s12] =	ssyncset.done $0x0  }
0x65: {  	[sflag:s12] =	ssyncadd.s32 $0xFFFFBE00  }
0x66: {  	_ =	swait.ge [sflag:s15], $0x4200  }
0x67: {  	s29 =	sadd.s32 $0xFFFFFFFF, s29;
	[sflag:s15] =	ssyncset.done $0x0  }
.LBB2_1:
0x68: {  	p0 =	sne.s32 s29, $0x1;
	s29 =	sadd.s32 $0xFFFFFFFF, s29;
	[sflag:s15] =	ssyncadd.s32 $0xFFFFBE00  }
0x69: {  	[tilespmem:s2], [sflag:$0x5] =	stream.linear.gather [hbm4b:s3+s2], $0x840, $0x38;
	[tilespmem:$0x9480] =	vst v63  }
0x6a: {  	_ =	swait.ge [sflag:s4], $0x840  }
0x6b: {  	[sflag:s4] =	ssyncset.done $0x0  }
0x6c: {  	[sflag:s4] =	ssyncadd.s32 $0xFFFFF7C0  }
0x6d: {  	[tilespmem:s7], [sflag:$0x1] =	stream.indirect.gather [hbm4b:s5+s6], $0x8, s2, s6, $0xb8;
	[tilespmem:$0x9480] =	vst v63  }
0x6e: {  	_ = 	snop  }
0x6f: {  	[tilespmem:s6], [sflag:$0x5] =	stream.linear.gather [hbm4b:s8+s2], $0x840, $0x38;
	[tilespmem:$0x9480] =	vst v63  }
0x70: {  	_ =	swait.ge [sflag:s4], $0x840  }
0x71: {  	[sflag:s4] =	ssyncset.done $0x0  }
0x72: {  	[sflag:s4] =	ssyncadd.s32 $0xFFFFF7C0  }
0x73: {  	[tilespmem:s9], [sflag:$0x2] =	stream.indirect.gather [hbm4b:s5+s6], $0x8, s6, s6, $0xb8;
	[tilespmem:$0x9480] =	vst v63  }
0x74: {  	_ =	swait.ge [sflag:s10], $0x4200  }
0x75: {  	[sflag:s10] =	ssyncset.done $0x0  }
0x76: {  	[sflag:s10] =	ssyncadd.s32 $0xFFFFBE00  }
0x77: {  	[hbm4b:s11+s2] =	stream.linear.scatter [tilespmem:s7], [sflag:$0x3], $0x4200, $0x38;
	[tilespmem:$0x9480] =	vst v63  }
0x78: {  	_ =	swait.ge [sflag:s12], $0x4200  }
0x79: {  	[sflag:s12] =	ssyncset.done $0x0  }
0x7a: {  	[sflag:s12] =	ssyncadd.s32 $0xFFFFBE00  }
0x7b: {  	[tilespmem:s2], [sflag:$0x5] =	stream.linear.gather [hbm4b:s13+s2], $0x840, $0x38;
	[tilespmem:$0x9480] =	vst v63  }
0x7c: {  	_ =	swait.ge [sflag:s4], $0x840  }
0x7d: {  	[sflag:s4] =	ssyncset.done $0x0  }
0x7e: {  	[sflag:s4] =	ssyncadd.s32 $0xFFFFF7C0  }
0x7f: {  	[tilespmem:s7], [sflag:$0x1] =	stream.indirect.gather [hbm4b:s5+s6], $0x8, s2, s6, $0xb8;
	[tilespmem:$0x9480] =	vst v63  }
0x80: {  	_ =	swait.ge [sflag:s14], $0x4200  }
0x81: {  	[sflag:s14] =	ssyncset.done $0x0  }
0x82: {  	[sflag:s14] =	ssyncadd.s32 $0xFFFFBE00  }
0x83: {  	[hbm4b:s16+s2] =	stream.linear.scatter [tilespmem:s9], [sflag:$0x4], $0x4200, $0x38;
	[tilespmem:$0x9480] =	vst v63  }
0x84: {  	_ =	swait.ge [sflag:s15], $0x4200  }
0x85: {  	[sflag:s15] =	ssyncset.done $0x0  }
0x86: {  	[sflag:s15] =	ssyncadd.s32 $0xFFFFBE00  }
0x87: {  	[tilespmem:s6], [sflag:$0x5] =	stream.linear.gather [hbm4b:s17+s2], $0x840, $0x38;
	[tilespmem:$0x9480] =	vst v63  }
0x88: {  	_ =	swait.ge [sflag:s4], $0x840  }
0x89: {  	[sflag:s4] =	ssyncset.done $0x0  }
0x8a: {  	[sflag:s4] =	ssyncadd.s32 $0xFFFFF7C0  }
0x8b: {  	[tilespmem:s9], [sflag:$0x2] =	stream.indirect.gather [hbm4b:s5+s6], $0x8, s6, s6, $0xb8;
	[tilespmem:$0x9480] =	vst v63  }
0x8c: {  	_ =	swait.ge [sflag:s10], $0x4200  }
0x8d: {  	[sflag:s10] =	ssyncset.done $0x0  }
0x8e: {  	[sflag:s10] =	ssyncadd.s32 $0xFFFFBE00  }
0x8f: {  	[hbm4b:s18+s2] =	stream.linear.scatter [tilespmem:s7], [sflag:$0x3], $0x4200, $0x38;
	[tilespmem:$0x9480] =	vst v63  }
0x90: {  	_ =	swait.ge [sflag:s12], $0x4200  }
0x91: {  	[sflag:s12] =	ssyncset.done $0x0  }
0x92: {  	[sflag:s12] =	ssyncadd.s32 $0xFFFFBE00  }
0x93: {  	[tilespmem:s2], [sflag:$0x5] =	stream.linear.gather [hbm4b:s19+s2], $0x840, $0x38;
	[tilespmem:$0x9480] =	vst v63  }
0x94: {  	_ =	swait.ge [sflag:s4], $0x840  }
0x95: {  	[sflag:s4] =	ssyncset.done $0x0  }
0x96: {  	[sflag:s4] =	ssyncadd.s32 $0xFFFFF7C0  }
0x97: {  	[tilespmem:s7], [sflag:$0x1] =	stream.indirect.gather [hbm4b:s5+s6], $0x8, s2, s6, $0xb8;
	[tilespmem:$0x9480] =	vst v63  }
0x98: {  	_ =	swait.ge [sflag:s14], $0x4200  }
0x99: {  	[sflag:s14] =	ssyncset.done $0x0  }
0x9a: {  	[sflag:s14] =	ssyncadd.s32 $0xFFFFBE00  }
0x9b: {  	[hbm4b:s20+s2] =	stream.linear.scatter [tilespmem:s9], [sflag:$0x4], $0x4200, $0x38;
	[tilespmem:$0x9480] =	vst v63  }
0x9c: {  	_ =	swait.ge [sflag:s15], $0x4200  }
0x9d: {  	[sflag:s15] =	ssyncset.done $0x0  }
0x9e: {  	[sflag:s15] =	ssyncadd.s32 $0xFFFFBE00  }
0x9f: {  	[tilespmem:s6], [sflag:$0x5] =	stream.linear.gather [hbm4b:s21+s2], $0x840, $0x38;
	[tilespmem:$0x9480] =	vst v63  }
0xa0: {  	_ =	swait.ge [sflag:s4], $0x840  }
0xa1: {  	[sflag:s4] =	ssyncset.done $0x0  }
0xa2: {  	[sflag:s4] =	ssyncadd.s32 $0xFFFFF7C0  }
0xa3: {  	[tilespmem:s9], [sflag:$0x2] =	stream.indirect.gather [hbm4b:s5+s6], $0x8, s6, s6, $0xb8;
	[tilespmem:$0x9480] =	vst v63  }
0xa4: {  	_ =	swait.ge [sflag:s10], $0x4200  }
0xa5: {  	[sflag:s10] =	ssyncset.done $0x0  }
0xa6: {  	[sflag:s10] =	ssyncadd.s32 $0xFFFFBE00  }
0xa7: {  	[hbm4b:s22+s2] =	stream.linear.scatter [tilespmem:s7], [sflag:$0x3], $0x4200, $0x38;
	[tilespmem:$0x9480] =	vst v63  }
0xa8: {  	_ =	swait.ge [sflag:s12], $0x4200  }
0xa9: {  	[sflag:s12] =	ssyncset.done $0x0  }
0xaa: {  	[sflag:s12] =	ssyncadd.s32 $0xFFFFBE00  }
0xab: {  	[tilespmem:s2], [sflag:$0x5] =	stream.linear.gather [hbm4b:s23+s2], $0x840, $0x38;
	[tilespmem:$0x9480] =	vst v63  }
0xac: {  	_ =	swait.ge [sflag:s4], $0x840  }
0xad: {  	[sflag:s4] =	ssyncset.done $0x0  }
0xae: {  	[sflag:s4] =	ssyncadd.s32 $0xFFFFF7C0  }
0xaf: {  	[tilespmem:s7], [sflag:$0x1] =	stream.indirect.gather [hbm4b:s5+s6], $0x8, s2, s6, $0xb8;
	[tilespmem:$0x9480] =	vst v63  }
0xb0: {  	_ =	swait.ge [sflag:s14], $0x4200  }
0xb1: {  	[sflag:s14] =	ssyncset.done $0x0  }
0xb2: {  	[sflag:s14] =	ssyncadd.s32 $0xFFFFBE00  }
0xb3: {  	[hbm4b:s24+s2] =	stream.linear.scatter [tilespmem:s9], [sflag:$0x4], $0x4200, $0x38;
	[tilespmem:$0x9480] =	vst v63  }
0xb4: {  	_ =	swait.ge [sflag:s15], $0x4200  }
0xb5: {  	[sflag:s15] =	ssyncset.done $0x0  }
0xb6: {  	[sflag:s15] =	ssyncadd.s32 $0xFFFFBE00  }
0xb7: {  	[tilespmem:s6], [sflag:$0x5] =	stream.linear.gather [hbm4b:s25+s2], $0x840, $0x38;
	[tilespmem:$0x9480] =	vst v63  }
0xb8: {  	_ =	swait.ge [sflag:s4], $0x840  }
0xb9: {  	[sflag:s4] =	ssyncset.done $0x0  }
0xba: {  	[sflag:s4] =	ssyncadd.s32 $0xFFFFF7C0  }
0xbb: {  	[tilespmem:s9], [sflag:$0x2] =	stream.indirect.gather [hbm4b:s5+s6], $0x8, s6, s6, $0xb8;
	[tilespmem:$0x9480] =	vst v63  }
0xbc: {  	_ =	swait.ge [sflag:s10], $0x4200  }
0xbd: {  	[sflag:s10] =	ssyncset.done $0x0  }
0xbe: {  	[sflag:s10] =	ssyncadd.s32 $0xFFFFBE00  }
0xbf: {  	[hbm4b:s26+s2] =	stream.linear.scatter [tilespmem:s7], [sflag:$0x3], $0x4200, $0x38;
	[tilespmem:$0x9480] =	vst v63  }
0xc0: {  	_ =	swait.ge [sflag:s14], $0x4200  }
0xc1: {  	[sflag:s14] =	ssyncset.done $0x0  }
0xc2: {  	[sflag:s14] =	ssyncadd.s32 $0xFFFFBE00  }
0xc3: {  	[hbm4b:s28+s2] =	stream.linear.scatter [tilespmem:s9], [sflag:$0x4], $0x4200, $0x38;
	[tilespmem:$0x9480] =	vst v63  }
.Ltmp1:
0xc4: {  	_ =	swait.ge [sflag:s12], $0x4200;
	(pc) =	sbr.rel @p0 .LBB2_1-.Ltmp1, $4  }
0xc5: {  	[sflag:s12] =	ssyncset.done $0x0  }
0xc6: {  	[sflag:s12] =	ssyncadd.s32 $0xFFFFBE00  }
0xc7: {  	_ =	swait.ge [sflag:s15], $0x4200  }
0xc8: {  	[sflag:s15] =	ssyncset.done $0x0  }
.LBB2_2:
0xc9: {  	[sflag:s15] =	ssyncadd.s32 $0xFFFFBE00  }
0xca: {  	_ =	sfence.sel $0x180000  }
0xcb: {  	[bflag:$0x0] =	sbarrier.arrive $0xFFFF  }
0xcc: {  	p0 =	sne.s32 s0, $0x0;
	_ =	strace $0x9000004A  }
0xcd: {  	s0 =	sadd.s32 @!p0 $0x100000, s1;
	[bflag:$0x2] =	sbarrier.arrive $0xFFFF  }
0xce: {  	[sflag:s0] =	ssyncadd.tile.s32 @!p0 $0x1;
	_ =	shalt  }
.Lfunc_end2:
_tile_overlayer_lowered:
.L_overlay_start_2:
0xcf: {  	(tag) =	ssettag $0x2  }
0xd0: {  	s0 =	rddreg [dreg:$0x0];
	s2 =	stileid.u32  }
0xd1: {  	s1 =	rddreg [dreg:$0x1];
	p0 =	sne.s32 s2, $0x0  }
0xd2: {  	s3 =	rddreg [dreg:$0x2];
	[bflag:$0x3] =	sbarrier.arrive $0xFFFF;
	s2 =	simm.s32 @!p0 $0x1C05  }
0xd3: {  	[timem:s3], [sflag:s2] =	dma.local @!p0 [hbm:s0], s1  }
0xd4: {  	s0 =	simm.s32 @!p0 $0x5  }
0xd5: {  	_ =	swait.ge @!p0 [sflag:s0], s1  }
0xd6: {  	s1 =	ssub.s32 @!p0 $0x0, s1;
	[sflag:s0] =	ssyncset.done @!p0 $0x0  }
0xd7: {  	[sflag:s0] =	ssyncadd.s32 @!p0 s1  }
0xd8: {  	[bflag:$0x3] =	sbarrier.arrive $0xFFFF  }
0xd9: {  	_ =	shalt  }

</sc_bundles>
